<compile_context>
chip_gen: v7x
topology: tpu7x:2x2x1
jax: 0.10.2.dev20260603
libtpu: 0.0.44.dev20260713+nightly
codegen_flags: <defaults>
</compile_context>

<pallas_src>
import jax
import jax.numpy as jnp
from jax import lax
from jax.experimental import pallas as pl
from jax.experimental.pallas import tpu as pltpu
from jax.experimental.pallas import tpu_sc as plsc

N = 10000
D = 128
E = 320000
IMG_D = 2048
REL_IN = 1000
ATTR_IN = 1000
NAME_IN = 300
CHAR_IN = 100

NC = 2
NS = 16
NW = NC * NS
CH = 128
CHUNKS_PER_W = 80
E_PAD = NW * CHUNKS_PER_W * CH
ACC_ROWS = 10240
ROWS_PER_TILE = ACC_ROWS // NS

PCH = 16
NCHUNK = E_PAD // CH
C_CORE0 = 80
C_CORE1 = 80


def _spmm_body(dst_hbm, src_hbm, s_hbm, out,
               sidx, didx, rows0, rows1, acc, sem0, sem1):
    cid = lax.axis_index("c")
    sid = lax.axis_index("s")
    tid = sid

    def _zrow(t, c):
        for j in range(D // 16):
            rows0[t, pl.ds(j * 16, 16)] = jnp.zeros((16,), jnp.float32)
        return c
    lax.fori_loop(0, CH, _zrow, 0)
    for k in range(ROWS_PER_TILE // CH):
        pltpu.sync_copy(rows0, acc.at[pl.ds(tid * ROWS_PER_TILE + k * CH, CH)])
    plsc.subcore_barrier()

    cnt = jnp.where(cid == 0, C_CORE0, C_CORE1)
    start = cid * NS * C_CORE0 + sid * cnt
    nphase = cnt // PCH

    def _phase(p, c0):
        cb = start + p * PCH
        pltpu.sync_copy(src_hbm.at[pl.ds(cb, PCH)], sidx)
        pltpu.sync_copy(dst_hbm.at[pl.ds(cb, PCH)], didx)
        pltpu.async_copy(s_hbm.at[sidx.at[0]], rows0, sem0)

        def _pair(i, c):
            j0 = i * 2
            j1 = j0 + 1
            g1 = pltpu.async_copy(s_hbm.at[sidx.at[j1]], rows1, sem1)
            pltpu.make_async_copy(s_hbm.at[sidx.at[j0]], rows0, sem0).wait()
            pltpu.sync_copy(rows0, acc.at[didx.at[j0]], add=True)
            jn = jnp.minimum(j0 + 2, PCH - 1)
            pltpu.async_copy(s_hbm.at[sidx.at[jn]], rows0, sem0)
            g1.wait()
            pltpu.sync_copy(rows1, acc.at[didx.at[j1]], add=True)
            return c
        lax.fori_loop(0, PCH // 2, _pair, 0)
        pltpu.make_async_copy(s_hbm.at[sidx.at[0]], rows0, sem0).wait()
        return c0
    lax.fori_loop(0, nphase, _phase, 0)
    plsc.subcore_barrier()

    sl = pl.ds(tid * ROWS_PER_TILE, ROWS_PER_TILE)
    pltpu.sync_copy(acc.at[sl], out.at[cid, sl])


_SPMM_CACHE = []


def _spmm(dst_p, src_p, s):
    if not _SPMM_CACHE:
        _SPMM_CACHE.append(pl.kernel(
            _spmm_body,
            out_type=jax.ShapeDtypeStruct((NC, ACC_ROWS, D), jnp.float32),
            mesh=plsc.VectorSubcoreMesh(core_axis_name="c",
                                        subcore_axis_name="s",
                                        num_cores=NC, num_subcores=NS),
            scratch_types=[
                pltpu.VMEM((PCH, CH), jnp.int32),
                pltpu.VMEM((PCH, CH), jnp.int32),
                pltpu.VMEM((CH, D), jnp.float32),
                pltpu.VMEM((CH, D), jnp.float32),
                pltpu.VMEM_SHARED((ACC_ROWS, D), jnp.float32),
                pltpu.SemaphoreType.DMA,
                pltpu.SemaphoreType.DMA,
            ],
        ))
    return _SPMM_CACHE[0](dst_p, src_p, s)


RB = 400
GRID = N // RB


def _s1_body(x_ref, w1_ref, s1_ref):
    s1_ref[...] = jnp.dot(x_ref[...], w1_ref[...],
                          preferred_element_type=jnp.float32)


def _s1k(x, w1):
    return pl.pallas_call(
        _s1_body,
        grid=(GRID,),
        in_specs=[
            pl.BlockSpec((RB, D), lambda i: (i, 0)),
            pl.BlockSpec((D, D), lambda i: (0, 0)),
        ],
        out_specs=pl.BlockSpec((RB, D), lambda i: (i, 0)),
        out_shape=jax.ShapeDtypeStruct((N, D), jnp.float32),
        compiler_params=pltpu.CompilerParams(dimension_semantics=("arbitrary",)),
    )(x, w1)


def _enc_body(img_ref, rel_ref, att_ref, nam_ref, chr_ref,
              wi_ref, wr_ref, wa_ref, wn_ref, wc_ref,
              bi_ref, br_ref, ba_ref, bn_ref, bc_ref,
              ie_ref, re_ref, ae_ref, ne_ref, ce_ref):
    f32 = jnp.float32
    ie_ref[...] = jnp.dot(img_ref[...], wi_ref[...], preferred_element_type=f32) + bi_ref[...]
    re_ref[...] = jnp.dot(rel_ref[...], wr_ref[...], preferred_element_type=f32) + br_ref[...]
    ae_ref[...] = jnp.dot(att_ref[...], wa_ref[...], preferred_element_type=f32) + ba_ref[...]
    ne_ref[...] = jnp.dot(nam_ref[...], wn_ref[...], preferred_element_type=f32) + bn_ref[...]
    ce_ref[...] = jnp.dot(chr_ref[...], wc_ref[...], preferred_element_type=f32) + bc_ref[...]


def _enc(img, rel, att, nam, chr_, wi, wr, wa, wn, wc, bi, br, ba, bn, bc):
    row = lambda i: (i, 0)
    fix = lambda i: (0, 0)
    return pl.pallas_call(
        _enc_body,
        grid=(GRID,),
        in_specs=[
            pl.BlockSpec((RB, IMG_D), row),
            pl.BlockSpec((RB, REL_IN), row),
            pl.BlockSpec((RB, ATTR_IN), row),
            pl.BlockSpec((RB, NAME_IN), row),
            pl.BlockSpec((RB, CHAR_IN), row),
            pl.BlockSpec((IMG_D, D), fix),
            pl.BlockSpec((REL_IN, D), fix),
            pl.BlockSpec((ATTR_IN, D), fix),
            pl.BlockSpec((NAME_IN, D), fix),
            pl.BlockSpec((CHAR_IN, D), fix),
        ] + [pl.BlockSpec((1, D), fix)] * 5,
        out_specs=[pl.BlockSpec((RB, D), row)] * 5,
        out_shape=[jax.ShapeDtypeStruct((N, D), jnp.float32)] * 5,
        compiler_params=pltpu.CompilerParams(dimension_semantics=("arbitrary",)),
    )(img, rel, att, nam, chr_, wi, wr, wa, wn, wc, bi, br, ba, bn, bc)


def _mid_body(pa_ref, pb_ref, b1_ref, w2_ref, s2_ref):
    h = jnp.maximum(pa_ref[0] + pb_ref[0] + b1_ref[...], 0.0)
    s2_ref[...] = jnp.dot(h, w2_ref[...], preferred_element_type=jnp.float32)


def _mid(p, b1, w2):
    fix = lambda i: (0, 0)
    return pl.pallas_call(
        _mid_body,
        grid=(GRID,),
        in_specs=[
            pl.BlockSpec((1, RB, D), lambda i: (0, i, 0)),
            pl.BlockSpec((1, RB, D), lambda i: (1, i, 0)),
            pl.BlockSpec((1, D), fix),
            pl.BlockSpec((D, D), fix),
        ],
        out_specs=pl.BlockSpec((RB, D), lambda i: (i, 0)),
        out_shape=jax.ShapeDtypeStruct((N, D), jnp.float32),
        compiler_params=pltpu.CompilerParams(dimension_semantics=("arbitrary",)),
    )(p, p, b1, w2)


def _fin_body(pa_ref, pb_ref, b2_ref, ie_ref, re_ref, ae_ref, ne_ref, ce_ref,
              gph_ref, joint_ref, hid_ref):
    gph = pa_ref[0] + pb_ref[0] + b2_ref[...]
    gph_ref[...] = gph
    embs = (gph, re_ref[...], ae_ref[...], ie_ref[...], ne_ref[...], ce_ref[...])
    for k, e in enumerate(embs):
        hid_ref[:, k, :] = e
        nrm = jnp.sqrt(jnp.sum(e * e, axis=1, keepdims=True))
        joint_ref[:, k * D:(k + 1) * D] = e / jnp.maximum(nrm, 1e-12)


def _fin(p, b2, ie, re_, ae, ne, ce):
    row = lambda i: (i, 0)
    fix = lambda i: (0, 0)
    return pl.pallas_call(
        _fin_body,
        grid=(GRID,),
        in_specs=[
            pl.BlockSpec((1, RB, D), lambda i: (0, i, 0)),
            pl.BlockSpec((1, RB, D), lambda i: (1, i, 0)),
            pl.BlockSpec((1, D), fix),
        ] + [pl.BlockSpec((RB, D), row)] * 5,
        out_specs=[
            pl.BlockSpec((RB, D), row),
            pl.BlockSpec((RB, 6 * D), row),
            pl.BlockSpec((RB, 6, D), lambda i: (i, 0, 0)),
        ],
        out_shape=[
            jax.ShapeDtypeStruct((N, D), jnp.float32),
            jax.ShapeDtypeStruct((N, 6 * D), jnp.float32),
            jax.ShapeDtypeStruct((N, 6, D), jnp.float32),
        ],
        compiler_params=pltpu.CompilerParams(dimension_semantics=("arbitrary",)),
    )(p, p, b2, ie, re_, ae, ne, ce)


def kernel(input_idx, adj, mask, img_features, rel_features, att_features,
           name_features, char_features, entity_table,
           gc1_W, gc1_b, gc2_W, gc2_b, rel_W, rel_b, att_W, att_b,
           img_W, img_b, name_W, name_b, char_W, char_b):
    x = jnp.take(entity_table, input_idx, axis=0)
    pad = E_PAD - E
    dst_p = jnp.concatenate([adj[0], jnp.full((pad,), N, jnp.int32)])
    dst_p = dst_p.reshape(NCHUNK, CH)
    src_p = jnp.concatenate([adj[1], jnp.zeros((pad,), jnp.int32)])
    src_p = src_p.reshape(NCHUNK, CH)
    r1 = lambda v: v.reshape(1, D)

    s1 = _s1k(x, gc1_W)
    p1 = _spmm(dst_p, src_p, s1)
    img_emb, rel_emb, att_emb, name_emb, char_emb = _enc(
        img_features, rel_features, att_features, name_features,
        char_features, img_W, rel_W, att_W, name_W, char_W,
        r1(img_b), r1(rel_b), r1(att_b), r1(name_b), r1(char_b))
    s2 = _mid(p1, r1(gc1_b), gc2_W)
    p2 = _spmm(dst_p, src_p, s2)
    gph_emb, joint_emb, hidden_states = _fin(
        p2, r1(gc2_b), img_emb, rel_emb, att_emb, name_emb, char_emb)

    return (gph_emb, img_emb, rel_emb, att_emb, name_emb, char_emb,
            joint_emb, hidden_states)

# --- scband reference (transcript-rebuilt; emitter-appended) ---
"""Pipeline reference for scband-pmf-encoder-59339268161789 (READ-ONLY COPY).

The authoritative reference and input builder live on the scoring server;
editing this copy changes nothing except your own understanding.
"""

import jax, jax.numpy as jnp
import numpy as np

N = 10000
E = 320000
D = 128
IMG_D = 2048
ATTR_IN = 1000
CHAR_IN = 100
NAME_IN = 300


def _linear_params(key, fan_in, fan_out):
    kw, kb = jax.random.split(key)
    bound = 1.0 / np.sqrt(fan_in)
    W = jax.random.uniform(kw, (fan_in, fan_out), jnp.float32, -bound, bound)
    b = jax.random.uniform(kb, (fan_out,), jnp.float32, -bound, bound)
    return W, b


def setup_inputs(seed: int = 0):
    key = jax.random.key(seed)
    ks = jax.random.split(key, 16)
    inp = {}
    inp['input_idx'] = jnp.arange(N, dtype=jnp.int32)
    inp['adj'] = jax.random.randint(ks[0], (2, E), 0, N, dtype=jnp.int32)
    inp['mask'] = jnp.zeros((N,), jnp.float32)
    inp['img_features'] = jax.random.normal(ks[1], (N, IMG_D), jnp.float32)
    inp['rel_features'] = jax.random.normal(ks[2], (N, 1000), jnp.float32)
    inp['att_features'] = jax.random.normal(ks[3], (N, ATTR_IN), jnp.float32)
    inp['name_features'] = jax.random.normal(ks[4], (N, NAME_IN), jnp.float32)
    inp['char_features'] = jax.random.normal(ks[5], (N, CHAR_IN), jnp.float32)
    # learned parameters
    inp['entity_table'] = jax.random.normal(ks[6], (N, D), jnp.float32) * (1.0 / np.sqrt(N))
    inp['gc1_W'], inp['gc1_b'] = _linear_params(ks[7], D, D)
    inp['gc2_W'], inp['gc2_b'] = _linear_params(ks[8], D, D)
    inp['rel_W'], inp['rel_b'] = _linear_params(ks[9], 1000, D)
    inp['att_W'], inp['att_b'] = _linear_params(ks[10], ATTR_IN, D)
    inp['img_W'], inp['img_b'] = _linear_params(ks[11], IMG_D, D)
    inp['name_W'], inp['name_b'] = _linear_params(ks[12], NAME_IN, D)
    inp['char_W'], inp['char_b'] = _linear_params(ks[13], CHAR_IN, D)
    return inp


def _l2norm(x, eps=1e-12):
    n = jnp.sqrt(jnp.sum(x * x, axis=1, keepdims=True))
    return x / jnp.maximum(n, eps)


def _gcn(x, adj, W1, b1, W2, b2):
    # 2-layer GCN; spmm(adj, support) realized as gather + segment-sum scatter-add
    dst, src = adj[0], adj[1]
    s = x @ W1
    h = jax.ops.segment_sum(jnp.take(s, src, axis=0), dst, num_segments=N) + b1
    h = jax.nn.relu(h)
    s2 = h @ W2
    out = jax.ops.segment_sum(jnp.take(s2, src, axis=0), dst, num_segments=N) + b2
    return out


def reference(input_idx, adj, mask, img_features, rel_features, att_features,
              name_features, char_features, entity_table,
              gc1_W, gc1_b, gc2_W, gc2_b, rel_W, rel_b, att_W, att_b,
              img_W, img_b, name_W, name_b, char_W, char_b):
    x = jnp.take(entity_table, input_idx, axis=0)  # embedding lookup
    gph_emb = _gcn(x, adj, gc1_W, gc1_b, gc2_W, gc2_b)
    img_emb = img_features @ img_W + img_b
    rel_emb = rel_features @ rel_W + rel_b
    att_emb = att_features @ att_W + att_b
    name_emb = name_features @ name_W + name_b
    char_emb = char_features @ char_W + char_b
    # fusion (dict insertion order: structure, relation, attribute, image, name, char)
    embs = [gph_emb, rel_emb, att_emb, img_emb, name_emb, char_emb]
    hidden_states = jnp.stack(embs, axis=1)
    # args.with_weight == 0 -> plain L2 normalize
    normed = [_l2norm(e) for e in embs]
    joint_emb = jnp.concatenate(normed, axis=1)
    return (gph_emb, img_emb, rel_emb, att_emb, name_emb, char_emb, joint_emb, hidden_states)

if __name__ == "__main__":
    import jax
    _d = setup_inputs()
    print(jax.jit(kernel)(*tuple(_d.values())))

</pallas_src>

<mosaic_0001>
#map = affine_map<(d0, d1) -> (0, 0)>
#map1 = affine_map<(d0, d1) -> (0, 0, 0)>
module attributes {stable_mosaic.version = 14 : i64} {
  func.func @_spmm_body(%arg0: i32, %arg1: i32, %arg2: memref<2560x128xi32, #tpu.memory_space<hbm>>, %arg3: memref<2560x128xi32, #tpu.memory_space<hbm>>, %arg4: memref<10000x128xf32, #tpu.memory_space<hbm>>, %arg5: memref<2x10240x128xf32, #tpu.memory_space<hbm>>, %arg6: memref<16x128xi32, #tpu.memory_space<vmem>>, %arg7: memref<16x128xi32, #tpu.memory_space<vmem>>, %arg8: memref<128x128xf32, #tpu.memory_space<vmem>>, %arg9: memref<128x128xf32, #tpu.memory_space<vmem>>, %arg10: memref<10240x128xf32, #tpu.memory_space<vmem_shared>>, %arg11: memref<!tpu.dma_semaphore, #tpu.memory_space<semaphore_mem>>, %arg12: memref<!tpu.dma_semaphore, #tpu.memory_space<semaphore_mem>>) attributes {dimension_semantics = [#tpu.dimension_semantics<core_parallel>, #tpu.dimension_semantics<subcore_parallel>], iteration_bounds = array<i64: 2, 16>, scalar_prefetch = 0 : i64, scratch_operands = 7 : i64, tpu.core_type = #tpu.core_type<sc_vector_subcore>, window_params = [{transform_indices = #map}, {transform_indices = #map}, {transform_indices = #map}, {transform_indices = #map1}]} {
    %scan3A = arith.constant 0 : i32
    %scan3A_0 = arith.constant 0 : i32
    %scan3A_1 = arith.constant 128 : i32
    %scan3A_2 = arith.addi %scan3A_0, %scan3A_1 : i32
    %scan3A_3 = arith.constant 1 : i32
    scf.for %scan3A_61 = %scan3A_0 to %scan3A_2 step %scan3A_3  : i32 {
      %broadcast_in_dim3A = arith.constant 0.000000e+00 : f32
      %broadcast_in_dim3A_62 = vector.broadcast %broadcast_in_dim3A : f32 to vector<16xf32>
      %swap3A = arith.index_cast %scan3A_61 : i32 to index
      %swap3A_63 = arith.constant 0 : index
      %swap3A_64 = tpu.vector_load %arg8[%swap3A, %swap3A_63] {strides = array<i32>} : memref<128x128xf32, #tpu.memory_space<vmem>>, vector<1x16xf32>,
      %swap3A_65 = vector.shape_cast %swap3A_64 : vector<1x16xf32> to vector<16xf32>
      %swap3A_66 = vector.shape_cast %broadcast_in_dim3A_62 : vector<16xf32> to vector<1x16xf32>
      tpu.vector_store %arg8[%swap3A, %swap3A_63], %swap3A_66 {strides = array<i32>} : memref<128x128xf32, #tpu.memory_space<vmem>>, vector<1x16xf32>,
      %broadcast_in_dim3A_67 = arith.constant 0.000000e+00 : f32
      %broadcast_in_dim3A_68 = vector.broadcast %broadcast_in_dim3A_67 : f32 to vector<16xf32>
      %swap3A_69 = arith.index_cast %scan3A_61 : i32 to index
      %swap3A_70 = arith.constant 16 : index
      %swap3A_71 = tpu.vector_load %arg8[%swap3A_69, %swap3A_70] {strides = array<i32>} : memref<128x128xf32, #tpu.memory_space<vmem>>, vector<1x16xf32>,
      %swap3A_72 = vector.shape_cast %swap3A_71 : vector<1x16xf32> to vector<16xf32>
      %swap3A_73 = vector.shape_cast %broadcast_in_dim3A_68 : vector<16xf32> to vector<1x16xf32>
      tpu.vector_store %arg8[%swap3A_69, %swap3A_70], %swap3A_73 {strides = array<i32>} : memref<128x128xf32, #tpu.memory_space<vmem>>, vector<1x16xf32>,
      %broadcast_in_dim3A_74 = arith.constant 0.000000e+00 : f32
      %broadcast_in_dim3A_75 = vector.broadcast %broadcast_in_dim3A_74 : f32 to vector<16xf32>
      %swap3A_76 = arith.index_cast %scan3A_61 : i32 to index
      %swap3A_77 = arith.constant 32 : index
      %swap3A_78 = tpu.vector_load %arg8[%swap3A_76, %swap3A_77] {strides = array<i32>} : memref<128x128xf32, #tpu.memory_space<vmem>>, vector<1x16xf32>,
      %swap3A_79 = vector.shape_cast %swap3A_78 : vector<1x16xf32> to vector<16xf32>
      %swap3A_80 = vector.shape_cast %broadcast_in_dim3A_75 : vector<16xf32> to vector<1x16xf32>
      tpu.vector_store %arg8[%swap3A_76, %swap3A_77], %swap3A_80 {strides = array<i32>} : memref<128x128xf32, #tpu.memory_space<vmem>>, vector<1x16xf32>,
      %broadcast_in_dim3A_81 = arith.constant 0.000000e+00 : f32
      %broadcast_in_dim3A_82 = vector.broadcast %broadcast_in_dim3A_81 : f32 to vector<16xf32>
      %swap3A_83 = arith.index_cast %scan3A_61 : i32 to index
      %swap3A_84 = arith.constant 48 : index
      %swap3A_85 = tpu.vector_load %arg8[%swap3A_83, %swap3A_84] {strides = array<i32>} : memref<128x128xf32, #tpu.memory_space<vmem>>, vector<1x16xf32>,
      %swap3A_86 = vector.shape_cast %swap3A_85 : vector<1x16xf32> to vector<16xf32>
      %swap3A_87 = vector.shape_cast %broadcast_in_dim3A_82 : vector<16xf32> to vector<1x16xf32>
      tpu.vector_store %arg8[%swap3A_83, %swap3A_84], %swap3A_87 {strides = array<i32>} : memref<128x128xf32, #tpu.memory_space<vmem>>, vector<1x16xf32>,
      %broadcast_in_dim3A_88 = arith.constant 0.000000e+00 : f32
      %broadcast_in_dim3A_89 = vector.broadcast %broadcast_in_dim3A_88 : f32 to vector<16xf32>
      %swap3A_90 = arith.index_cast %scan3A_61 : i32 to index
      %swap3A_91 = arith.constant 64 : index
      %swap3A_92 = tpu.vector_load %arg8[%swap3A_90, %swap3A_91] {strides = array<i32>} : memref<128x128xf32, #tpu.memory_space<vmem>>, vector<1x16xf32>,
      %swap3A_93 = vector.shape_cast %swap3A_92 : vector<1x16xf32> to vector<16xf32>
      %swap3A_94 = vector.shape_cast %broadcast_in_dim3A_89 : vector<16xf32> to vector<1x16xf32>
      tpu.vector_store %arg8[%swap3A_90, %swap3A_91], %swap3A_94 {strides = array<i32>} : memref<128x128xf32, #tpu.memory_space<vmem>>, vector<1x16xf32>,
      %broadcast_in_dim3A_95 = arith.constant 0.000000e+00 : f32
      %broadcast_in_dim3A_96 = vector.broadcast %broadcast_in_dim3A_95 : f32 to vector<16xf32>
      %swap3A_97 = arith.index_cast %scan3A_61 : i32 to index
      %swap3A_98 = arith.constant 80 : index
      %swap3A_99 = tpu.vector_load %arg8[%swap3A_97, %swap3A_98] {strides = array<i32>} : memref<128x128xf32, #tpu.memory_space<vmem>>, vector<1x16xf32>,
      %swap3A_100 = vector.shape_cast %swap3A_99 : vector<1x16xf32> to vector<16xf32>
      %swap3A_101 = vector.shape_cast %broadcast_in_dim3A_96 : vector<16xf32> to vector<1x16xf32>
      tpu.vector_store %arg8[%swap3A_97, %swap3A_98], %swap3A_101 {strides = array<i32>} : memref<128x128xf32, #tpu.memory_space<vmem>>, vector<1x16xf32>,
      %broadcast_in_dim3A_102 = arith.constant 0.000000e+00 : f32
      %broadcast_in_dim3A_103 = vector.broadcast %broadcast_in_dim3A_102 : f32 to vector<16xf32>
      %swap3A_104 = arith.index_cast %scan3A_61 : i32 to index
      %swap3A_105 = arith.constant 96 : index
      %swap3A_106 = tpu.vector_load %arg8[%swap3A_104, %swap3A_105] {strides = array<i32>} : memref<128x128xf32, #tpu.memory_space<vmem>>, vector<1x16xf32>,
      %swap3A_107 = vector.shape_cast %swap3A_106 : vector<1x16xf32> to vector<16xf32>
      %swap3A_108 = vector.shape_cast %broadcast_in_dim3A_103 : vector<16xf32> to vector<1x16xf32>
      tpu.vector_store %arg8[%swap3A_104, %swap3A_105], %swap3A_108 {strides = array<i32>} : memref<128x128xf32, #tpu.memory_space<vmem>>, vector<1x16xf32>,
      %broadcast_in_dim3A_109 = arith.constant 0.000000e+00 : f32
      %broadcast_in_dim3A_110 = vector.broadcast %broadcast_in_dim3A_109 : f32 to vector<16xf32>
      %swap3A_111 = arith.index_cast %scan3A_61 : i32 to index
      %swap3A_112 = arith.constant 112 : index
      %swap3A_113 = tpu.vector_load %arg8[%swap3A_111, %swap3A_112] {strides = array<i32>} : memref<128x128xf32, #tpu.memory_space<vmem>>, vector<1x16xf32>,
      %swap3A_114 = vector.shape_cast %swap3A_113 : vector<1x16xf32> to vector<16xf32>
      %swap3A_115 = vector.shape_cast %broadcast_in_dim3A_110 : vector<16xf32> to vector<1x16xf32>
      tpu.vector_store %arg8[%swap3A_111, %swap3A_112], %swap3A_115 {strides = array<i32>} : memref<128x128xf32, #tpu.memory_space<vmem>>, vector<1x16xf32>,
    }
    %scan3A_4 = arith.constant 128 : i32
    %mul3A = arith.constant 640 : i32
    %mul3A_5 = arith.muli %arg1, %mul3A : i32
    %add3A = arith.constant 0 : i32
    %add3A_6 = arith.addi %mul3A_5, %add3A : i32
    "tpu.region"() ({
      %run_scoped3A = tpu.sem_alloc : memref<!tpu.dma_semaphore, #tpu.memory_space<semaphore_mem>>
      %dma_start3A = arith.constant 0 : i32
      %dma_start3A_61 = tpu.memref_slice %arg10[%add3A_6, %dma_start3A] : memref<10240x128xf32, #tpu.memory_space<vmem_shared>> -> memref<128x128xf32, #tpu.memory_space<vmem_shared>>
      %dma_start3A_62 = arith.constant 0 : i32
      %dma_start3A_63 = tpu.memref_slice %arg10[%add3A_6, %dma_start3A_62] : memref<10240x128xf32, #tpu.memory_space<vmem_shared>> -> memref<128x128xf32, #tpu.memory_space<vmem_shared>>
      tpu.enqueue_dma source(%arg8 : memref<128x128xf32, #tpu.memory_space<vmem>>) target(%dma_start3A_63 : memref<128x128xf32, #tpu.memory_space<vmem_shared>>) target_semaphore(%run_scoped3A : memref<!tpu.dma_semaphore, #tpu.memory_space<semaphore_mem>>)
      %dma_wait3A = arith.constant 0 : i32
      %dma_wait3A_64 = tpu.memref_slice %arg10[%add3A_6, %dma_wait3A] : memref<10240x128xf32, #tpu.memory_space<vmem_shared>> -> memref<128x128xf32, #tpu.memory_space<vmem_shared>>
      %dma_wait3A_65 = arith.constant 0 : i32
      %dma_wait3A_66 = tpu.memref_slice %arg10[%add3A_6, %dma_wait3A_65] : memref<10240x128xf32, #tpu.memory_space<vmem_shared>> -> memref<128x128xf32, #tpu.memory_space<vmem_shared>>
      tpu.wait_dma2 semaphore(%run_scoped3A : memref<!tpu.dma_semaphore, #tpu.memory_space<semaphore_mem>>) src(%arg8 : memref<128x128xf32, #tpu.memory_space<vmem>>) dst(%dma_wait3A_66 : memref<128x128xf32, #tpu.memory_space<vmem_shared>>)
      tpu.yield
    }) : () -> ()
    %mul3A_7 = arith.constant 640 : i32
    %mul3A_8 = arith.muli %arg1, %mul3A_7 : i32
    %add3A_9 = arith.constant 128 : i32
    %add3A_10 = arith.addi %mul3A_8, %add3A_9 : i32
    "tpu.region"() ({
      %run_scoped3A = tpu.sem_alloc : memref<!tpu.dma_semaphore, #tpu.memory_space<semaphore_mem>>
      %dma_start3A = arith.constant 0 : i32
      %dma_start3A_61 = tpu.memref_slice %arg10[%add3A_10, %dma_start3A] : memref<10240x128xf32, #tpu.memory_space<vmem_shared>> -> memref<128x128xf32, #tpu.memory_space<vmem_shared>>
      %dma_start3A_62 = arith.constant 0 : i32
      %dma_start3A_63 = tpu.memref_slice %arg10[%add3A_10, %dma_start3A_62] : memref<10240x128xf32, #tpu.memory_space<vmem_shared>> -> memref<128x128xf32, #tpu.memory_space<vmem_shared>>
      tpu.enqueue_dma source(%arg8 : memref<128x128xf32, #tpu.memory_space<vmem>>) target(%dma_start3A_63 : memref<128x128xf32, #tpu.memory_space<vmem_shared>>) target_semaphore(%run_scoped3A : memref<!tpu.dma_semaphore, #tpu.memory_space<semaphore_mem>>)
      %dma_wait3A = arith.constant 0 : i32
      %dma_wait3A_64 = tpu.memref_slice %arg10[%add3A_10, %dma_wait3A] : memref<10240x128xf32, #tpu.memory_space<vmem_shared>> -> memref<128x128xf32, #tpu.memory_space<vmem_shared>>
      %dma_wait3A_65 = arith.constant 0 : i32
      %dma_wait3A_66 = tpu.memref_slice %arg10[%add3A_10, %dma_wait3A_65] : memref<10240x128xf32, #tpu.memory_space<vmem_shared>> -> memref<128x128xf32, #tpu.memory_space<vmem_shared>>
      tpu.wait_dma2 semaphore(%run_scoped3A : memref<!tpu.dma_semaphore, #tpu.memory_space<semaphore_mem>>) src(%arg8 : memref<128x128xf32, #tpu.memory_space<vmem>>) dst(%dma_wait3A_66 : memref<128x128xf32, #tpu.memory_space<vmem_shared>>)
      tpu.yield
    }) : () -> ()
    %mul3A_11 = arith.constant 640 : i32
    %mul3A_12 = arith.muli %arg1, %mul3A_11 : i32
    %add3A_13 = arith.constant 256 : i32
    %add3A_14 = arith.addi %mul3A_12, %add3A_13 : i32
    "tpu.region"() ({
      %run_scoped3A = tpu.sem_alloc : memref<!tpu.dma_semaphore, #tpu.memory_space<semaphore_mem>>
      %dma_start3A = arith.constant 0 : i32
      %dma_start3A_61 = tpu.memref_slice %arg10[%add3A_14, %dma_start3A] : memref<10240x128xf32, #tpu.memory_space<vmem_shared>> -> memref<128x128xf32, #tpu.memory_space<vmem_shared>>
      %dma_start3A_62 = arith.constant 0 : i32
      %dma_start3A_63 = tpu.memref_slice %arg10[%add3A_14, %dma_start3A_62] : memref<10240x128xf32, #tpu.memory_space<vmem_shared>> -> memref<128x128xf32, #tpu.memory_space<vmem_shared>>
      tpu.enqueue_dma source(%arg8 : memref<128x128xf32, #tpu.memory_space<vmem>>) target(%dma_start3A_63 : memref<128x128xf32, #tpu.memory_space<vmem_shared>>) target_semaphore(%run_scoped3A : memref<!tpu.dma_semaphore, #tpu.memory_space<semaphore_mem>>)
      %dma_wait3A = arith.constant 0 : i32
      %dma_wait3A_64 = tpu.memref_slice %arg10[%add3A_14, %dma_wait3A] : memref<10240x128xf32, #tpu.memory_space<vmem_shared>> -> memref<128x128xf32, #tpu.memory_space<vmem_shared>>
      %dma_wait3A_65 = arith.constant 0 : i32
      %dma_wait3A_66 = tpu.memref_slice %arg10[%add3A_14, %dma_wait3A_65] : memref<10240x128xf32, #tpu.memory_space<vmem_shared>> -> memref<128x128xf32, #tpu.memory_space<vmem_shared>>
      tpu.wait_dma2 semaphore(%run_scoped3A : memref<!tpu.dma_semaphore, #tpu.memory_space<semaphore_mem>>) src(%arg8 : memref<128x128xf32, #tpu.memory_space<vmem>>) dst(%dma_wait3A_66 : memref<128x128xf32, #tpu.memory_space<vmem_shared>>)
      tpu.yield
    }) : () -> ()
    %mul3A_15 = arith.constant 640 : i32
    %mul3A_16 = arith.muli %arg1, %mul3A_15 : i32
    %add3A_17 = arith.constant 384 : i32
    %add3A_18 = arith.addi %mul3A_16, %add3A_17 : i32
    "tpu.region"() ({
      %run_scoped3A = tpu.sem_alloc : memref<!tpu.dma_semaphore, #tpu.memory_space<semaphore_mem>>
      %dma_start3A = arith.constant 0 : i32
      %dma_start3A_61 = tpu.memref_slice %arg10[%add3A_18, %dma_start3A] : memref<10240x128xf32, #tpu.memory_space<vmem_shared>> -> memref<128x128xf32, #tpu.memory_space<vmem_shared>>
      %dma_start3A_62 = arith.constant 0 : i32
      %dma_start3A_63 = tpu.memref_slice %arg10[%add3A_18, %dma_start3A_62] : memref<10240x128xf32, #tpu.memory_space<vmem_shared>> -> memref<128x128xf32, #tpu.memory_space<vmem_shared>>
      tpu.enqueue_dma source(%arg8 : memref<128x128xf32, #tpu.memory_space<vmem>>) target(%dma_start3A_63 : memref<128x128xf32, #tpu.memory_space<vmem_shared>>) target_semaphore(%run_scoped3A : memref<!tpu.dma_semaphore, #tpu.memory_space<semaphore_mem>>)
      %dma_wait3A = arith.constant 0 : i32
      %dma_wait3A_64 = tpu.memref_slice %arg10[%add3A_18, %dma_wait3A] : memref<10240x128xf32, #tpu.memory_space<vmem_shared>> -> memref<128x128xf32, #tpu.memory_space<vmem_shared>>
      %dma_wait3A_65 = arith.constant 0 : i32
      %dma_wait3A_66 = tpu.memref_slice %arg10[%add3A_18, %dma_wait3A_65] : memref<10240x128xf32, #tpu.memory_space<vmem_shared>> -> memref<128x128xf32, #tpu.memory_space<vmem_shared>>
      tpu.wait_dma2 semaphore(%run_scoped3A : memref<!tpu.dma_semaphore, #tpu.memory_space<semaphore_mem>>) src(%arg8 : memref<128x128xf32, #tpu.memory_space<vmem>>) dst(%dma_wait3A_66 : memref<128x128xf32, #tpu.memory_space<vmem_shared>>)
      tpu.yield
    }) : () -> ()
    %mul3A_19 = arith.constant 640 : i32
    %mul3A_20 = arith.muli %arg1, %mul3A_19 : i32
    %add3A_21 = arith.constant 512 : i32
    %add3A_22 = arith.addi %mul3A_20, %add3A_21 : i32
    "tpu.region"() ({
      %run_scoped3A = tpu.sem_alloc : memref<!tpu.dma_semaphore, #tpu.memory_space<semaphore_mem>>
      %dma_start3A = arith.constant 0 : i32
      %dma_start3A_61 = tpu.memref_slice %arg10[%add3A_22, %dma_start3A] : memref<10240x128xf32, #tpu.memory_space<vmem_shared>> -> memref<128x128xf32, #tpu.memory_space<vmem_shared>>
      %dma_start3A_62 = arith.constant 0 : i32
      %dma_start3A_63 = tpu.memref_slice %arg10[%add3A_22, %dma_start3A_62] : memref<10240x128xf32, #tpu.memory_space<vmem_shared>> -> memref<128x128xf32, #tpu.memory_space<vmem_shared>>
      tpu.enqueue_dma source(%arg8 : memref<128x128xf32, #tpu.memory_space<vmem>>) target(%dma_start3A_63 : memref<128x128xf32, #tpu.memory_space<vmem_shared>>) target_semaphore(%run_scoped3A : memref<!tpu.dma_semaphore, #tpu.memory_space<semaphore_mem>>)
      %dma_wait3A = arith.constant 0 : i32
      %dma_wait3A_64 = tpu.memref_slice %arg10[%add3A_22, %dma_wait3A] : memref<10240x128xf32, #tpu.memory_space<vmem_shared>> -> memref<128x128xf32, #tpu.memory_space<vmem_shared>>
      %dma_wait3A_65 = arith.constant 0 : i32
      %dma_wait3A_66 = tpu.memref_slice %arg10[%add3A_22, %dma_wait3A_65] : memref<10240x128xf32, #tpu.memory_space<vmem_shared>> -> memref<128x128xf32, #tpu.memory_space<vmem_shared>>
      tpu.wait_dma2 semaphore(%run_scoped3A : memref<!tpu.dma_semaphore, #tpu.memory_space<semaphore_mem>>) src(%arg8 : memref<128x128xf32, #tpu.memory_space<vmem>>) dst(%dma_wait3A_66 : memref<128x128xf32, #tpu.memory_space<vmem_shared>>)
      tpu.yield
    }) : () -> ()
    %barrier3A = arith.constant 0 : index
    tpu.barrier barrier_id(%barrier3A)
    %eq3A = arith.constant 0 : i32
    %eq3A_23 = arith.cmpi eq, %arg0, %eq3A : i32
    %jit3A = arith.constant 80 : i32
    %jit3A_24 = arith.constant 80 : i32
    %select_n3A = arith.select %eq3A_23, %jit3A, %jit3A_24 : i32
    %mul3A_25 = arith.constant 16 : i32
    %mul3A_26 = arith.muli %arg0, %mul3A_25 : i32
    %mul3A_27 = arith.constant 80 : i32
    %mul3A_28 = arith.muli %mul3A_26, %mul3A_27 : i32
    %mul3A_29 = arith.muli %arg1, %select_n3A : i32
    %add3A_30 = arith.addi %mul3A_28, %mul3A_29 : i32
    %jit3A_31 = arith.constant 16 : i32
    %div3A = arith.divsi %select_n3A, %jit3A_31 : i32
    %sign3A = arith.constant 0 : i32
    %sign3A_32 = arith.cmpi sgt, %select_n3A, %sign3A : i32
    %sign3A_33 = arith.extui %sign3A_32 : i1 to i32
    %sign3A_34 = arith.constant 0 : i32
    %sign3A_35 = arith.cmpi slt, %select_n3A, %sign3A_34 : i32
    %sign3A_36 = arith.extui %sign3A_35 : i1 to i32
    %sign3A_37 = arith.subi %sign3A_33, %sign3A_36 : i32
    %sign3A_38 = arith.constant 0 : i32
    %sign3A_39 = arith.cmpi sgt, %jit3A_31, %sign3A_38 : i32
    %sign3A_40 = arith.extui %sign3A_39 : i1 to i32
    %sign3A_41 = arith.constant 0 : i32
    %sign3A_42 = arith.cmpi slt, %jit3A_31, %sign3A_41 : i32
    %sign3A_43 = arith.extui %sign3A_42 : i1 to i32
    %sign3A_44 = arith.subi %sign3A_40, %sign3A_43 : i32
    %ne3A = arith.cmpi ne, %sign3A_37, %sign3A_44 : i32
    %rem3A = arith.remsi %select_n3A, %jit3A_31 : i32
    %ne3A_45 = arith.constant 0 : i32
    %ne3A_46 = arith.cmpi ne, %rem3A, %ne3A_45 : i32
    %and3A = arith.andi %ne3A, %ne3A_46 : i1
    %sub3A = arith.constant 1 : i32
    %sub3A_47 = arith.subi %div3A, %sub3A : i32
    %select_n3A_48 = arith.select %and3A, %sub3A_47, %div3A : i32
    %while3A = arith.constant 0 : i32
    %while3A_49 = arith.constant 0 : i32
    %while3A_50 = arith.subi %select_n3A_48, %while3A_49 : i32
    %while3A_51 = arith.addi %while3A_49, %while3A_50 : i32
    %while3A_52 = arith.constant 1 : i32
    %while3A_53 = arith.divsi %while3A_50, %while3A_52 : i32
    %while3A_54 = arith.muli %while3A_53, %while3A_52 : i32
    %while3A_55 = arith.addi %while3A_49, %while3A_54 : i32
    %while3A_56 = arith.constant 1 : i32
    scf.for %while3A_61 = %while3A_49 to %while3A_55 step %while3A_56  : i32 {
      %mul3A_62 = arith.constant 16 : i32
      %mul3A_63 = arith.muli %while3A_61, %mul3A_62 : i32
      %add3A_64 = arith.addi %add3A_30, %mul3A_63 : i32
      "tpu.region"() ({
        %run_scoped3A = tpu.sem_alloc : memref<!tpu.dma_semaphore, #tpu.memory_space<semaphore_mem>>
        %dma_start3A_83 = arith.constant 0 : i32
        %dma_start3A_84 = tpu.memref_slice %arg3[%add3A_64, %dma_start3A_83] : memref<2560x128xi32, #tpu.memory_space<hbm>> -> memref<16x128xi32, #tpu.memory_space<hbm>>
        %dma_start3A_85 = arith.constant 0 : i32
        %dma_start3A_86 = tpu.memref_slice %arg3[%add3A_64, %dma_start3A_85] : memref<2560x128xi32, #tpu.memory_space<hbm>> -> memref<16x128xi32, #tpu.memory_space<hbm>>
        tpu.enqueue_dma source(%dma_start3A_86 : memref<16x128xi32, #tpu.memory_space<hbm>>) target(%arg6 : memref<16x128xi32, #tpu.memory_space<vmem>>) target_semaphore(%run_scoped3A : memref<!tpu.dma_semaphore, #tpu.memory_space<semaphore_mem>>)
        %dma_wait3A_87 = arith.constant 0 : i32
        %dma_wait3A_88 = tpu.memref_slice %arg3[%add3A_64, %dma_wait3A_87] : memref<2560x128xi32, #tpu.memory_space<hbm>> -> memref<16x128xi32, #tpu.memory_space<hbm>>
        %dma_wait3A_89 = arith.constant 0 : i32
        %dma_wait3A_90 = tpu.memref_slice %arg3[%add3A_64, %dma_wait3A_89] : memref<2560x128xi32, #tpu.memory_space<hbm>> -> memref<16x128xi32, #tpu.memory_space<hbm>>
        tpu.wait_dma2 semaphore(%run_scoped3A : memref<!tpu.dma_semaphore, #tpu.memory_space<semaphore_mem>>) src(%dma_wait3A_90 : memref<16x128xi32, #tpu.memory_space<hbm>>) dst(%arg6 : memref<16x128xi32, #tpu.memory_space<vmem>>)
        tpu.yield
      }) : () -> ()
      "tpu.region"() ({
        %run_scoped3A = tpu.sem_alloc : memref<!tpu.dma_semaphore, #tpu.memory_space<semaphore_mem>>
        %dma_start3A_83 = arith.constant 0 : i32
        %dma_start3A_84 = tpu.memref_slice %arg2[%add3A_64, %dma_start3A_83] : memref<2560x128xi32, #tpu.memory_space<hbm>> -> memref<16x128xi32, #tpu.memory_space<hbm>>
        %dma_start3A_85 = arith.constant 0 : i32
        %dma_start3A_86 = tpu.memref_slice %arg2[%add3A_64, %dma_start3A_85] : memref<2560x128xi32, #tpu.memory_space<hbm>> -> memref<16x128xi32, #tpu.memory_space<hbm>>
        tpu.enqueue_dma source(%dma_start3A_86 : memref<16x128xi32, #tpu.memory_space<hbm>>) target(%arg7 : memref<16x128xi32, #tpu.memory_space<vmem>>) target_semaphore(%run_scoped3A : memref<!tpu.dma_semaphore, #tpu.memory_space<semaphore_mem>>)
        %dma_wait3A_87 = arith.constant 0 : i32
        %dma_wait3A_88 = tpu.memref_slice %arg2[%add3A_64, %dma_wait3A_87] : memref<2560x128xi32, #tpu.memory_space<hbm>> -> memref<16x128xi32, #tpu.memory_space<hbm>>
        %dma_wait3A_89 = arith.constant 0 : i32
        %dma_wait3A_90 = tpu.memref_slice %arg2[%add3A_64, %dma_wait3A_89] : memref<2560x128xi32, #tpu.memory_space<hbm>> -> memref<16x128xi32, #tpu.memory_space<hbm>>
        tpu.wait_dma2 semaphore(%run_scoped3A : memref<!tpu.dma_semaphore, #tpu.memory_space<semaphore_mem>>) src(%dma_wait3A_90 : memref<16x128xi32, #tpu.memory_space<hbm>>) dst(%arg7 : memref<16x128xi32, #tpu.memory_space<vmem>>)
        tpu.yield
      }) : () -> ()
      %dma_start3A = arith.constant 0 : i32
      %dma_start3A_65 = arith.constant 0 : i32
      %dma_start3A_66 = tpu.memref_slice %arg6[%dma_start3A, %dma_start3A_65] : memref<16x128xi32, #tpu.memory_space<vmem>> -> memref<1x128xi32, #tpu.memory_space<vmem>>
      %dma_start3A_67 = tpu.memref_squeeze %dma_start3A_66 : memref<1x128xi32, #tpu.memory_space<vmem>> -> memref<128xi32, #tpu.memory_space<vmem>>
      %dma_start3A_68 = arith.constant 0 : i32
      %dma_start3A_69 = arith.constant 0 : i32
      %dma_start3A_70 = tpu.memref_slice %arg4[%dma_start3A_68, %dma_start3A_69] : memref<10000x128xf32, #tpu.memory_space<hbm>> -> memref<10000x128xf32, #tpu.memory_space<hbm>>
      tpu.enqueue_indirect_dma source(%dma_start3A_70 : memref<10000x128xf32, #tpu.memory_space<hbm>>) target(%arg8 : memref<128x128xf32, #tpu.memory_space<vmem>>) offsets(%dma_start3A_67 : memref<128xi32, #tpu.memory_space<vmem>>) semaphore(%arg11 : memref<!tpu.dma_semaphore, #tpu.memory_space<semaphore_mem>>)
      %scan3A_71 = arith.constant 0 : i32
      %scan3A_72 = arith.constant 0 : i32
      %scan3A_73 = arith.constant 8 : i32
      %scan3A_74 = arith.addi %scan3A_72, %scan3A_73 : i32
      %scan3A_75 = arith.constant 1 : i32
      scf.for %scan3A_83 = %scan3A_72 to %scan3A_74 step %scan3A_75  : i32 {
        %mul3A_84 = arith.constant 2 : i32
        %mul3A_85 = arith.muli %scan3A_83, %mul3A_84 : i32
        %add3A_86 = arith.constant 1 : i32
        %add3A_87 = arith.addi %mul3A_85, %add3A_86 : i32
        %dma_start3A_88 = arith.constant 0 : i32
        %dma_start3A_89 = tpu.memref_slice %arg6[%add3A_87, %dma_start3A_88] : memref<16x128xi32, #tpu.memory_space<vmem>> -> memref<1x128xi32, #tpu.memory_space<vmem>>
        %dma_start3A_90 = tpu.memref_squeeze %dma_start3A_89 : memref<1x128xi32, #tpu.memory_space<vmem>> -> memref<128xi32, #tpu.memory_space<vmem>>
        %dma_start3A_91 = arith.constant 0 : i32
        %dma_start3A_92 = arith.constant 0 : i32
        %dma_start3A_93 = tpu.memref_slice %arg4[%dma_start3A_91, %dma_start3A_92] : memref<10000x128xf32, #tpu.memory_space<hbm>> -> memref<10000x128xf32, #tpu.memory_space<hbm>>
        tpu.enqueue_indirect_dma source(%dma_start3A_93 : memref<10000x128xf32, #tpu.memory_space<hbm>>) target(%arg9 : memref<128x128xf32, #tpu.memory_space<vmem>>) offsets(%dma_start3A_90 : memref<128xi32, #tpu.memory_space<vmem>>) semaphore(%arg12 : memref<!tpu.dma_semaphore, #tpu.memory_space<semaphore_mem>>)
        %dma_wait3A_94 = arith.constant 0 : i32
        %dma_wait3A_95 = tpu.memref_slice %arg6[%mul3A_85, %dma_wait3A_94] : memref<16x128xi32, #tpu.memory_space<vmem>> -> memref<1x128xi32, #tpu.memory_space<vmem>>
        %dma_wait3A_96 = tpu.memref_squeeze %dma_wait3A_95 : memref<1x128xi32, #tpu.memory_space<vmem>> -> memref<128xi32, #tpu.memory_space<vmem>>
        %dma_wait3A_97 = arith.constant 0 : i32
        %dma_wait3A_98 = arith.constant 0 : i32
        %dma_wait3A_99 = tpu.memref_slice %arg4[%dma_wait3A_97, %dma_wait3A_98] : memref<10000x128xf32, #tpu.memory_space<hbm>> -> memref<10000x128xf32, #tpu.memory_space<hbm>>
        tpu.wait_indirect_dma semaphore(%arg11 : memref<!tpu.dma_semaphore, #tpu.memory_space<semaphore_mem>>) src(%dma_wait3A_99 : memref<10000x128xf32, #tpu.memory_space<hbm>>) dst(%arg8 : memref<128x128xf32, #tpu.memory_space<vmem>>)
        "tpu.region"() ({
          %run_scoped3A = tpu.sem_alloc : memref<!tpu.dma_semaphore, #tpu.memory_space<semaphore_mem>>
          %dma_start3A_115 = arith.constant 0 : i32
          %dma_start3A_116 = tpu.memref_slice %arg7[%mul3A_85, %dma_start3A_115] : memref<16x128xi32, #tpu.memory_space<vmem>> -> memref<1x128xi32, #tpu.memory_space<vmem>>
          %dma_start3A_117 = tpu.memref_squeeze %dma_start3A_116 : memref<1x128xi32, #tpu.memory_space<vmem>> -> memref<128xi32, #tpu.memory_space<vmem>>
          %dma_start3A_118 = arith.constant 0 : i32
          %dma_start3A_119 = arith.constant 0 : i32
          %dma_start3A_120 = tpu.memref_slice %arg10[%dma_start3A_118, %dma_start3A_119] : memref<10240x128xf32, #tpu.memory_space<vmem_shared>> -> memref<10240x128xf32, #tpu.memory_space<vmem_shared>>
          tpu.enqueue_indirect_dma source(%arg8 : memref<128x128xf32, #tpu.memory_space<vmem>>) target(%dma_start3A_120 : memref<10240x128xf32, #tpu.memory_space<vmem_shared>>) offsets(%dma_start3A_117 : memref<128xi32, #tpu.memory_space<vmem>>) semaphore(%run_scoped3A : memref<!tpu.dma_semaphore, #tpu.memory_space<semaphore_mem>>) {add = true}
          %dma_wait3A_121 = arith.constant 0 : i32
          %dma_wait3A_122 = tpu.memref_slice %arg7[%mul3A_85, %dma_wait3A_121] : memref<16x128xi32, #tpu.memory_space<vmem>> -> memref<1x128xi32, #tpu.memory_space<vmem>>
          %dma_wait3A_123 = tpu.memref_squeeze %dma_wait3A_122 : memref<1x128xi32, #tpu.memory_space<vmem>> -> memref<128xi32, #tpu.memory_space<vmem>>
          %dma_wait3A_124 = arith.constant 0 : i32
          %dma_wait3A_125 = arith.constant 0 : i32
          %dma_wait3A_126 = tpu.memref_slice %arg10[%dma_wait3A_124, %dma_wait3A_125] : memref<10240x128xf32, #tpu.memory_space<vmem_shared>> -> memref<10240x128xf32, #tpu.memory_space<vmem_shared>>
          tpu.wait_indirect_dma semaphore(%run_scoped3A : memref<!tpu.dma_semaphore, #tpu.memory_space<semaphore_mem>>) src(%arg8 : memref<128x128xf32, #tpu.memory_space<vmem>>) dst(%dma_wait3A_126 : memref<10240x128xf32, #tpu.memory_space<vmem_shared>>)
          tpu.yield
        }) : () -> ()
        %add3A_100 = arith.constant 2 : i32
        %add3A_101 = arith.addi %mul3A_85, %add3A_100 : i32
        %min3A = arith.constant 15 : i32
        %min3A_102 = arith.minsi %add3A_101, %min3A : i32
        %dma_start3A_103 = arith.constant 0 : i32
        %dma_start3A_104 = tpu.memref_slice %arg6[%min3A_102, %dma_start3A_103] : memref<16x128xi32, #tpu.memory_space<vmem>> -> memref<1x128xi32, #tpu.memory_space<vmem>>
        %dma_start3A_105 = tpu.memref_squeeze %dma_start3A_104 : memref<1x128xi32, #tpu.memory_space<vmem>> -> memref<128xi32, #tpu.memory_space<vmem>>
        %dma_start3A_106 = arith.constant 0 : i32
        %dma_start3A_107 = arith.constant 0 : i32
        %dma_start3A_108 = tpu.memref_slice %arg4[%dma_start3A_106, %dma_start3A_107] : memref<10000x128xf32, #tpu.memory_space<hbm>> -> memref<10000x128xf32, #tpu.memory_space<hbm>>
        tpu.enqueue_indirect_dma source(%dma_start3A_108 : memref<10000x128xf32, #tpu.memory_space<hbm>>) target(%arg8 : memref<128x128xf32, #tpu.memory_space<vmem>>) offsets(%dma_start3A_105 : memref<128xi32, #tpu.memory_space<vmem>>) semaphore(%arg11 : memref<!tpu.dma_semaphore, #tpu.memory_space<semaphore_mem>>)
        %dma_wait3A_109 = arith.constant 0 : i32
        %dma_wait3A_110 = tpu.memref_slice %arg6[%add3A_87, %dma_wait3A_109] : memref<16x128xi32, #tpu.memory_space<vmem>> -> memref<1x128xi32, #tpu.memory_space<vmem>>
        %dma_wait3A_111 = tpu.memref_squeeze %dma_wait3A_110 : memref<1x128xi32, #tpu.memory_space<vmem>> -> memref<128xi32, #tpu.memory_space<vmem>>
        %dma_wait3A_112 = arith.constant 0 : i32
        %dma_wait3A_113 = arith.constant 0 : i32
        %dma_wait3A_114 = tpu.memref_slice %arg4[%dma_wait3A_112, %dma_wait3A_113] : memref<10000x128xf32, #tpu.memory_space<hbm>> -> memref<10000x128xf32, #tpu.memory_space<hbm>>
        tpu.wait_indirect_dma semaphore(%arg12 : memref<!tpu.dma_semaphore, #tpu.memory_space<semaphore_mem>>) src(%dma_wait3A_114 : memref<10000x128xf32, #tpu.memory_space<hbm>>) dst(%arg9 : memref<128x128xf32, #tpu.memory_space<vmem>>)
        "tpu.region"() ({
          %run_scoped3A = tpu.sem_alloc : memref<!tpu.dma_semaphore, #tpu.memory_space<semaphore_mem>>
          %dma_start3A_115 = arith.constant 0 : i32
          %dma_start3A_116 = tpu.memref_slice %arg7[%add3A_87, %dma_start3A_115] : memref<16x128xi32, #tpu.memory_space<vmem>> -> memref<1x128xi32, #tpu.memory_space<vmem>>
          %dma_start3A_117 = tpu.memref_squeeze %dma_start3A_116 : memref<1x128xi32, #tpu.memory_space<vmem>> -> memref<128xi32, #tpu.memory_space<vmem>>
          %dma_start3A_118 = arith.constant 0 : i32
          %dma_start3A_119 = arith.constant 0 : i32
          %dma_start3A_120 = tpu.memref_slice %arg10[%dma_start3A_118, %dma_start3A_119] : memref<10240x128xf32, #tpu.memory_space<vmem_shared>> -> memref<10240x128xf32, #tpu.memory_space<vmem_shared>>
          tpu.enqueue_indirect_dma source(%arg9 : memref<128x128xf32, #tpu.memory_space<vmem>>) target(%dma_start3A_120 : memref<10240x128xf32, #tpu.memory_space<vmem_shared>>) offsets(%dma_start3A_117 : memref<128xi32, #tpu.memory_space<vmem>>) semaphore(%run_scoped3A : memref<!tpu.dma_semaphore, #tpu.memory_space<semaphore_mem>>) {add = true}
          %dma_wait3A_121 = arith.constant 0 : i32
          %dma_wait3A_122 = tpu.memref_slice %arg7[%add3A_87, %dma_wait3A_121] : memref<16x128xi32, #tpu.memory_space<vmem>> -> memref<1x128xi32, #tpu.memory_space<vmem>>
          %dma_wait3A_123 = tpu.memref_squeeze %dma_wait3A_122 : memref<1x128xi32, #tpu.memory_space<vmem>> -> memref<128xi32, #tpu.memory_space<vmem>>
          %dma_wait3A_124 = arith.constant 0 : i32
          %dma_wait3A_125 = arith.constant 0 : i32
          %dma_wait3A_126 = tpu.memref_slice %arg10[%dma_wait3A_124, %dma_wait3A_125] : memref<10240x128xf32, #tpu.memory_space<vmem_shared>> -> memref<10240x128xf32, #tpu.memory_space<vmem_shared>>
          tpu.wait_indirect_dma semaphore(%run_scoped3A : memref<!tpu.dma_semaphore, #tpu.memory_space<semaphore_mem>>) src(%arg9 : memref<128x128xf32, #tpu.memory_space<vmem>>) dst(%dma_wait3A_126 : memref<10240x128xf32, #tpu.memory_space<vmem_shared>>)
          tpu.yield
        }) : () -> ()
      }
      %scan3A_76 = arith.constant 8 : i32
      %dma_wait3A = arith.constant 0 : i32
      %dma_wait3A_77 = arith.constant 0 : i32
      %dma_wait3A_78 = tpu.memref_slice %arg6[%dma_wait3A, %dma_wait3A_77] : memref<16x128xi32, #tpu.memory_space<vmem>> -> memref<1x128xi32, #tpu.memory_space<vmem>>
      %dma_wait3A_79 = tpu.memref_squeeze %dma_wait3A_78 : memref<1x128xi32, #tpu.memory_space<vmem>> -> memref<128xi32, #tpu.memory_space<vmem>>
      %dma_wait3A_80 = arith.constant 0 : i32
      %dma_wait3A_81 = arith.constant 0 : i32
      %dma_wait3A_82 = tpu.memref_slice %arg4[%dma_wait3A_80, %dma_wait3A_81] : memref<10000x128xf32, #tpu.memory_space<hbm>> -> memref<10000x128xf32, #tpu.memory_space<hbm>>
      tpu.wait_indirect_dma semaphore(%arg11 : memref<!tpu.dma_semaphore, #tpu.memory_space<semaphore_mem>>) src(%dma_wait3A_82 : memref<10000x128xf32, #tpu.memory_space<hbm>>) dst(%arg8 : memref<128x128xf32, #tpu.memory_space<vmem>>)
    }
    %while3A_57 = arith.constant 1 : i32
    scf.for %while3A_61 = %while3A_55 to %while3A_51 step %while3A_57  : i32 {
      %mul3A_62 = arith.constant 16 : i32
      %mul3A_63 = arith.muli %while3A_61, %mul3A_62 : i32
      %add3A_64 = arith.addi %add3A_30, %mul3A_63 : i32
      "tpu.region"() ({
        %run_scoped3A = tpu.sem_alloc : memref<!tpu.dma_semaphore, #tpu.memory_space<semaphore_mem>>
        %dma_start3A_83 = arith.constant 0 : i32
        %dma_start3A_84 = tpu.memref_slice %arg3[%add3A_64, %dma_start3A_83] : memref<2560x128xi32, #tpu.memory_space<hbm>> -> memref<16x128xi32, #tpu.memory_space<hbm>>
        %dma_start3A_85 = arith.constant 0 : i32
        %dma_start3A_86 = tpu.memref_slice %arg3[%add3A_64, %dma_start3A_85] : memref<2560x128xi32, #tpu.memory_space<hbm>> -> memref<16x128xi32, #tpu.memory_space<hbm>>
        tpu.enqueue_dma source(%dma_start3A_86 : memref<16x128xi32, #tpu.memory_space<hbm>>) target(%arg6 : memref<16x128xi32, #tpu.memory_space<vmem>>) target_semaphore(%run_scoped3A : memref<!tpu.dma_semaphore, #tpu.memory_space<semaphore_mem>>)
        %dma_wait3A_87 = arith.constant 0 : i32
        %dma_wait3A_88 = tpu.memref_slice %arg3[%add3A_64, %dma_wait3A_87] : memref<2560x128xi32, #tpu.memory_space<hbm>> -> memref<16x128xi32, #tpu.memory_space<hbm>>
        %dma_wait3A_89 = arith.constant 0 : i32
        %dma_wait3A_90 = tpu.memref_slice %arg3[%add3A_64, %dma_wait3A_89] : memref<2560x128xi32, #tpu.memory_space<hbm>> -> memref<16x128xi32, #tpu.memory_space<hbm>>
        tpu.wait_dma2 semaphore(%run_scoped3A : memref<!tpu.dma_semaphore, #tpu.memory_space<semaphore_mem>>) src(%dma_wait3A_90 : memref<16x128xi32, #tpu.memory_space<hbm>>) dst(%arg6 : memref<16x128xi32, #tpu.memory_space<vmem>>)
        tpu.yield
      }) : () -> ()
      "tpu.region"() ({
        %run_scoped3A = tpu.sem_alloc : memref<!tpu.dma_semaphore, #tpu.memory_space<semaphore_mem>>
        %dma_start3A_83 = arith.constant 0 : i32
        %dma_start3A_84 = tpu.memref_slice %arg2[%add3A_64, %dma_start3A_83] : memref<2560x128xi32, #tpu.memory_space<hbm>> -> memref<16x128xi32, #tpu.memory_space<hbm>>
        %dma_start3A_85 = arith.constant 0 : i32
        %dma_start3A_86 = tpu.memref_slice %arg2[%add3A_64, %dma_start3A_85] : memref<2560x128xi32, #tpu.memory_space<hbm>> -> memref<16x128xi32, #tpu.memory_space<hbm>>
        tpu.enqueue_dma source(%dma_start3A_86 : memref<16x128xi32, #tpu.memory_space<hbm>>) target(%arg7 : memref<16x128xi32, #tpu.memory_space<vmem>>) target_semaphore(%run_scoped3A : memref<!tpu.dma_semaphore, #tpu.memory_space<semaphore_mem>>)
        %dma_wait3A_87 = arith.constant 0 : i32
        %dma_wait3A_88 = tpu.memref_slice %arg2[%add3A_64, %dma_wait3A_87] : memref<2560x128xi32, #tpu.memory_space<hbm>> -> memref<16x128xi32, #tpu.memory_space<hbm>>
        %dma_wait3A_89 = arith.constant 0 : i32
        %dma_wait3A_90 = tpu.memref_slice %arg2[%add3A_64, %dma_wait3A_89] : memref<2560x128xi32, #tpu.memory_space<hbm>> -> memref<16x128xi32, #tpu.memory_space<hbm>>
        tpu.wait_dma2 semaphore(%run_scoped3A : memref<!tpu.dma_semaphore, #tpu.memory_space<semaphore_mem>>) src(%dma_wait3A_90 : memref<16x128xi32, #tpu.memory_space<hbm>>) dst(%arg7 : memref<16x128xi32, #tpu.memory_space<vmem>>)
        tpu.yield
      }) : () -> ()
      %dma_start3A = arith.constant 0 : i32
      %dma_start3A_65 = arith.constant 0 : i32
      %dma_start3A_66 = tpu.memref_slice %arg6[%dma_start3A, %dma_start3A_65] : memref<16x128xi32, #tpu.memory_space<vmem>> -> memref<1x128xi32, #tpu.memory_space<vmem>>
      %dma_start3A_67 = tpu.memref_squeeze %dma_start3A_66 : memref<1x128xi32, #tpu.memory_space<vmem>> -> memref<128xi32, #tpu.memory_space<vmem>>
      %dma_start3A_68 = arith.constant 0 : i32
      %dma_start3A_69 = arith.constant 0 : i32
      %dma_start3A_70 = tpu.memref_slice %arg4[%dma_start3A_68, %dma_start3A_69] : memref<10000x128xf32, #tpu.memory_space<hbm>> -> memref<10000x128xf32, #tpu.memory_space<hbm>>
      tpu.enqueue_indirect_dma source(%dma_start3A_70 : memref<10000x128xf32, #tpu.memory_space<hbm>>) target(%arg8 : memref<128x128xf32, #tpu.memory_space<vmem>>) offsets(%dma_start3A_67 : memref<128xi32, #tpu.memory_space<vmem>>) semaphore(%arg11 : memref<!tpu.dma_semaphore, #tpu.memory_space<semaphore_mem>>)
      %scan3A_71 = arith.constant 0 : i32
      %scan3A_72 = arith.constant 0 : i32
      %scan3A_73 = arith.constant 8 : i32
      %scan3A_74 = arith.addi %scan3A_72, %scan3A_73 : i32
      %scan3A_75 = arith.constant 1 : i32
      scf.for %scan3A_83 = %scan3A_72 to %scan3A_74 step %scan3A_75  : i32 {
        %mul3A_84 = arith.constant 2 : i32
        %mul3A_85 = arith.muli %scan3A_83, %mul3A_84 : i32
        %add3A_86 = arith.constant 1 : i32
        %add3A_87 = arith.addi %mul3A_85, %add3A_86 : i32
        %dma_start3A_88 = arith.constant 0 : i32
        %dma_start3A_89 = tpu.memref_slice %arg6[%add3A_87, %dma_start3A_88] : memref<16x128xi32, #tpu.memory_space<vmem>> -> memref<1x128xi32, #tpu.memory_space<vmem>>
        %dma_start3A_90 = tpu.memref_squeeze %dma_start3A_89 : memref<1x128xi32, #tpu.memory_space<vmem>> -> memref<128xi32, #tpu.memory_space<vmem>>
        %dma_start3A_91 = arith.constant 0 : i32
        %dma_start3A_92 = arith.constant 0 : i32
        %dma_start3A_93 = tpu.memref_slice %arg4[%dma_start3A_91, %dma_start3A_92] : memref<10000x128xf32, #tpu.memory_space<hbm>> -> memref<10000x128xf32, #tpu.memory_space<hbm>>
        tpu.enqueue_indirect_dma source(%dma_start3A_93 : memref<10000x128xf32, #tpu.memory_space<hbm>>) target(%arg9 : memref<128x128xf32, #tpu.memory_space<vmem>>) offsets(%dma_start3A_90 : memref<128xi32, #tpu.memory_space<vmem>>) semaphore(%arg12 : memref<!tpu.dma_semaphore, #tpu.memory_space<semaphore_mem>>)
        %dma_wait3A_94 = arith.constant 0 : i32
        %dma_wait3A_95 = tpu.memref_slice %arg6[%mul3A_85, %dma_wait3A_94] : memref<16x128xi32, #tpu.memory_space<vmem>> -> memref<1x128xi32, #tpu.memory_space<vmem>>
        %dma_wait3A_96 = tpu.memref_squeeze %dma_wait3A_95 : memref<1x128xi32, #tpu.memory_space<vmem>> -> memref<128xi32, #tpu.memory_space<vmem>>
        %dma_wait3A_97 = arith.constant 0 : i32
        %dma_wait3A_98 = arith.constant 0 : i32
        %dma_wait3A_99 = tpu.memref_slice %arg4[%dma_wait3A_97, %dma_wait3A_98] : memref<10000x128xf32, #tpu.memory_space<hbm>> -> memref<10000x128xf32, #tpu.memory_space<hbm>>
        tpu.wait_indirect_dma semaphore(%arg11 : memref<!tpu.dma_semaphore, #tpu.memory_space<semaphore_mem>>) src(%dma_wait3A_99 : memref<10000x128xf32, #tpu.memory_space<hbm>>) dst(%arg8 : memref<128x128xf32, #tpu.memory_space<vmem>>)
        "tpu.region"() ({
          %run_scoped3A = tpu.sem_alloc : memref<!tpu.dma_semaphore, #tpu.memory_space<semaphore_mem>>
          %dma_start3A_115 = arith.constant 0 : i32
          %dma_start3A_116 = tpu.memref_slice %arg7[%mul3A_85, %dma_start3A_115] : memref<16x128xi32, #tpu.memory_space<vmem>> -> memref<1x128xi32, #tpu.memory_space<vmem>>
          %dma_start3A_117 = tpu.memref_squeeze %dma_start3A_116 : memref<1x128xi32, #tpu.memory_space<vmem>> -> memref<128xi32, #tpu.memory_space<vmem>>
          %dma_start3A_118 = arith.constant 0 : i32
          %dma_start3A_119 = arith.constant 0 : i32
          %dma_start3A_120 = tpu.memref_slice %arg10[%dma_start3A_118, %dma_start3A_119] : memref<10240x128xf32, #tpu.memory_space<vmem_shared>> -> memref<10240x128xf32, #tpu.memory_space<vmem_shared>>
          tpu.enqueue_indirect_dma source(%arg8 : memref<128x128xf32, #tpu.memory_space<vmem>>) target(%dma_start3A_120 : memref<10240x128xf32, #tpu.memory_space<vmem_shared>>) offsets(%dma_start3A_117 : memref<128xi32, #tpu.memory_space<vmem>>) semaphore(%run_scoped3A : memref<!tpu.dma_semaphore, #tpu.memory_space<semaphore_mem>>) {add = true}
          %dma_wait3A_121 = arith.constant 0 : i32
          %dma_wait3A_122 = tpu.memref_slice %arg7[%mul3A_85, %dma_wait3A_121] : memref<16x128xi32, #tpu.memory_space<vmem>> -> memref<1x128xi32, #tpu.memory_space<vmem>>
          %dma_wait3A_123 = tpu.memref_squeeze %dma_wait3A_122 : memref<1x128xi32, #tpu.memory_space<vmem>> -> memref<128xi32, #tpu.memory_space<vmem>>
          %dma_wait3A_124 = arith.constant 0 : i32
          %dma_wait3A_125 = arith.constant 0 : i32
          %dma_wait3A_126 = tpu.memref_slice %arg10[%dma_wait3A_124, %dma_wait3A_125] : memref<10240x128xf32, #tpu.memory_space<vmem_shared>> -> memref<10240x128xf32, #tpu.memory_space<vmem_shared>>
          tpu.wait_indirect_dma semaphore(%run_scoped3A : memref<!tpu.dma_semaphore, #tpu.memory_space<semaphore_mem>>) src(%arg8 : memref<128x128xf32, #tpu.memory_space<vmem>>) dst(%dma_wait3A_126 : memref<10240x128xf32, #tpu.memory_space<vmem_shared>>)
          tpu.yield
        }) : () -> ()
        %add3A_100 = arith.constant 2 : i32
        %add3A_101 = arith.addi %mul3A_85, %add3A_100 : i32
        %min3A = arith.constant 15 : i32
        %min3A_102 = arith.minsi %add3A_101, %min3A : i32
        %dma_start3A_103 = arith.constant 0 : i32
        %dma_start3A_104 = tpu.memref_slice %arg6[%min3A_102, %dma_start3A_103] : memref<16x128xi32, #tpu.memory_space<vmem>> -> memref<1x128xi32, #tpu.memory_space<vmem>>
        %dma_start3A_105 = tpu.memref_squeeze %dma_start3A_104 : memref<1x128xi32, #tpu.memory_space<vmem>> -> memref<128xi32, #tpu.memory_space<vmem>>
        %dma_start3A_106 = arith.constant 0 : i32
        %dma_start3A_107 = arith.constant 0 : i32
        %dma_start3A_108 = tpu.memref_slice %arg4[%dma_start3A_106, %dma_start3A_107] : memref<10000x128xf32, #tpu.memory_space<hbm>> -> memref<10000x128xf32, #tpu.memory_space<hbm>>
        tpu.enqueue_indirect_dma source(%dma_start3A_108 : memref<10000x128xf32, #tpu.memory_space<hbm>>) target(%arg8 : memref<128x128xf32, #tpu.memory_space<vmem>>) offsets(%dma_start3A_105 : memref<128xi32, #tpu.memory_space<vmem>>) semaphore(%arg11 : memref<!tpu.dma_semaphore, #tpu.memory_space<semaphore_mem>>)
        %dma_wait3A_109 = arith.constant 0 : i32
        %dma_wait3A_110 = tpu.memref_slice %arg6[%add3A_87, %dma_wait3A_109] : memref<16x128xi32, #tpu.memory_space<vmem>> -> memref<1x128xi32, #tpu.memory_space<vmem>>
        %dma_wait3A_111 = tpu.memref_squeeze %dma_wait3A_110 : memref<1x128xi32, #tpu.memory_space<vmem>> -> memref<128xi32, #tpu.memory_space<vmem>>
        %dma_wait3A_112 = arith.constant 0 : i32
        %dma_wait3A_113 = arith.constant 0 : i32
        %dma_wait3A_114 = tpu.memref_slice %arg4[%dma_wait3A_112, %dma_wait3A_113] : memref<10000x128xf32, #tpu.memory_space<hbm>> -> memref<10000x128xf32, #tpu.memory_space<hbm>>
        tpu.wait_indirect_dma semaphore(%arg12 : memref<!tpu.dma_semaphore, #tpu.memory_space<semaphore_mem>>) src(%dma_wait3A_114 : memref<10000x128xf32, #tpu.memory_space<hbm>>) dst(%arg9 : memref<128x128xf32, #tpu.memory_space<vmem>>)
        "tpu.region"() ({
          %run_scoped3A = tpu.sem_alloc : memref<!tpu.dma_semaphore, #tpu.memory_space<semaphore_mem>>
          %dma_start3A_115 = arith.constant 0 : i32
          %dma_start3A_116 = tpu.memref_slice %arg7[%add3A_87, %dma_start3A_115] : memref<16x128xi32, #tpu.memory_space<vmem>> -> memref<1x128xi32, #tpu.memory_space<vmem>>
          %dma_start3A_117 = tpu.memref_squeeze %dma_start3A_116 : memref<1x128xi32, #tpu.memory_space<vmem>> -> memref<128xi32, #tpu.memory_space<vmem>>
          %dma_start3A_118 = arith.constant 0 : i32
          %dma_start3A_119 = arith.constant 0 : i32
          %dma_start3A_120 = tpu.memref_slice %arg10[%dma_start3A_118, %dma_start3A_119] : memref<10240x128xf32, #tpu.memory_space<vmem_shared>> -> memref<10240x128xf32, #tpu.memory_space<vmem_shared>>
          tpu.enqueue_indirect_dma source(%arg9 : memref<128x128xf32, #tpu.memory_space<vmem>>) target(%dma_start3A_120 : memref<10240x128xf32, #tpu.memory_space<vmem_shared>>) offsets(%dma_start3A_117 : memref<128xi32, #tpu.memory_space<vmem>>) semaphore(%run_scoped3A : memref<!tpu.dma_semaphore, #tpu.memory_space<semaphore_mem>>) {add = true}
          %dma_wait3A_121 = arith.constant 0 : i32
          %dma_wait3A_122 = tpu.memref_slice %arg7[%add3A_87, %dma_wait3A_121] : memref<16x128xi32, #tpu.memory_space<vmem>> -> memref<1x128xi32, #tpu.memory_space<vmem>>
          %dma_wait3A_123 = tpu.memref_squeeze %dma_wait3A_122 : memref<1x128xi32, #tpu.memory_space<vmem>> -> memref<128xi32, #tpu.memory_space<vmem>>
          %dma_wait3A_124 = arith.constant 0 : i32
          %dma_wait3A_125 = arith.constant 0 : i32
          %dma_wait3A_126 = tpu.memref_slice %arg10[%dma_wait3A_124, %dma_wait3A_125] : memref<10240x128xf32, #tpu.memory_space<vmem_shared>> -> memref<10240x128xf32, #tpu.memory_space<vmem_shared>>
          tpu.wait_indirect_dma semaphore(%run_scoped3A : memref<!tpu.dma_semaphore, #tpu.memory_space<semaphore_mem>>) src(%arg9 : memref<128x128xf32, #tpu.memory_space<vmem>>) dst(%dma_wait3A_126 : memref<10240x128xf32, #tpu.memory_space<vmem_shared>>)
          tpu.yield
        }) : () -> ()
      }
      %scan3A_76 = arith.constant 8 : i32
      %dma_wait3A = arith.constant 0 : i32
      %dma_wait3A_77 = arith.constant 0 : i32
      %dma_wait3A_78 = tpu.memref_slice %arg6[%dma_wait3A, %dma_wait3A_77] : memref<16x128xi32, #tpu.memory_space<vmem>> -> memref<1x128xi32, #tpu.memory_space<vmem>>
      %dma_wait3A_79 = tpu.memref_squeeze %dma_wait3A_78 : memref<1x128xi32, #tpu.memory_space<vmem>> -> memref<128xi32, #tpu.memory_space<vmem>>
      %dma_wait3A_80 = arith.constant 0 : i32
      %dma_wait3A_81 = arith.constant 0 : i32
      %dma_wait3A_82 = tpu.memref_slice %arg4[%dma_wait3A_80, %dma_wait3A_81] : memref<10000x128xf32, #tpu.memory_space<hbm>> -> memref<10000x128xf32, #tpu.memory_space<hbm>>
      tpu.wait_indirect_dma semaphore(%arg11 : memref<!tpu.dma_semaphore, #tpu.memory_space<semaphore_mem>>) src(%dma_wait3A_82 : memref<10000x128xf32, #tpu.memory_space<hbm>>) dst(%arg8 : memref<128x128xf32, #tpu.memory_space<vmem>>)
    }
    %barrier3A_58 = arith.constant 0 : index
    tpu.barrier barrier_id(%barrier3A_58)
    %mul3A_59 = arith.constant 640 : i32
    %mul3A_60 = arith.muli %arg1, %mul3A_59 : i32
    "tpu.region"() ({
      %run_scoped3A = tpu.sem_alloc : memref<!tpu.dma_semaphore, #tpu.memory_space<semaphore_mem>>
      %dma_start3A = arith.constant 0 : i32
      %dma_start3A_61 = tpu.memref_slice %arg5[%arg0, %mul3A_60, %dma_start3A] : memref<2x10240x128xf32, #tpu.memory_space<hbm>> -> memref<1x640x128xf32, #tpu.memory_space<hbm>>
      %dma_start3A_62 = tpu.memref_squeeze %dma_start3A_61 : memref<1x640x128xf32, #tpu.memory_space<hbm>> -> memref<640x128xf32, #tpu.memory_space<hbm>>
      %dma_start3A_63 = arith.constant 0 : i32
      %dma_start3A_64 = tpu.memref_slice %arg10[%mul3A_60, %dma_start3A_63] : memref<10240x128xf32, #tpu.memory_space<vmem_shared>> -> memref<640x128xf32, #tpu.memory_space<vmem_shared>>
      tpu.enqueue_dma source(%dma_start3A_64 : memref<640x128xf32, #tpu.memory_space<vmem_shared>>) target(%dma_start3A_62 : memref<640x128xf32, #tpu.memory_space<hbm>>) target_semaphore(%run_scoped3A : memref<!tpu.dma_semaphore, #tpu.memory_space<semaphore_mem>>)
      %dma_wait3A = arith.constant 0 : i32
      %dma_wait3A_65 = tpu.memref_slice %arg5[%arg0, %mul3A_60, %dma_wait3A] : memref<2x10240x128xf32, #tpu.memory_space<hbm>> -> memref<1x640x128xf32, #tpu.memory_space<hbm>>
      %dma_wait3A_66 = tpu.memref_squeeze %dma_wait3A_65 : memref<1x640x128xf32, #tpu.memory_space<hbm>> -> memref<640x128xf32, #tpu.memory_space<hbm>>
      %dma_wait3A_67 = arith.constant 0 : i32
      %dma_wait3A_68 = tpu.memref_slice %arg10[%mul3A_60, %dma_wait3A_67] : memref<10240x128xf32, #tpu.memory_space<vmem_shared>> -> memref<640x128xf32, #tpu.memory_space<vmem_shared>>
      tpu.wait_dma2 semaphore(%run_scoped3A : memref<!tpu.dma_semaphore, #tpu.memory_space<semaphore_mem>>) src(%dma_wait3A_68 : memref<640x128xf32, #tpu.memory_space<vmem_shared>>) dst(%dma_wait3A_66 : memref<640x128xf32, #tpu.memory_space<hbm>>)
      tpu.yield
    }) : () -> ()
    return
  }
}

#map = affine_map<(d0, d1) -> (0, 0)>
#map1 = affine_map<(d0, d1) -> (0, 0, 0)>
module attributes {stable_mosaic.version = 14 : i64} {
  func.func @_spmm_body(%arg0: i32, %arg1: i32, %arg2: memref<2560x128xi32, #tpu.memory_space<hbm>>, %arg3: memref<2560x128xi32, #tpu.memory_space<hbm>>, %arg4: memref<10000x128xf32, #tpu.memory_space<hbm>>, %arg5: memref<2x10240x128xf32, #tpu.memory_space<hbm>>, %arg6: memref<16x128xi32, #tpu.memory_space<vmem>>, %arg7: memref<16x128xi32, #tpu.memory_space<vmem>>, %arg8: memref<128x128xf32, #tpu.memory_space<vmem>>, %arg9: memref<128x128xf32, #tpu.memory_space<vmem>>, %arg10: memref<10240x128xf32, #tpu.memory_space<vmem_shared>>, %arg11: memref<!tpu.dma_semaphore, #tpu.memory_space<semaphore_mem>>, %arg12: memref<!tpu.dma_semaphore, #tpu.memory_space<semaphore_mem>>) attributes {dimension_semantics = [#tpu.dimension_semantics<core_parallel>, #tpu.dimension_semantics<subcore_parallel>], iteration_bounds = array<i64: 2, 16>, scalar_prefetch = 0 : i64, scratch_operands = 7 : i64, tpu.core_type = #tpu.core_type<sc_vector_subcore>, window_params = [{transform_indices = #map}, {transform_indices = #map}, {transform_indices = #map}, {transform_indices = #map1}]} {
    %scan3A = arith.constant 0 : i32
    %scan3A_0 = arith.constant 0 : i32
    %scan3A_1 = arith.constant 128 : i32
    %scan3A_2 = arith.addi %scan3A_0, %scan3A_1 : i32
    %scan3A_3 = arith.constant 1 : i32
    scf.for %scan3A_61 = %scan3A_0 to %scan3A_2 step %scan3A_3  : i32 {
      %broadcast_in_dim3A = arith.constant 0.000000e+00 : f32
      %broadcast_in_dim3A_62 = vector.broadcast %broadcast_in_dim3A : f32 to vector<16xf32>
      %swap3A = arith.index_cast %scan3A_61 : i32 to index
      %swap3A_63 = arith.constant 0 : index
      %swap3A_64 = tpu.vector_load %arg8[%swap3A, %swap3A_63] {strides = array<i32>} : memref<128x128xf32, #tpu.memory_space<vmem>>, vector<1x16xf32>,
      %swap3A_65 = vector.shape_cast %swap3A_64 : vector<1x16xf32> to vector<16xf32>
      %swap3A_66 = vector.shape_cast %broadcast_in_dim3A_62 : vector<16xf32> to vector<1x16xf32>
      tpu.vector_store %arg8[%swap3A, %swap3A_63], %swap3A_66 {strides = array<i32>} : memref<128x128xf32, #tpu.memory_space<vmem>>, vector<1x16xf32>,
      %broadcast_in_dim3A_67 = arith.constant 0.000000e+00 : f32
      %broadcast_in_dim3A_68 = vector.broadcast %broadcast_in_dim3A_67 : f32 to vector<16xf32>
      %swap3A_69 = arith.index_cast %scan3A_61 : i32 to index
      %swap3A_70 = arith.constant 16 : index
      %swap3A_71 = tpu.vector_load %arg8[%swap3A_69, %swap3A_70] {strides = array<i32>} : memref<128x128xf32, #tpu.memory_space<vmem>>, vector<1x16xf32>,
      %swap3A_72 = vector.shape_cast %swap3A_71 : vector<1x16xf32> to vector<16xf32>
      %swap3A_73 = vector.shape_cast %broadcast_in_dim3A_68 : vector<16xf32> to vector<1x16xf32>
      tpu.vector_store %arg8[%swap3A_69, %swap3A_70], %swap3A_73 {strides = array<i32>} : memref<128x128xf32, #tpu.memory_space<vmem>>, vector<1x16xf32>,
      %broadcast_in_dim3A_74 = arith.constant 0.000000e+00 : f32
      %broadcast_in_dim3A_75 = vector.broadcast %broadcast_in_dim3A_74 : f32 to vector<16xf32>
      %swap3A_76 = arith.index_cast %scan3A_61 : i32 to index
      %swap3A_77 = arith.constant 32 : index
      %swap3A_78 = tpu.vector_load %arg8[%swap3A_76, %swap3A_77] {strides = array<i32>} : memref<128x128xf32, #tpu.memory_space<vmem>>, vector<1x16xf32>,
      %swap3A_79 = vector.shape_cast %swap3A_78 : vector<1x16xf32> to vector<16xf32>
      %swap3A_80 = vector.shape_cast %broadcast_in_dim3A_75 : vector<16xf32> to vector<1x16xf32>
      tpu.vector_store %arg8[%swap3A_76, %swap3A_77], %swap3A_80 {strides = array<i32>} : memref<128x128xf32, #tpu.memory_space<vmem>>, vector<1x16xf32>,
      %broadcast_in_dim3A_81 = arith.constant 0.000000e+00 : f32
      %broadcast_in_dim3A_82 = vector.broadcast %broadcast_in_dim3A_81 : f32 to vector<16xf32>
      %swap3A_83 = arith.index_cast %scan3A_61 : i32 to index
      %swap3A_84 = arith.constant 48 : index
      %swap3A_85 = tpu.vector_load %arg8[%swap3A_83, %swap3A_84] {strides = array<i32>} : memref<128x128xf32, #tpu.memory_space<vmem>>, vector<1x16xf32>,
      %swap3A_86 = vector.shape_cast %swap3A_85 : vector<1x16xf32> to vector<16xf32>
      %swap3A_87 = vector.shape_cast %broadcast_in_dim3A_82 : vector<16xf32> to vector<1x16xf32>
      tpu.vector_store %arg8[%swap3A_83, %swap3A_84], %swap3A_87 {strides = array<i32>} : memref<128x128xf32, #tpu.memory_space<vmem>>, vector<1x16xf32>,
      %broadcast_in_dim3A_88 = arith.constant 0.000000e+00 : f32
      %broadcast_in_dim3A_89 = vector.broadcast %broadcast_in_dim3A_88 : f32 to vector<16xf32>
      %swap3A_90 = arith.index_cast %scan3A_61 : i32 to index
      %swap3A_91 = arith.constant 64 : index
      %swap3A_92 = tpu.vector_load %arg8[%swap3A_90, %swap3A_91] {strides = array<i32>} : memref<128x128xf32, #tpu.memory_space<vmem>>, vector<1x16xf32>,
      %swap3A_93 = vector.shape_cast %swap3A_92 : vector<1x16xf32> to vector<16xf32>
      %swap3A_94 = vector.shape_cast %broadcast_in_dim3A_89 : vector<16xf32> to vector<1x16xf32>
      tpu.vector_store %arg8[%swap3A_90, %swap3A_91], %swap3A_94 {strides = array<i32>} : memref<128x128xf32, #tpu.memory_space<vmem>>, vector<1x16xf32>,
      %broadcast_in_dim3A_95 = arith.constant 0.000000e+00 : f32
      %broadcast_in_dim3A_96 = vector.broadcast %broadcast_in_dim3A_95 : f32 to vector<16xf32>
      %swap3A_97 = arith.index_cast %scan3A_61 : i32 to index
      %swap3A_98 = arith.constant 80 : index
      %swap3A_99 = tpu.vector_load %arg8[%swap3A_97, %swap3A_98] {strides = array<i32>} : memref<128x128xf32, #tpu.memory_space<vmem>>, vector<1x16xf32>,
      %swap3A_100 = vector.shape_cast %swap3A_99 : vector<1x16xf32> to vector<16xf32>
      %swap3A_101 = vector.shape_cast %broadcast_in_dim3A_96 : vector<16xf32> to vector<1x16xf32>
      tpu.vector_store %arg8[%swap3A_97, %swap3A_98], %swap3A_101 {strides = array<i32>} : memref<128x128xf32, #tpu.memory_space<vmem>>, vector<1x16xf32>,
      %broadcast_in_dim3A_102 = arith.constant 0.000000e+00 : f32
      %broadcast_in_dim3A_103 = vector.broadcast %broadcast_in_dim3A_102 : f32 to vector<16xf32>
      %swap3A_104 = arith.index_cast %scan3A_61 : i32 to index
      %swap3A_105 = arith.constant 96 : index
      %swap3A_106 = tpu.vector_load %arg8[%swap3A_104, %swap3A_105] {strides = array<i32>} : memref<128x128xf32, #tpu.memory_space<vmem>>, vector<1x16xf32>,
      %swap3A_107 = vector.shape_cast %swap3A_106 : vector<1x16xf32> to vector<16xf32>
      %swap3A_108 = vector.shape_cast %broadcast_in_dim3A_103 : vector<16xf32> to vector<1x16xf32>
      tpu.vector_store %arg8[%swap3A_104, %swap3A_105], %swap3A_108 {strides = array<i32>} : memref<128x128xf32, #tpu.memory_space<vmem>>, vector<1x16xf32>,
      %broadcast_in_dim3A_109 = arith.constant 0.000000e+00 : f32
      %broadcast_in_dim3A_110 = vector.broadcast %broadcast_in_dim3A_109 : f32 to vector<16xf32>
      %swap3A_111 = arith.index_cast %scan3A_61 : i32 to index
      %swap3A_112 = arith.constant 112 : index
      %swap3A_113 = tpu.vector_load %arg8[%swap3A_111, %swap3A_112] {strides = array<i32>} : memref<128x128xf32, #tpu.memory_space<vmem>>, vector<1x16xf32>,
      %swap3A_114 = vector.shape_cast %swap3A_113 : vector<1x16xf32> to vector<16xf32>
      %swap3A_115 = vector.shape_cast %broadcast_in_dim3A_110 : vector<16xf32> to vector<1x16xf32>
      tpu.vector_store %arg8[%swap3A_111, %swap3A_112], %swap3A_115 {strides = array<i32>} : memref<128x128xf32, #tpu.memory_space<vmem>>, vector<1x16xf32>,
    }
    %scan3A_4 = arith.constant 128 : i32
    %mul3A = arith.constant 640 : i32
    %mul3A_5 = arith.muli %arg1, %mul3A : i32
    %add3A = arith.constant 0 : i32
    %add3A_6 = arith.addi %mul3A_5, %add3A : i32
    "tpu.region"() ({
      %run_scoped3A = tpu.sem_alloc : memref<!tpu.dma_semaphore, #tpu.memory_space<semaphore_mem>>
      %dma_start3A = arith.constant 0 : i32
      %dma_start3A_61 = tpu.memref_slice %arg10[%add3A_6, %dma_start3A] : memref<10240x128xf32, #tpu.memory_space<vmem_shared>> -> memref<128x128xf32, #tpu.memory_space<vmem_shared>>
      %dma_start3A_62 = arith.constant 0 : i32
      %dma_start3A_63 = tpu.memref_slice %arg10[%add3A_6, %dma_start3A_62] : memref<10240x128xf32, #tpu.memory_space<vmem_shared>> -> memref<128x128xf32, #tpu.memory_space<vmem_shared>>
      tpu.enqueue_dma source(%arg8 : memref<128x128xf32, #tpu.memory_space<vmem>>) target(%dma_start3A_63 : memref<128x128xf32, #tpu.memory_space<vmem_shared>>) target_semaphore(%run_scoped3A : memref<!tpu.dma_semaphore, #tpu.memory_space<semaphore_mem>>)
      %dma_wait3A = arith.constant 0 : i32
      %dma_wait3A_64 = tpu.memref_slice %arg10[%add3A_6, %dma_wait3A] : memref<10240x128xf32, #tpu.memory_space<vmem_shared>> -> memref<128x128xf32, #tpu.memory_space<vmem_shared>>
      %dma_wait3A_65 = arith.constant 0 : i32
      %dma_wait3A_66 = tpu.memref_slice %arg10[%add3A_6, %dma_wait3A_65] : memref<10240x128xf32, #tpu.memory_space<vmem_shared>> -> memref<128x128xf32, #tpu.memory_space<vmem_shared>>
      tpu.wait_dma2 semaphore(%run_scoped3A : memref<!tpu.dma_semaphore, #tpu.memory_space<semaphore_mem>>) src(%arg8 : memref<128x128xf32, #tpu.memory_space<vmem>>) dst(%dma_wait3A_66 : memref<128x128xf32, #tpu.memory_space<vmem_shared>>)
      tpu.yield
    }) : () -> ()
    %mul3A_7 = arith.constant 640 : i32
    %mul3A_8 = arith.muli %arg1, %mul3A_7 : i32
    %add3A_9 = arith.constant 128 : i32
    %add3A_10 = arith.addi %mul3A_8, %add3A_9 : i32
    "tpu.region"() ({
      %run_scoped3A = tpu.sem_alloc : memref<!tpu.dma_semaphore, #tpu.memory_space<semaphore_mem>>
      %dma_start3A = arith.constant 0 : i32
      %dma_start3A_61 = tpu.memref_slice %arg10[%add3A_10, %dma_start3A] : memref<10240x128xf32, #tpu.memory_space<vmem_shared>> -> memref<128x128xf32, #tpu.memory_space<vmem_shared>>
      %dma_start3A_62 = arith.constant 0 : i32
      %dma_start3A_63 = tpu.memref_slice %arg10[%add3A_10, %dma_start3A_62] : memref<10240x128xf32, #tpu.memory_space<vmem_shared>> -> memref<128x128xf32, #tpu.memory_space<vmem_shared>>
      tpu.enqueue_dma source(%arg8 : memref<128x128xf32, #tpu.memory_space<vmem>>) target(%dma_start3A_63 : memref<128x128xf32, #tpu.memory_space<vmem_shared>>) target_semaphore(%run_scoped3A : memref<!tpu.dma_semaphore, #tpu.memory_space<semaphore_mem>>)
      %dma_wait3A = arith.constant 0 : i32
      %dma_wait3A_64 = tpu.memref_slice %arg10[%add3A_10, %dma_wait3A] : memref<10240x128xf32, #tpu.memory_space<vmem_shared>> -> memref<128x128xf32, #tpu.memory_space<vmem_shared>>
      %dma_wait3A_65 = arith.constant 0 : i32
      %dma_wait3A_66 = tpu.memref_slice %arg10[%add3A_10, %dma_wait3A_65] : memref<10240x128xf32, #tpu.memory_space<vmem_shared>> -> memref<128x128xf32, #tpu.memory_space<vmem_shared>>
      tpu.wait_dma2 semaphore(%run_scoped3A : memref<!tpu.dma_semaphore, #tpu.memory_space<semaphore_mem>>) src(%arg8 : memref<128x128xf32, #tpu.memory_space<vmem>>) dst(%dma_wait3A_66 : memref<128x128xf32, #tpu.memory_space<vmem_shared>>)
      tpu.yield
    }) : () -> ()
    %mul3A_11 = arith.constant 640 : i32
    %mul3A_12 = arith.muli %arg1, %mul3A_11 : i32
    %add3A_13 = arith.constant 256 : i32
    %add3A_14 = arith.addi %mul3A_12, %add3A_13 : i32
    "tpu.region"() ({
      %run_scoped3A = tpu.sem_alloc : memref<!tpu.dma_semaphore, #tpu.memory_space<semaphore_mem>>
      %dma_start3A = arith.constant 0 : i32
      %dma_start3A_61 = tpu.memref_slice %arg10[%add3A_14, %dma_start3A] : memref<10240x128xf32, #tpu.memory_space<vmem_shared>> -> memref<128x128xf32, #tpu.memory_space<vmem_shared>>
      %dma_start3A_62 = arith.constant 0 : i32
      %dma_start3A_63 = tpu.memref_slice %arg10[%add3A_14, %dma_start3A_62] : memref<10240x128xf32, #tpu.memory_space<vmem_shared>> -> memref<128x128xf32, #tpu.memory_space<vmem_shared>>
      tpu.enqueue_dma source(%arg8 : memref<128x128xf32, #tpu.memory_space<vmem>>) target(%dma_start3A_63 : memref<128x128xf32, #tpu.memory_space<vmem_shared>>) target_semaphore(%run_scoped3A : memref<!tpu.dma_semaphore, #tpu.memory_space<semaphore_mem>>)
      %dma_wait3A = arith.constant 0 : i32
      %dma_wait3A_64 = tpu.memref_slice %arg10[%add3A_14, %dma_wait3A] : memref<10240x128xf32, #tpu.memory_space<vmem_shared>> -> memref<128x128xf32, #tpu.memory_space<vmem_shared>>
      %dma_wait3A_65 = arith.constant 0 : i32
      %dma_wait3A_66 = tpu.memref_slice %arg10[%add3A_14, %dma_wait3A_65] : memref<10240x128xf32, #tpu.memory_space<vmem_shared>> -> memref<128x128xf32, #tpu.memory_space<vmem_shared>>
      tpu.wait_dma2 semaphore(%run_scoped3A : memref<!tpu.dma_semaphore, #tpu.memory_space<semaphore_mem>>) src(%arg8 : memref<128x128xf32, #tpu.memory_space<vmem>>) dst(%dma_wait3A_66 : memref<128x128xf32, #tpu.memory_space<vmem_shared>>)
      tpu.yield
    }) : () -> ()
    %mul3A_15 = arith.constant 640 : i32
    %mul3A_16 = arith.muli %arg1, %mul3A_15 : i32
    %add3A_17 = arith.constant 384 : i32
    %add3A_18 = arith.addi %mul3A_16, %add3A_17 : i32
    "tpu.region"() ({
      %run_scoped3A = tpu.sem_alloc : memref<!tpu.dma_semaphore, #tpu.memory_space<semaphore_mem>>
      %dma_start3A = arith.constant 0 : i32
      %dma_start3A_61 = tpu.memref_slice %arg10[%add3A_18, %dma_start3A] : memref<10240x128xf32, #tpu.memory_space<vmem_shared>> -> memref<128x128xf32, #tpu.memory_space<vmem_shared>>
      %dma_start3A_62 = arith.constant 0 : i32
      %dma_start3A_63 = tpu.memref_slice %arg10[%add3A_18, %dma_start3A_62] : memref<10240x128xf32, #tpu.memory_space<vmem_shared>> -> memref<128x128xf32, #tpu.memory_space<vmem_shared>>
      tpu.enqueue_dma source(%arg8 : memref<128x128xf32, #tpu.memory_space<vmem>>) target(%dma_start3A_63 : memref<128x128xf32, #tpu.memory_space<vmem_shared>>) target_semaphore(%run_scoped3A : memref<!tpu.dma_semaphore, #tpu.memory_space<semaphore_mem>>)
      %dma_wait3A = arith.constant 0 : i32
      %dma_wait3A_64 = tpu.memref_slice %arg10[%add3A_18, %dma_wait3A] : memref<10240x128xf32, #tpu.memory_space<vmem_shared>> -> memref<128x128xf32, #tpu.memory_space<vmem_shared>>
      %dma_wait3A_65 = arith.constant 0 : i32
      %dma_wait3A_66 = tpu.memref_slice %arg10[%add3A_18, %dma_wait3A_65] : memref<10240x128xf32, #tpu.memory_space<vmem_shared>> -> memref<128x128xf32, #tpu.memory_space<vmem_shared>>
      tpu.wait_dma2 semaphore(%run_scoped3A : memref<!tpu.dma_semaphore, #tpu.memory_space<semaphore_mem>>) src(%arg8 : memref<128x128xf32, #tpu.memory_space<vmem>>) dst(%dma_wait3A_66 : memref<128x128xf32, #tpu.memory_space<vmem_shared>>)
      tpu.yield
    }) : () -> ()
    %mul3A_19 = arith.constant 640 : i32
    %mul3A_20 = arith.muli %arg1, %mul3A_19 : i32
    %add3A_21 = arith.constant 512 : i32
    %add3A_22 = arith.addi %mul3A_20, %add3A_21 : i32
    "tpu.region"() ({
      %run_scoped3A = tpu.sem_alloc : memref<!tpu.dma_semaphore, #tpu.memory_space<semaphore_mem>>
      %dma_start3A = arith.constant 0 : i32
      %dma_start3A_61 = tpu.memref_slice %arg10[%add3A_22, %dma_start3A] : memref<10240x128xf32, #tpu.memory_space<vmem_shared>> -> memref<128x128xf32, #tpu.memory_space<vmem_shared>>
      %dma_start3A_62 = arith.constant 0 : i32
      %dma_start3A_63 = tpu.memref_slice %arg10[%add3A_22, %dma_start3A_62] : memref<10240x128xf32, #tpu.memory_space<vmem_shared>> -> memref<128x128xf32, #tpu.memory_space<vmem_shared>>
      tpu.enqueue_dma source(%arg8 : memref<128x128xf32, #tpu.memory_space<vmem>>) target(%dma_start3A_63 : memref<128x128xf32, #tpu.memory_space<vmem_shared>>) target_semaphore(%run_scoped3A : memref<!tpu.dma_semaphore, #tpu.memory_space<semaphore_mem>>)
      %dma_wait3A = arith.constant 0 : i32
      %dma_wait3A_64 = tpu.memref_slice %arg10[%add3A_22, %dma_wait3A] : memref<10240x128xf32, #tpu.memory_space<vmem_shared>> -> memref<128x128xf32, #tpu.memory_space<vmem_shared>>
      %dma_wait3A_65 = arith.constant 0 : i32
      %dma_wait3A_66 = tpu.memref_slice %arg10[%add3A_22, %dma_wait3A_65] : memref<10240x128xf32, #tpu.memory_space<vmem_shared>> -> memref<128x128xf32, #tpu.memory_space<vmem_shared>>
      tpu.wait_dma2 semaphore(%run_scoped3A : memref<!tpu.dma_semaphore, #tpu.memory_space<semaphore_mem>>) src(%arg8 : memref<128x128xf32, #tpu.memory_space<vmem>>) dst(%dma_wait3A_66 : memref<128x128xf32, #tpu.memory_space<vmem_shared>>)
      tpu.yield
    }) : () -> ()
    %barrier3A = arith.constant 0 : index
    tpu.barrier barrier_id(%barrier3A)
    %eq3A = arith.constant 0 : i32
    %eq3A_23 = arith.cmpi eq, %arg0, %eq3A : i32
    %jit3A = arith.constant 80 : i32
    %jit3A_24 = arith.constant 80 : i32
    %select_n3A = arith.select %eq3A_23, %jit3A, %jit3A_24 : i32
    %mul3A_25 = arith.constant 16 : i32
    %mul3A_26 = arith.muli %arg0, %mul3A_25 : i32
    %mul3A_27 = arith.constant 80 : i32
    %mul3A_28 = arith.muli %mul3A_26, %mul3A_27 : i32
    %mul3A_29 = arith.muli %arg1, %select_n3A : i32
    %add3A_30 = arith.addi %mul3A_28, %mul3A_29 : i32
    %jit3A_31 = arith.constant 16 : i32
    %div3A = arith.divsi %select_n3A, %jit3A_31 : i32
    %sign3A = arith.constant 0 : i32
    %sign3A_32 = arith.cmpi sgt, %select_n3A, %sign3A : i32
    %sign3A_33 = arith.extui %sign3A_32 : i1 to i32
    %sign3A_34 = arith.constant 0 : i32
    %sign3A_35 = arith.cmpi slt, %select_n3A, %sign3A_34 : i32
    %sign3A_36 = arith.extui %sign3A_35 : i1 to i32
    %sign3A_37 = arith.subi %sign3A_33, %sign3A_36 : i32
    %sign3A_38 = arith.constant 0 : i32
    %sign3A_39 = arith.cmpi sgt, %jit3A_31, %sign3A_38 : i32
    %sign3A_40 = arith.extui %sign3A_39 : i1 to i32
    %sign3A_41 = arith.constant 0 : i32
    %sign3A_42 = arith.cmpi slt, %jit3A_31, %sign3A_41 : i32
    %sign3A_43 = arith.extui %sign3A_42 : i1 to i32
    %sign3A_44 = arith.subi %sign3A_40, %sign3A_43 : i32
    %ne3A = arith.cmpi ne, %sign3A_37, %sign3A_44 : i32
    %rem3A = arith.remsi %select_n3A, %jit3A_31 : i32
    %ne3A_45 = arith.constant 0 : i32
    %ne3A_46 = arith.cmpi ne, %rem3A, %ne3A_45 : i32
    %and3A = arith.andi %ne3A, %ne3A_46 : i1
    %sub3A = arith.constant 1 : i32
    %sub3A_47 = arith.subi %div3A, %sub3A : i32
    %select_n3A_48 = arith.select %and3A, %sub3A_47, %div3A : i32
    %while3A = arith.constant 0 : i32
    %while3A_49 = arith.constant 0 : i32
    %while3A_50 = arith.subi %select_n3A_48, %while3A_49 : i32
    %while3A_51 = arith.addi %while3A_49, %while3A_50 : i32
    %while3A_52 = arith.constant 1 : i32
    %while3A_53 = arith.divsi %while3A_50, %while3A_52 : i32
    %while3A_54 = arith.muli %while3A_53, %while3A_52 : i32
    %while3A_55 = arith.addi %while3A_49, %while3A_54 : i32
    %while3A_56 = arith.constant 1 : i32
    scf.for %while3A_61 = %while3A_49 to %while3A_55 step %while3A_56  : i32 {
      %mul3A_62 = arith.constant 16 : i32
      %mul3A_63 = arith.muli %while3A_61, %mul3A_62 : i32
      %add3A_64 = arith.addi %add3A_30, %mul3A_63 : i32
      "tpu.region"() ({
        %run_scoped3A = tpu.sem_alloc : memref<!tpu.dma_semaphore, #tpu.memory_space<semaphore_mem>>
        %dma_start3A_83 = arith.constant 0 : i32
        %dma_start3A_84 = tpu.memref_slice %arg3[%add3A_64, %dma_start3A_83] : memref<2560x128xi32, #tpu.memory_space<hbm>> -> memref<16x128xi32, #tpu.memory_space<hbm>>
        %dma_start3A_85 = arith.constant 0 : i32
        %dma_start3A_86 = tpu.memref_slice %arg3[%add3A_64, %dma_start3A_85] : memref<2560x128xi32, #tpu.memory_space<hbm>> -> memref<16x128xi32, #tpu.memory_space<hbm>>
        tpu.enqueue_dma source(%dma_start3A_86 : memref<16x128xi32, #tpu.memory_space<hbm>>) target(%arg6 : memref<16x128xi32, #tpu.memory_space<vmem>>) target_semaphore(%run_scoped3A : memref<!tpu.dma_semaphore, #tpu.memory_space<semaphore_mem>>)
        %dma_wait3A_87 = arith.constant 0 : i32
        %dma_wait3A_88 = tpu.memref_slice %arg3[%add3A_64, %dma_wait3A_87] : memref<2560x128xi32, #tpu.memory_space<hbm>> -> memref<16x128xi32, #tpu.memory_space<hbm>>
        %dma_wait3A_89 = arith.constant 0 : i32
        %dma_wait3A_90 = tpu.memref_slice %arg3[%add3A_64, %dma_wait3A_89] : memref<2560x128xi32, #tpu.memory_space<hbm>> -> memref<16x128xi32, #tpu.memory_space<hbm>>
        tpu.wait_dma2 semaphore(%run_scoped3A : memref<!tpu.dma_semaphore, #tpu.memory_space<semaphore_mem>>) src(%dma_wait3A_90 : memref<16x128xi32, #tpu.memory_space<hbm>>) dst(%arg6 : memref<16x128xi32, #tpu.memory_space<vmem>>)
        tpu.yield
      }) : () -> ()
      "tpu.region"() ({
        %run_scoped3A = tpu.sem_alloc : memref<!tpu.dma_semaphore, #tpu.memory_space<semaphore_mem>>
        %dma_start3A_83 = arith.constant 0 : i32
        %dma_start3A_84 = tpu.memref_slice %arg2[%add3A_64, %dma_start3A_83] : memref<2560x128xi32, #tpu.memory_space<hbm>> -> memref<16x128xi32, #tpu.memory_space<hbm>>
        %dma_start3A_85 = arith.constant 0 : i32
        %dma_start3A_86 = tpu.memref_slice %arg2[%add3A_64, %dma_start3A_85] : memref<2560x128xi32, #tpu.memory_space<hbm>> -> memref<16x128xi32, #tpu.memory_space<hbm>>
        tpu.enqueue_dma source(%dma_start3A_86 : memref<16x128xi32, #tpu.memory_space<hbm>>) target(%arg7 : memref<16x128xi32, #tpu.memory_space<vmem>>) target_semaphore(%run_scoped3A : memref<!tpu.dma_semaphore, #tpu.memory_space<semaphore_mem>>)
        %dma_wait3A_87 = arith.constant 0 : i32
        %dma_wait3A_88 = tpu.memref_slice %arg2[%add3A_64, %dma_wait3A_87] : memref<2560x128xi32, #tpu.memory_space<hbm>> -> memref<16x128xi32, #tpu.memory_space<hbm>>
        %dma_wait3A_89 = arith.constant 0 : i32
        %dma_wait3A_90 = tpu.memref_slice %arg2[%add3A_64, %dma_wait3A_89] : memref<2560x128xi32, #tpu.memory_space<hbm>> -> memref<16x128xi32, #tpu.memory_space<hbm>>
        tpu.wait_dma2 semaphore(%run_scoped3A : memref<!tpu.dma_semaphore, #tpu.memory_space<semaphore_mem>>) src(%dma_wait3A_90 : memref<16x128xi32, #tpu.memory_space<hbm>>) dst(%arg7 : memref<16x128xi32, #tpu.memory_space<vmem>>)
        tpu.yield
      }) : () -> ()
      %dma_start3A = arith.constant 0 : i32
      %dma_start3A_65 = arith.constant 0 : i32
      %dma_start3A_66 = tpu.memref_slice %arg6[%dma_start3A, %dma_start3A_65] : memref<16x128xi32, #tpu.memory_space<vmem>> -> memref<1x128xi32, #tpu.memory_space<vmem>>
      %dma_start3A_67 = tpu.memref_squeeze %dma_start3A_66 : memref<1x128xi32, #tpu.memory_space<vmem>> -> memref<128xi32, #tpu.memory_space<vmem>>
      %dma_start3A_68 = arith.constant 0 : i32
      %dma_start3A_69 = arith.constant 0 : i32
      %dma_start3A_70 = tpu.memref_slice %arg4[%dma_start3A_68, %dma_start3A_69] : memref<10000x128xf32, #tpu.memory_space<hbm>> -> memref<10000x128xf32, #tpu.memory_space<hbm>>
      tpu.enqueue_indirect_dma source(%dma_start3A_70 : memref<10000x128xf32, #tpu.memory_space<hbm>>) target(%arg8 : memref<128x128xf32, #tpu.memory_space<vmem>>) offsets(%dma_start3A_67 : memref<128xi32, #tpu.memory_space<vmem>>) semaphore(%arg11 : memref<!tpu.dma_semaphore, #tpu.memory_space<semaphore_mem>>)
      %scan3A_71 = arith.constant 0 : i32
      %scan3A_72 = arith.constant 0 : i32
      %scan3A_73 = arith.constant 8 : i32
      %scan3A_74 = arith.addi %scan3A_72, %scan3A_73 : i32
      %scan3A_75 = arith.constant 1 : i32
      scf.for %scan3A_83 = %scan3A_72 to %scan3A_74 step %scan3A_75  : i32 {
        %mul3A_84 = arith.constant 2 : i32
        %mul3A_85 = arith.muli %scan3A_83, %mul3A_84 : i32
        %add3A_86 = arith.constant 1 : i32
        %add3A_87 = arith.addi %mul3A_85, %add3A_86 : i32
        %dma_start3A_88 = arith.constant 0 : i32
        %dma_start3A_89 = tpu.memref_slice %arg6[%add3A_87, %dma_start3A_88] : memref<16x128xi32, #tpu.memory_space<vmem>> -> memref<1x128xi32, #tpu.memory_space<vmem>>
        %dma_start3A_90 = tpu.memref_squeeze %dma_start3A_89 : memref<1x128xi32, #tpu.memory_space<vmem>> -> memref<128xi32, #tpu.memory_space<vmem>>
        %dma_start3A_91 = arith.constant 0 : i32
        %dma_start3A_92 = arith.constant 0 : i32
        %dma_start3A_93 = tpu.memref_slice %arg4[%dma_start3A_91, %dma_start3A_92] : memref<10000x128xf32, #tpu.memory_space<hbm>> -> memref<10000x128xf32, #tpu.memory_space<hbm>>
        tpu.enqueue_indirect_dma source(%dma_start3A_93 : memref<10000x128xf32, #tpu.memory_space<hbm>>) target(%arg9 : memref<128x128xf32, #tpu.memory_space<vmem>>) offsets(%dma_start3A_90 : memref<128xi32, #tpu.memory_space<vmem>>) semaphore(%arg12 : memref<!tpu.dma_semaphore, #tpu.memory_space<semaphore_mem>>)
        %dma_wait3A_94 = arith.constant 0 : i32
        %dma_wait3A_95 = tpu.memref_slice %arg6[%mul3A_85, %dma_wait3A_94] : memref<16x128xi32, #tpu.memory_space<vmem>> -> memref<1x128xi32, #tpu.memory_space<vmem>>
        %dma_wait3A_96 = tpu.memref_squeeze %dma_wait3A_95 : memref<1x128xi32, #tpu.memory_space<vmem>> -> memref<128xi32, #tpu.memory_space<vmem>>
        %dma_wait3A_97 = arith.constant 0 : i32
        %dma_wait3A_98 = arith.constant 0 : i32
        %dma_wait3A_99 = tpu.memref_slice %arg4[%dma_wait3A_97, %dma_wait3A_98] : memref<10000x128xf32, #tpu.memory_space<hbm>> -> memref<10000x128xf32, #tpu.memory_space<hbm>>
        tpu.wait_indirect_dma semaphore(%arg11 : memref<!tpu.dma_semaphore, #tpu.memory_space<semaphore_mem>>) src(%dma_wait3A_99 : memref<10000x128xf32, #tpu.memory_space<hbm>>) dst(%arg8 : memref<128x128xf32, #tpu.memory_space<vmem>>)
        "tpu.region"() ({
          %run_scoped3A = tpu.sem_alloc : memref<!tpu.dma_semaphore, #tpu.memory_space<semaphore_mem>>
          %dma_start3A_115 = arith.constant 0 : i32
          %dma_start3A_116 = tpu.memref_slice %arg7[%mul3A_85, %dma_start3A_115] : memref<16x128xi32, #tpu.memory_space<vmem>> -> memref<1x128xi32, #tpu.memory_space<vmem>>
          %dma_start3A_117 = tpu.memref_squeeze %dma_start3A_116 : memref<1x128xi32, #tpu.memory_space<vmem>> -> memref<128xi32, #tpu.memory_space<vmem>>
          %dma_start3A_118 = arith.constant 0 : i32
          %dma_start3A_119 = arith.constant 0 : i32
          %dma_start3A_120 = tpu.memref_slice %arg10[%dma_start3A_118, %dma_start3A_119] : memref<10240x128xf32, #tpu.memory_space<vmem_shared>> -> memref<10240x128xf32, #tpu.memory_space<vmem_shared>>
          tpu.enqueue_indirect_dma source(%arg8 : memref<128x128xf32, #tpu.memory_space<vmem>>) target(%dma_start3A_120 : memref<10240x128xf32, #tpu.memory_space<vmem_shared>>) offsets(%dma_start3A_117 : memref<128xi32, #tpu.memory_space<vmem>>) semaphore(%run_scoped3A : memref<!tpu.dma_semaphore, #tpu.memory_space<semaphore_mem>>) {add = true}
          %dma_wait3A_121 = arith.constant 0 : i32
          %dma_wait3A_122 = tpu.memref_slice %arg7[%mul3A_85, %dma_wait3A_121] : memref<16x128xi32, #tpu.memory_space<vmem>> -> memref<1x128xi32, #tpu.memory_space<vmem>>
          %dma_wait3A_123 = tpu.memref_squeeze %dma_wait3A_122 : memref<1x128xi32, #tpu.memory_space<vmem>> -> memref<128xi32, #tpu.memory_space<vmem>>
          %dma_wait3A_124 = arith.constant 0 : i32
          %dma_wait3A_125 = arith.constant 0 : i32
          %dma_wait3A_126 = tpu.memref_slice %arg10[%dma_wait3A_124, %dma_wait3A_125] : memref<10240x128xf32, #tpu.memory_space<vmem_shared>> -> memref<10240x128xf32, #tpu.memory_space<vmem_shared>>
          tpu.wait_indirect_dma semaphore(%run_scoped3A : memref<!tpu.dma_semaphore, #tpu.memory_space<semaphore_mem>>) src(%arg8 : memref<128x128xf32, #tpu.memory_space<vmem>>) dst(%dma_wait3A_126 : memref<10240x128xf32, #tpu.memory_space<vmem_shared>>)
          tpu.yield
        }) : () -> ()
        %add3A_100 = arith.constant 2 : i32
        %add3A_101 = arith.addi %mul3A_85, %add3A_100 : i32
        %min3A = arith.constant 15 : i32
        %min3A_102 = arith.minsi %add3A_101, %min3A : i32
        %dma_start3A_103 = arith.constant 0 : i32
        %dma_start3A_104 = tpu.memref_slice %arg6[%min3A_102, %dma_start3A_103] : memref<16x128xi32, #tpu.memory_space<vmem>> -> memref<1x128xi32, #tpu.memory_space<vmem>>
        %dma_start3A_105 = tpu.memref_squeeze %dma_start3A_104 : memref<1x128xi32, #tpu.memory_space<vmem>> -> memref<128xi32, #tpu.memory_space<vmem>>
        %dma_start3A_106 = arith.constant 0 : i32
        %dma_start3A_107 = arith.constant 0 : i32
        %dma_start3A_108 = tpu.memref_slice %arg4[%dma_start3A_106, %dma_start3A_107] : memref<10000x128xf32, #tpu.memory_space<hbm>> -> memref<10000x128xf32, #tpu.memory_space<hbm>>
        tpu.enqueue_indirect_dma source(%dma_start3A_108 : memref<10000x128xf32, #tpu.memory_space<hbm>>) target(%arg8 : memref<128x128xf32, #tpu.memory_space<vmem>>) offsets(%dma_start3A_105 : memref<128xi32, #tpu.memory_space<vmem>>) semaphore(%arg11 : memref<!tpu.dma_semaphore, #tpu.memory_space<semaphore_mem>>)
        %dma_wait3A_109 = arith.constant 0 : i32
        %dma_wait3A_110 = tpu.memref_slice %arg6[%add3A_87, %dma_wait3A_109] : memref<16x128xi32, #tpu.memory_space<vmem>> -> memref<1x128xi32, #tpu.memory_space<vmem>>
        %dma_wait3A_111 = tpu.memref_squeeze %dma_wait3A_110 : memref<1x128xi32, #tpu.memory_space<vmem>> -> memref<128xi32, #tpu.memory_space<vmem>>
        %dma_wait3A_112 = arith.constant 0 : i32
        %dma_wait3A_113 = arith.constant 0 : i32
        %dma_wait3A_114 = tpu.memref_slice %arg4[%dma_wait3A_112, %dma_wait3A_113] : memref<10000x128xf32, #tpu.memory_space<hbm>> -> memref<10000x128xf32, #tpu.memory_space<hbm>>
        tpu.wait_indirect_dma semaphore(%arg12 : memref<!tpu.dma_semaphore, #tpu.memory_space<semaphore_mem>>) src(%dma_wait3A_114 : memref<10000x128xf32, #tpu.memory_space<hbm>>) dst(%arg9 : memref<128x128xf32, #tpu.memory_space<vmem>>)
        "tpu.region"() ({
          %run_scoped3A = tpu.sem_alloc : memref<!tpu.dma_semaphore, #tpu.memory_space<semaphore_mem>>
          %dma_start3A_115 = arith.constant 0 : i32
          %dma_start3A_116 = tpu.memref_slice %arg7[%add3A_87, %dma_start3A_115] : memref<16x128xi32, #tpu.memory_space<vmem>> -> memref<1x128xi32, #tpu.memory_space<vmem>>
          %dma_start3A_117 = tpu.memref_squeeze %dma_start3A_116 : memref<1x128xi32, #tpu.memory_space<vmem>> -> memref<128xi32, #tpu.memory_space<vmem>>
          %dma_start3A_118 = arith.constant 0 : i32
          %dma_start3A_119 = arith.constant 0 : i32
          %dma_start3A_120 = tpu.memref_slice %arg10[%dma_start3A_118, %dma_start3A_119] : memref<10240x128xf32, #tpu.memory_space<vmem_shared>> -> memref<10240x128xf32, #tpu.memory_space<vmem_shared>>
          tpu.enqueue_indirect_dma source(%arg9 : memref<128x128xf32, #tpu.memory_space<vmem>>) target(%dma_start3A_120 : memref<10240x128xf32, #tpu.memory_space<vmem_shared>>) offsets(%dma_start3A_117 : memref<128xi32, #tpu.memory_space<vmem>>) semaphore(%run_scoped3A : memref<!tpu.dma_semaphore, #tpu.memory_space<semaphore_mem>>) {add = true}
          %dma_wait3A_121 = arith.constant 0 : i32
          %dma_wait3A_122 = tpu.memref_slice %arg7[%add3A_87, %dma_wait3A_121] : memref<16x128xi32, #tpu.memory_space<vmem>> -> memref<1x128xi32, #tpu.memory_space<vmem>>
          %dma_wait3A_123 = tpu.memref_squeeze %dma_wait3A_122 : memref<1x128xi32, #tpu.memory_space<vmem>> -> memref<128xi32, #tpu.memory_space<vmem>>
          %dma_wait3A_124 = arith.constant 0 : i32
          %dma_wait3A_125 = arith.constant 0 : i32
          %dma_wait3A_126 = tpu.memref_slice %arg10[%dma_wait3A_124, %dma_wait3A_125] : memref<10240x128xf32, #tpu.memory_space<vmem_shared>> -> memref<10240x128xf32, #tpu.memory_space<vmem_shared>>
          tpu.wait_indirect_dma semaphore(%run_scoped3A : memref<!tpu.dma_semaphore, #tpu.memory_space<semaphore_mem>>) src(%arg9 : memref<128x128xf32, #tpu.memory_space<vmem>>) dst(%dma_wait3A_126 : memref<10240x128xf32, #tpu.memory_space<vmem_shared>>)
          tpu.yield
        }) : () -> ()
      }
      %scan3A_76 = arith.constant 8 : i32
      %dma_wait3A = arith.constant 0 : i32
      %dma_wait3A_77 = arith.constant 0 : i32
      %dma_wait3A_78 = tpu.memref_slice %arg6[%dma_wait3A, %dma_wait3A_77] : memref<16x128xi32, #tpu.memory_space<vmem>> -> memref<1x128xi32, #tpu.memory_space<vmem>>
      %dma_wait3A_79 = tpu.memref_squeeze %dma_wait3A_78 : memref<1x128xi32, #tpu.memory_space<vmem>> -> memref<128xi32, #tpu.memory_space<vmem>>
      %dma_wait3A_80 = arith.constant 0 : i32
      %dma_wait3A_81 = arith.constant 0 : i32
      %dma_wait3A_82 = tpu.memref_slice %arg4[%dma_wait3A_80, %dma_wait3A_81] : memref<10000x128xf32, #tpu.memory_space<hbm>> -> memref<10000x128xf32, #tpu.memory_space<hbm>>
      tpu.wait_indirect_dma semaphore(%arg11 : memref<!tpu.dma_semaphore, #tpu.memory_space<semaphore_mem>>) src(%dma_wait3A_82 : memref<10000x128xf32, #tpu.memory_space<hbm>>) dst(%arg8 : memref<128x128xf32, #tpu.memory_space<vmem>>)
    }
    %while3A_57 = arith.constant 1 : i32
    scf.for %while3A_61 = %while3A_55 to %while3A_51 step %while3A_57  : i32 {
      %mul3A_62 = arith.constant 16 : i32
      %mul3A_63 = arith.muli %while3A_61, %mul3A_62 : i32
      %add3A_64 = arith.addi %add3A_30, %mul3A_63 : i32
      "tpu.region"() ({
        %run_scoped3A = tpu.sem_alloc : memref<!tpu.dma_semaphore, #tpu.memory_space<semaphore_mem>>
        %dma_start3A_83 = arith.constant 0 : i32
        %dma_start3A_84 = tpu.memref_slice %arg3[%add3A_64, %dma_start3A_83] : memref<2560x128xi32, #tpu.memory_space<hbm>> -> memref<16x128xi32, #tpu.memory_space<hbm>>
        %dma_start3A_85 = arith.constant 0 : i32
        %dma_start3A_86 = tpu.memref_slice %arg3[%add3A_64, %dma_start3A_85] : memref<2560x128xi32, #tpu.memory_space<hbm>> -> memref<16x128xi32, #tpu.memory_space<hbm>>
        tpu.enqueue_dma source(%dma_start3A_86 : memref<16x128xi32, #tpu.memory_space<hbm>>) target(%arg6 : memref<16x128xi32, #tpu.memory_space<vmem>>) target_semaphore(%run_scoped3A : memref<!tpu.dma_semaphore, #tpu.memory_space<semaphore_mem>>)
        %dma_wait3A_87 = arith.constant 0 : i32
        %dma_wait3A_88 = tpu.memref_slice %arg3[%add3A_64, %dma_wait3A_87] : memref<2560x128xi32, #tpu.memory_space<hbm>> -> memref<16x128xi32, #tpu.memory_space<hbm>>
        %dma_wait3A_89 = arith.constant 0 : i32
        %dma_wait3A_90 = tpu.memref_slice %arg3[%add3A_64, %dma_wait3A_89] : memref<2560x128xi32, #tpu.memory_space<hbm>> -> memref<16x128xi32, #tpu.memory_space<hbm>>
        tpu.wait_dma2 semaphore(%run_scoped3A : memref<!tpu.dma_semaphore, #tpu.memory_space<semaphore_mem>>) src(%dma_wait3A_90 : memref<16x128xi32, #tpu.memory_space<hbm>>) dst(%arg6 : memref<16x128xi32, #tpu.memory_space<vmem>>)
        tpu.yield
      }) : () -> ()
      "tpu.region"() ({
        %run_scoped3A = tpu.sem_alloc : memref<!tpu.dma_semaphore, #tpu.memory_space<semaphore_mem>>
        %dma_start3A_83 = arith.constant 0 : i32
        %dma_start3A_84 = tpu.memref_slice %arg2[%add3A_64, %dma_start3A_83] : memref<2560x128xi32, #tpu.memory_space<hbm>> -> memref<16x128xi32, #tpu.memory_space<hbm>>
        %dma_start3A_85 = arith.constant 0 : i32
        %dma_start3A_86 = tpu.memref_slice %arg2[%add3A_64, %dma_start3A_85] : memref<2560x128xi32, #tpu.memory_space<hbm>> -> memref<16x128xi32, #tpu.memory_space<hbm>>
        tpu.enqueue_dma source(%dma_start3A_86 : memref<16x128xi32, #tpu.memory_space<hbm>>) target(%arg7 : memref<16x128xi32, #tpu.memory_space<vmem>>) target_semaphore(%run_scoped3A : memref<!tpu.dma_semaphore, #tpu.memory_space<semaphore_mem>>)
        %dma_wait3A_87 = arith.constant 0 : i32
        %dma_wait3A_88 = tpu.memref_slice %arg2[%add3A_64, %dma_wait3A_87] : memref<2560x128xi32, #tpu.memory_space<hbm>> -> memref<16x128xi32, #tpu.memory_space<hbm>>
        %dma_wait3A_89 = arith.constant 0 : i32
        %dma_wait3A_90 = tpu.memref_slice %arg2[%add3A_64, %dma_wait3A_89] : memref<2560x128xi32, #tpu.memory_space<hbm>> -> memref<16x128xi32, #tpu.memory_space<hbm>>
        tpu.wait_dma2 semaphore(%run_scoped3A : memref<!tpu.dma_semaphore, #tpu.memory_space<semaphore_mem>>) src(%dma_wait3A_90 : memref<16x128xi32, #tpu.memory_space<hbm>>) dst(%arg7 : memref<16x128xi32, #tpu.memory_space<vmem>>)
        tpu.yield
      }) : () -> ()
      %dma_start3A = arith.constant 0 : i32
      %dma_start3A_65 = arith.constant 0 : i32
      %dma_start3A_66 = tpu.memref_slice %arg6[%dma_start3A, %dma_start3A_65] : memref<16x128xi32, #tpu.memory_space<vmem>> -> memref<1x128xi32, #tpu.memory_space<vmem>>
      %dma_start3A_67 = tpu.memref_squeeze %dma_start3A_66 : memref<1x128xi32, #tpu.memory_space<vmem>> -> memref<128xi32, #tpu.memory_space<vmem>>
      %dma_start3A_68 = arith.constant 0 : i32
      %dma_start3A_69 = arith.constant 0 : i32
      %dma_start3A_70 = tpu.memref_slice %arg4[%dma_start3A_68, %dma_start3A_69] : memref<10000x128xf32, #tpu.memory_space<hbm>> -> memref<10000x128xf32, #tpu.memory_space<hbm>>
      tpu.enqueue_indirect_dma source(%dma_start3A_70 : memref<10000x128xf32, #tpu.memory_space<hbm>>) target(%arg8 : memref<128x128xf32, #tpu.memory_space<vmem>>) offsets(%dma_start3A_67 : memref<128xi32, #tpu.memory_space<vmem>>) semaphore(%arg11 : memref<!tpu.dma_semaphore, #tpu.memory_space<semaphore_mem>>)
      %scan3A_71 = arith.constant 0 : i32
      %scan3A_72 = arith.constant 0 : i32
      %scan3A_73 = arith.constant 8 : i32
      %scan3A_74 = arith.addi %scan3A_72, %scan3A_73 : i32
      %scan3A_75 = arith.constant 1 : i32
      scf.for %scan3A_83 = %scan3A_72 to %scan3A_74 step %scan3A_75  : i32 {
        %mul3A_84 = arith.constant 2 : i32
        %mul3A_85 = arith.muli %scan3A_83, %mul3A_84 : i32
        %add3A_86 = arith.constant 1 : i32
        %add3A_87 = arith.addi %mul3A_85, %add3A_86 : i32
        %dma_start3A_88 = arith.constant 0 : i32
        %dma_start3A_89 = tpu.memref_slice %arg6[%add3A_87, %dma_start3A_88] : memref<16x128xi32, #tpu.memory_space<vmem>> -> memref<1x128xi32, #tpu.memory_space<vmem>>
        %dma_start3A_90 = tpu.memref_squeeze %dma_start3A_89 : memref<1x128xi32, #tpu.memory_space<vmem>> -> memref<128xi32, #tpu.memory_space<vmem>>
        %dma_start3A_91 = arith.constant 0 : i32
        %dma_start3A_92 = arith.constant 0 : i32
        %dma_start3A_93 = tpu.memref_slice %arg4[%dma_start3A_91, %dma_start3A_92] : memref<10000x128xf32, #tpu.memory_space<hbm>> -> memref<10000x128xf32, #tpu.memory_space<hbm>>
        tpu.enqueue_indirect_dma source(%dma_start3A_93 : memref<10000x128xf32, #tpu.memory_space<hbm>>) target(%arg9 : memref<128x128xf32, #tpu.memory_space<vmem>>) offsets(%dma_start3A_90 : memref<128xi32, #tpu.memory_space<vmem>>) semaphore(%arg12 : memref<!tpu.dma_semaphore, #tpu.memory_space<semaphore_mem>>)
        %dma_wait3A_94 = arith.constant 0 : i32
        %dma_wait3A_95 = tpu.memref_slice %arg6[%mul3A_85, %dma_wait3A_94] : memref<16x128xi32, #tpu.memory_space<vmem>> -> memref<1x128xi32, #tpu.memory_space<vmem>>
        %dma_wait3A_96 = tpu.memref_squeeze %dma_wait3A_95 : memref<1x128xi32, #tpu.memory_space<vmem>> -> memref<128xi32, #tpu.memory_space<vmem>>
        %dma_wait3A_97 = arith.constant 0 : i32
        %dma_wait3A_98 = arith.constant 0 : i32
        %dma_wait3A_99 = tpu.memref_slice %arg4[%dma_wait3A_97, %dma_wait3A_98] : memref<10000x128xf32, #tpu.memory_space<hbm>> -> memref<10000x128xf32, #tpu.memory_space<hbm>>
        tpu.wait_indirect_dma semaphore(%arg11 : memref<!tpu.dma_semaphore, #tpu.memory_space<semaphore_mem>>) src(%dma_wait3A_99 : memref<10000x128xf32, #tpu.memory_space<hbm>>) dst(%arg8 : memref<128x128xf32, #tpu.memory_space<vmem>>)
        "tpu.region"() ({
          %run_scoped3A = tpu.sem_alloc : memref<!tpu.dma_semaphore, #tpu.memory_space<semaphore_mem>>
          %dma_start3A_115 = arith.constant 0 : i32
          %dma_start3A_116 = tpu.memref_slice %arg7[%mul3A_85, %dma_start3A_115] : memref<16x128xi32, #tpu.memory_space<vmem>> -> memref<1x128xi32, #tpu.memory_space<vmem>>
          %dma_start3A_117 = tpu.memref_squeeze %dma_start3A_116 : memref<1x128xi32, #tpu.memory_space<vmem>> -> memref<128xi32, #tpu.memory_space<vmem>>
          %dma_start3A_118 = arith.constant 0 : i32
          %dma_start3A_119 = arith.constant 0 : i32
          %dma_start3A_120 = tpu.memref_slice %arg10[%dma_start3A_118, %dma_start3A_119] : memref<10240x128xf32, #tpu.memory_space<vmem_shared>> -> memref<10240x128xf32, #tpu.memory_space<vmem_shared>>
          tpu.enqueue_indirect_dma source(%arg8 : memref<128x128xf32, #tpu.memory_space<vmem>>) target(%dma_start3A_120 : memref<10240x128xf32, #tpu.memory_space<vmem_shared>>) offsets(%dma_start3A_117 : memref<128xi32, #tpu.memory_space<vmem>>) semaphore(%run_scoped3A : memref<!tpu.dma_semaphore, #tpu.memory_space<semaphore_mem>>) {add = true}
          %dma_wait3A_121 = arith.constant 0 : i32
          %dma_wait3A_122 = tpu.memref_slice %arg7[%mul3A_85, %dma_wait3A_121] : memref<16x128xi32, #tpu.memory_space<vmem>> -> memref<1x128xi32, #tpu.memory_space<vmem>>
          %dma_wait3A_123 = tpu.memref_squeeze %dma_wait3A_122 : memref<1x128xi32, #tpu.memory_space<vmem>> -> memref<128xi32, #tpu.memory_space<vmem>>
          %dma_wait3A_124 = arith.constant 0 : i32
          %dma_wait3A_125 = arith.constant 0 : i32
          %dma_wait3A_126 = tpu.memref_slice %arg10[%dma_wait3A_124, %dma_wait3A_125] : memref<10240x128xf32, #tpu.memory_space<vmem_shared>> -> memref<10240x128xf32, #tpu.memory_space<vmem_shared>>
          tpu.wait_indirect_dma semaphore(%run_scoped3A : memref<!tpu.dma_semaphore, #tpu.memory_space<semaphore_mem>>) src(%arg8 : memref<128x128xf32, #tpu.memory_space<vmem>>) dst(%dma_wait3A_126 : memref<10240x128xf32, #tpu.memory_space<vmem_shared>>)
          tpu.yield
        }) : () -> ()
        %add3A_100 = arith.constant 2 : i32
        %add3A_101 = arith.addi %mul3A_85, %add3A_100 : i32
        %min3A = arith.constant 15 : i32
        %min3A_102 = arith.minsi %add3A_101, %min3A : i32
        %dma_start3A_103 = arith.constant 0 : i32
        %dma_start3A_104 = tpu.memref_slice %arg6[%min3A_102, %dma_start3A_103] : memref<16x128xi32, #tpu.memory_space<vmem>> -> memref<1x128xi32, #tpu.memory_space<vmem>>
        %dma_start3A_105 = tpu.memref_squeeze %dma_start3A_104 : memref<1x128xi32, #tpu.memory_space<vmem>> -> memref<128xi32, #tpu.memory_space<vmem>>
        %dma_start3A_106 = arith.constant 0 : i32
        %dma_start3A_107 = arith.constant 0 : i32
        %dma_start3A_108 = tpu.memref_slice %arg4[%dma_start3A_106, %dma_start3A_107] : memref<10000x128xf32, #tpu.memory_space<hbm>> -> memref<10000x128xf32, #tpu.memory_space<hbm>>
        tpu.enqueue_indirect_dma source(%dma_start3A_108 : memref<10000x128xf32, #tpu.memory_space<hbm>>) target(%arg8 : memref<128x128xf32, #tpu.memory_space<vmem>>) offsets(%dma_start3A_105 : memref<128xi32, #tpu.memory_space<vmem>>) semaphore(%arg11 : memref<!tpu.dma_semaphore, #tpu.memory_space<semaphore_mem>>)
        %dma_wait3A_109 = arith.constant 0 : i32
        %dma_wait3A_110 = tpu.memref_slice %arg6[%add3A_87, %dma_wait3A_109] : memref<16x128xi32, #tpu.memory_space<vmem>> -> memref<1x128xi32, #tpu.memory_space<vmem>>
        %dma_wait3A_111 = tpu.memref_squeeze %dma_wait3A_110 : memref<1x128xi32, #tpu.memory_space<vmem>> -> memref<128xi32, #tpu.memory_space<vmem>>
        %dma_wait3A_112 = arith.constant 0 : i32
        %dma_wait3A_113 = arith.constant 0 : i32
        %dma_wait3A_114 = tpu.memref_slice %arg4[%dma_wait3A_112, %dma_wait3A_113] : memref<10000x128xf32, #tpu.memory_space<hbm>> -> memref<10000x128xf32, #tpu.memory_space<hbm>>
        tpu.wait_indirect_dma semaphore(%arg12 : memref<!tpu.dma_semaphore, #tpu.memory_space<semaphore_mem>>) src(%dma_wait3A_114 : memref<10000x128xf32, #tpu.memory_space<hbm>>) dst(%arg9 : memref<128x128xf32, #tpu.memory_space<vmem>>)
        "tpu.region"() ({
          %run_scoped3A = tpu.sem_alloc : memref<!tpu.dma_semaphore, #tpu.memory_space<semaphore_mem>>
          %dma_start3A_115 = arith.constant 0 : i32
          %dma_start3A_116 = tpu.memref_slice %arg7[%add3A_87, %dma_start3A_115] : memref<16x128xi32, #tpu.memory_space<vmem>> -> memref<1x128xi32, #tpu.memory_space<vmem>>
          %dma_start3A_117 = tpu.memref_squeeze %dma_start3A_116 : memref<1x128xi32, #tpu.memory_space<vmem>> -> memref<128xi32, #tpu.memory_space<vmem>>
          %dma_start3A_118 = arith.constant 0 : i32
          %dma_start3A_119 = arith.constant 0 : i32
          %dma_start3A_120 = tpu.memref_slice %arg10[%dma_start3A_118, %dma_start3A_119] : memref<10240x128xf32, #tpu.memory_space<vmem_shared>> -> memref<10240x128xf32, #tpu.memory_space<vmem_shared>>
          tpu.enqueue_indirect_dma source(%arg9 : memref<128x128xf32, #tpu.memory_space<vmem>>) target(%dma_start3A_120 : memref<10240x128xf32, #tpu.memory_space<vmem_shared>>) offsets(%dma_start3A_117 : memref<128xi32, #tpu.memory_space<vmem>>) semaphore(%run_scoped3A : memref<!tpu.dma_semaphore, #tpu.memory_space<semaphore_mem>>) {add = true}
          %dma_wait3A_121 = arith.constant 0 : i32
          %dma_wait3A_122 = tpu.memref_slice %arg7[%add3A_87, %dma_wait3A_121] : memref<16x128xi32, #tpu.memory_space<vmem>> -> memref<1x128xi32, #tpu.memory_space<vmem>>
          %dma_wait3A_123 = tpu.memref_squeeze %dma_wait3A_122 : memref<1x128xi32, #tpu.memory_space<vmem>> -> memref<128xi32, #tpu.memory_space<vmem>>
          %dma_wait3A_124 = arith.constant 0 : i32
          %dma_wait3A_125 = arith.constant 0 : i32
          %dma_wait3A_126 = tpu.memref_slice %arg10[%dma_wait3A_124, %dma_wait3A_125] : memref<10240x128xf32, #tpu.memory_space<vmem_shared>> -> memref<10240x128xf32, #tpu.memory_space<vmem_shared>>
          tpu.wait_indirect_dma semaphore(%run_scoped3A : memref<!tpu.dma_semaphore, #tpu.memory_space<semaphore_mem>>) src(%arg9 : memref<128x128xf32, #tpu.memory_space<vmem>>) dst(%dma_wait3A_126 : memref<10240x128xf32, #tpu.memory_space<vmem_shared>>)
          tpu.yield
        }) : () -> ()
      }
      %scan3A_76 = arith.constant 8 : i32
      %dma_wait3A = arith.constant 0 : i32
      %dma_wait3A_77 = arith.constant 0 : i32
      %dma_wait3A_78 = tpu.memref_slice %arg6[%dma_wait3A, %dma_wait3A_77] : memref<16x128xi32, #tpu.memory_space<vmem>> -> memref<1x128xi32, #tpu.memory_space<vmem>>
      %dma_wait3A_79 = tpu.memref_squeeze %dma_wait3A_78 : memref<1x128xi32, #tpu.memory_space<vmem>> -> memref<128xi32, #tpu.memory_space<vmem>>
      %dma_wait3A_80 = arith.constant 0 : i32
      %dma_wait3A_81 = arith.constant 0 : i32
      %dma_wait3A_82 = tpu.memref_slice %arg4[%dma_wait3A_80, %dma_wait3A_81] : memref<10000x128xf32, #tpu.memory_space<hbm>> -> memref<10000x128xf32, #tpu.memory_space<hbm>>
      tpu.wait_indirect_dma semaphore(%arg11 : memref<!tpu.dma_semaphore, #tpu.memory_space<semaphore_mem>>) src(%dma_wait3A_82 : memref<10000x128xf32, #tpu.memory_space<hbm>>) dst(%arg8 : memref<128x128xf32, #tpu.memory_space<vmem>>)
    }
    %barrier3A_58 = arith.constant 0 : index
    tpu.barrier barrier_id(%barrier3A_58)
    %mul3A_59 = arith.constant 640 : i32
    %mul3A_60 = arith.muli %arg1, %mul3A_59 : i32
    "tpu.region"() ({
      %run_scoped3A = tpu.sem_alloc : memref<!tpu.dma_semaphore, #tpu.memory_space<semaphore_mem>>
      %dma_start3A = arith.constant 0 : i32
      %dma_start3A_61 = tpu.memref_slice %arg5[%arg0, %mul3A_60, %dma_start3A] : memref<2x10240x128xf32, #tpu.memory_space<hbm>> -> memref<1x640x128xf32, #tpu.memory_space<hbm>>
      %dma_start3A_62 = tpu.memref_squeeze %dma_start3A_61 : memref<1x640x128xf32, #tpu.memory_space<hbm>> -> memref<640x128xf32, #tpu.memory_space<hbm>>
      %dma_start3A_63 = arith.constant 0 : i32
      %dma_start3A_64 = tpu.memref_slice %arg10[%mul3A_60, %dma_start3A_63] : memref<10240x128xf32, #tpu.memory_space<vmem_shared>> -> memref<640x128xf32, #tpu.memory_space<vmem_shared>>
      tpu.enqueue_dma source(%dma_start3A_64 : memref<640x128xf32, #tpu.memory_space<vmem_shared>>) target(%dma_start3A_62 : memref<640x128xf32, #tpu.memory_space<hbm>>) target_semaphore(%run_scoped3A : memref<!tpu.dma_semaphore, #tpu.memory_space<semaphore_mem>>)
      %dma_wait3A = arith.constant 0 : i32
      %dma_wait3A_65 = tpu.memref_slice %arg5[%arg0, %mul3A_60, %dma_wait3A] : memref<2x10240x128xf32, #tpu.memory_space<hbm>> -> memref<1x640x128xf32, #tpu.memory_space<hbm>>
      %dma_wait3A_66 = tpu.memref_squeeze %dma_wait3A_65 : memref<1x640x128xf32, #tpu.memory_space<hbm>> -> memref<640x128xf32, #tpu.memory_space<hbm>>
      %dma_wait3A_67 = arith.constant 0 : i32
      %dma_wait3A_68 = tpu.memref_slice %arg10[%mul3A_60, %dma_wait3A_67] : memref<10240x128xf32, #tpu.memory_space<vmem_shared>> -> memref<640x128xf32, #tpu.memory_space<vmem_shared>>
      tpu.wait_dma2 semaphore(%run_scoped3A : memref<!tpu.dma_semaphore, #tpu.memory_space<semaphore_mem>>) src(%dma_wait3A_68 : memref<640x128xf32, #tpu.memory_space<vmem_shared>>) dst(%dma_wait3A_66 : memref<640x128xf32, #tpu.memory_space<hbm>>)
      tpu.yield
    }) : () -> ()
    return
  }
}

module attributes {stable_mosaic.version = 14 : i64} {
  func.func @_mid_body(%arg0: i32, %arg1: memref<1x400x128xf32, #tpu.memory_space<vmem>>, %arg2: memref<1x400x128xf32, #tpu.memory_space<vmem>>, %arg3: memref<1x128xf32, #tpu.memory_space<vmem>>, %arg4: memref<128x128xf32, #tpu.memory_space<vmem>>, %arg5: memref<400x128xf32, #tpu.memory_space<vmem>>) attributes {dimension_semantics = [#tpu.dimension_semantics<arbitrary>], iteration_bounds = array<i64: 25>, scalar_prefetch = 0 : i64, scratch_operands = 0 : i64, tpu.core_type = #tpu.core_type<tc>, window_params = [{transform_indices = @transform_0, window_bounds = array<i64: 1, 400, 128>}, {transform_indices = @transform_1, window_bounds = array<i64: 1, 400, 128>}, {pipeline_mode = #tpu.pipeline_mode<synchronous>, transform_indices = @transform_2, window_bounds = array<i64: 1, 128>}, {pipeline_mode = #tpu.pipeline_mode<synchronous>, transform_indices = @transform_3, window_bounds = array<i64: 128, 128>}, {transform_indices = @transform_4, window_bounds = array<i64: 400, 128>}]} {
    %get3A = arith.constant 0 : index
    %get3A_0 = arith.constant 0 : index
    %get3A_1 = arith.constant 0 : index
    %get3A_2 = vector.load %arg1[%get3A, %get3A_0, %get3A_1] : memref<1x400x128xf32, #tpu.memory_space<vmem>>, vector<1x400x128xf32>
    %get3A_3 = vector.shape_cast %get3A_2 : vector<1x400x128xf32> to vector<400x128xf32>
    %get3A_4 = arith.constant 0 : index
    %get3A_5 = arith.constant 0 : index
    %get3A_6 = arith.constant 0 : index
    %get3A_7 = vector.load %arg2[%get3A_4, %get3A_5, %get3A_6] : memref<1x400x128xf32, #tpu.memory_space<vmem>>, vector<1x400x128xf32>
    %get3A_8 = vector.shape_cast %get3A_7 : vector<1x400x128xf32> to vector<400x128xf32>
    %add3A = arith.addf %get3A_3, %get3A_8 : vector<400x128xf32>
    %get3A_9 = arith.constant 0 : index
    %get3A_10 = arith.constant 0 : index
    %get3A_11 = vector.load %arg3[%get3A_9, %get3A_10] : memref<1x128xf32, #tpu.memory_space<vmem>>, vector<1x128xf32>
    %add3A_12 = vector.broadcast %get3A_11 : vector<1x128xf32> to vector<400x128xf32>
    %add3A_13 = arith.addf %add3A, %add3A_12 : vector<400x128xf32>
    %max3A = arith.constant 0.000000e+00 : f32
    %max3A_14 = vector.broadcast %max3A : f32 to vector<400x128xf32>
    %max3A_15 = arith.maximumf %add3A_13, %max3A_14 : vector<400x128xf32>
    %get3A_16 = arith.constant 0 : index
    %get3A_17 = arith.constant 0 : index
    %get3A_18 = vector.load %arg4[%get3A_16, %get3A_17] : memref<128x128xf32, #tpu.memory_space<vmem>>, vector<128x128xf32>
    %dot_general3A = arith.constant dense<0.000000e+00> : vector<400x128xf32>
    %dot_general3A_19 = tpu.matmul %max3A_15, %get3A_18, %dot_general3A {dimension_numbers = #tpu.dot_dimension_numbers<[1], [0], [0], [1], [0, 0, 1, 1], [], []>, transpose_lhs_hint = false} : vector<400x128xf32>, vector<128x128xf32>, vector<400x128xf32> -> vector<400x128xf32>
    %swap3A = arith.constant 0 : index
    %swap3A_20 = arith.constant 0 : index
    %swap3A_21 = vector.load %arg5[%swap3A, %swap3A_20] : memref<400x128xf32, #tpu.memory_space<vmem>>, vector<400x128xf32>
    tpu.vector_store %arg5[%swap3A, %swap3A_20], %dot_general3A_19 {strides = array<i32>} : memref<400x128xf32, #tpu.memory_space<vmem>>, vector<400x128xf32>,
    return
  }
  func.func @transform_0(%arg0: i32) -> (i32, i32, i32) {
    %c0_i32 = arith.constant 0 : i32
    %c0_i32_0 = arith.constant 0 : i32
    %c0_i32_1 = arith.constant 0 : i32
    return %c0_i32, %arg0, %c0_i32_0 : i32, i32, i32
  }
  func.func @transform_1(%arg0: i32) -> (i32, i32, i32) {
    %c1_i32 = arith.constant 1 : i32
    %c0_i32 = arith.constant 0 : i32
    %c0_i32_0 = arith.constant 0 : i32
    return %c1_i32, %arg0, %c0_i32 : i32, i32, i32
  }
  func.func @transform_2(%arg0: i32) -> (i32, i32) {
    %c0_i32 = arith.constant 0 : i32
    %c0_i32_0 = arith.constant 0 : i32
    %c0_i32_1 = arith.constant 0 : i32
    return %c0_i32, %c0_i32_0 : i32, i32
  }
  func.func @transform_3(%arg0: i32) -> (i32, i32) {
    %c0_i32 = arith.constant 0 : i32
    %c0_i32_0 = arith.constant 0 : i32
    %c0_i32_1 = arith.constant 0 : i32
    return %c0_i32, %c0_i32_0 : i32, i32
  }
  func.func @transform_4(%arg0: i32) -> (i32, i32) {
    %c0_i32 = arith.constant 0 : i32
    %c0_i32_0 = arith.constant 0 : i32
    return %arg0, %c0_i32 : i32, i32
  }
}

module attributes {stable_mosaic.version = 14 : i64} {
  func.func @_s1_body(%arg0: i32, %arg1: memref<400x128xf32, #tpu.memory_space<vmem>>, %arg2: memref<128x128xf32, #tpu.memory_space<vmem>>, %arg3: memref<400x128xf32, #tpu.memory_space<vmem>>) attributes {dimension_semantics = [#tpu.dimension_semantics<arbitrary>], iteration_bounds = array<i64: 25>, scalar_prefetch = 0 : i64, scratch_operands = 0 : i64, tpu.core_type = #tpu.core_type<tc>, window_params = [{transform_indices = @transform_0, window_bounds = array<i64: 400, 128>}, {pipeline_mode = #tpu.pipeline_mode<synchronous>, transform_indices = @transform_1, window_bounds = array<i64: 128, 128>}, {transform_indices = @transform_2, window_bounds = array<i64: 400, 128>}]} {
    %get3A = arith.constant 0 : index
    %get3A_0 = arith.constant 0 : index
    %get3A_1 = vector.load %arg1[%get3A, %get3A_0] : memref<400x128xf32, #tpu.memory_space<vmem>>, vector<400x128xf32>
    %get3A_2 = arith.constant 0 : index
    %get3A_3 = arith.constant 0 : index
    %get3A_4 = vector.load %arg2[%get3A_2, %get3A_3] : memref<128x128xf32, #tpu.memory_space<vmem>>, vector<128x128xf32>
    %dot_general3A = arith.constant dense<0.000000e+00> : vector<400x128xf32>
    %dot_general3A_5 = tpu.matmul %get3A_1, %get3A_4, %dot_general3A {dimension_numbers = #tpu.dot_dimension_numbers<[1], [0], [0], [1], [0, 0, 1, 1], [], []>, transpose_lhs_hint = false} : vector<400x128xf32>, vector<128x128xf32>, vector<400x128xf32> -> vector<400x128xf32>
    %swap3A = arith.constant 0 : index
    %swap3A_6 = arith.constant 0 : index
    %swap3A_7 = vector.load %arg3[%swap3A, %swap3A_6] : memref<400x128xf32, #tpu.memory_space<vmem>>, vector<400x128xf32>
    tpu.vector_store %arg3[%swap3A, %swap3A_6], %dot_general3A_5 {strides = array<i32>} : memref<400x128xf32, #tpu.memory_space<vmem>>, vector<400x128xf32>,
    return
  }
  func.func @transform_0(%arg0: i32) -> (i32, i32) {
    %c0_i32 = arith.constant 0 : i32
    %c0_i32_0 = arith.constant 0 : i32
    return %arg0, %c0_i32 : i32, i32
  }
  func.func @transform_1(%arg0: i32) -> (i32, i32) {
    %c0_i32 = arith.constant 0 : i32
    %c0_i32_0 = arith.constant 0 : i32
    %c0_i32_1 = arith.constant 0 : i32
    return %c0_i32, %c0_i32_0 : i32, i32
  }
  func.func @transform_2(%arg0: i32) -> (i32, i32) {
    %c0_i32 = arith.constant 0 : i32
    %c0_i32_0 = arith.constant 0 : i32
    return %arg0, %c0_i32 : i32, i32
  }
}

module attributes {stable_mosaic.version = 14 : i64} {
  func.func @_enc_body(%arg0: i32, %arg1: memref<400x2048xf32, #tpu.memory_space<vmem>>, %arg2: memref<400x1000xf32, #tpu.memory_space<vmem>>, %arg3: memref<400x1000xf32, #tpu.memory_space<vmem>>, %arg4: memref<400x300xf32, #tpu.memory_space<vmem>>, %arg5: memref<400x100xf32, #tpu.memory_space<vmem>>, %arg6: memref<2048x128xf32, #tpu.memory_space<vmem>>, %arg7: memref<1000x128xf32, #tpu.memory_space<vmem>>, %arg8: memref<1000x128xf32, #tpu.memory_space<vmem>>, %arg9: memref<300x128xf32, #tpu.memory_space<vmem>>, %arg10: memref<100x128xf32, #tpu.memory_space<vmem>>, %arg11: memref<1x128xf32, #tpu.memory_space<vmem>>, %arg12: memref<1x128xf32, #tpu.memory_space<vmem>>, %arg13: memref<1x128xf32, #tpu.memory_space<vmem>>, %arg14: memref<1x128xf32, #tpu.memory_space<vmem>>, %arg15: memref<1x128xf32, #tpu.memory_space<vmem>>, %arg16: memref<400x128xf32, #tpu.memory_space<vmem>>, %arg17: memref<400x128xf32, #tpu.memory_space<vmem>>, %arg18: memref<400x128xf32, #tpu.memory_space<vmem>>, %arg19: memref<400x128xf32, #tpu.memory_space<vmem>>, %arg20: memref<400x128xf32, #tpu.memory_space<vmem>>) attributes {dimension_semantics = [#tpu.dimension_semantics<arbitrary>], iteration_bounds = array<i64: 25>, scalar_prefetch = 0 : i64, scratch_operands = 0 : i64, tpu.core_type = #tpu.core_type<tc>, window_params = [{transform_indices = @transform_0, window_bounds = array<i64: 400, 2048>}, {transform_indices = @transform_1, window_bounds = array<i64: 400, 1000>}, {transform_indices = @transform_2, window_bounds = array<i64: 400, 1000>}, {transform_indices = @transform_3, window_bounds = array<i64: 400, 300>}, {transform_indices = @transform_4, window_bounds = array<i64: 400, 100>}, {pipeline_mode = #tpu.pipeline_mode<synchronous>, transform_indices = @transform_5, window_bounds = array<i64: 2048, 128>}, {pipeline_mode = #tpu.pipeline_mode<synchronous>, transform_indices = @transform_6, window_bounds = array<i64: 1000, 128>}, {pipeline_mode = #tpu.pipeline_mode<synchronous>, transform_indices = @transform_7, window_bounds = array<i64: 1000, 128>}, {pipeline_mode = #tpu.pipeline_mode<synchronous>, transform_indices = @transform_8, window_bounds = array<i64: 300, 128>}, {pipeline_mode = #tpu.pipeline_mode<synchronous>, transform_indices = @transform_9, window_bounds = array<i64: 100, 128>}, {pipeline_mode = #tpu.pipeline_mode<synchronous>, transform_indices = @transform_10, window_bounds = array<i64: 1, 128>}, {pipeline_mode = #tpu.pipeline_mode<synchronous>, transform_indices = @transform_11, window_bounds = array<i64: 1, 128>}, {pipeline_mode = #tpu.pipeline_mode<synchronous>, transform_indices = @transform_12, window_bounds = array<i64: 1, 128>}, {pipeline_mode = #tpu.pipeline_mode<synchronous>, transform_indices = @transform_13, window_bounds = array<i64: 1, 128>}, {pipeline_mode = #tpu.pipeline_mode<synchronous>, transform_indices = @transform_14, window_bounds = array<i64: 1, 128>}, {transform_indices = @transform_15, window_bounds = array<i64: 400, 128>}, {transform_indices = @transform_16, window_bounds = array<i64: 400, 128>}, {transform_indices = @transform_17, window_bounds = array<i64: 400, 128>}, {transform_indices = @transform_18, window_bounds = array<i64: 400, 128>}, {transform_indices = @transform_19, window_bounds = array<i64: 400, 128>}]} {
    %get3A = arith.constant 0 : index
    %get3A_0 = arith.constant 0 : index
    %get3A_1 = vector.load %arg1[%get3A, %get3A_0] : memref<400x2048xf32, #tpu.memory_space<vmem>>, vector<400x2048xf32>
    %get3A_2 = arith.constant 0 : index
    %get3A_3 = arith.constant 0 : index
    %get3A_4 = vector.load %arg6[%get3A_2, %get3A_3] : memref<2048x128xf32, #tpu.memory_space<vmem>>, vector<2048x128xf32>
    %dot_general3A = arith.constant dense<0.000000e+00> : vector<400x128xf32>
    %dot_general3A_5 = tpu.matmul %get3A_1, %get3A_4, %dot_general3A {dimension_numbers = #tpu.dot_dimension_numbers<[1], [0], [0], [1], [0, 0, 1, 1], [], []>, transpose_lhs_hint = false} : vector<400x2048xf32>, vector<2048x128xf32>, vector<400x128xf32> -> vector<400x128xf32>
    %get3A_6 = arith.constant 0 : index
    %get3A_7 = arith.constant 0 : index
    %get3A_8 = vector.load %arg11[%get3A_6, %get3A_7] : memref<1x128xf32, #tpu.memory_space<vmem>>, vector<1x128xf32>
    %add3A = vector.broadcast %get3A_8 : vector<1x128xf32> to vector<400x128xf32>
    %add3A_9 = arith.addf %dot_general3A_5, %add3A : vector<400x128xf32>
    %swap3A = arith.constant 0 : index
    %swap3A_10 = arith.constant 0 : index
    %swap3A_11 = vector.load %arg16[%swap3A, %swap3A_10] : memref<400x128xf32, #tpu.memory_space<vmem>>, vector<400x128xf32>
    tpu.vector_store %arg16[%swap3A, %swap3A_10], %add3A_9 {strides = array<i32>} : memref<400x128xf32, #tpu.memory_space<vmem>>, vector<400x128xf32>,
    %get3A_12 = arith.constant 0 : index
    %get3A_13 = arith.constant 0 : index
    %get3A_14 = vector.load %arg2[%get3A_12, %get3A_13] : memref<400x1000xf32, #tpu.memory_space<vmem>>, vector<400x1000xf32>
    %get3A_15 = arith.constant 0 : index
    %get3A_16 = arith.constant 0 : index
    %get3A_17 = vector.load %arg7[%get3A_15, %get3A_16] : memref<1000x128xf32, #tpu.memory_space<vmem>>, vector<1000x128xf32>
    %dot_general3A_18 = arith.constant dense<0.000000e+00> : vector<400x128xf32>
    %dot_general3A_19 = tpu.matmul %get3A_14, %get3A_17, %dot_general3A_18 {dimension_numbers = #tpu.dot_dimension_numbers<[1], [0], [0], [1], [0, 0, 1, 1], [], []>, transpose_lhs_hint = false} : vector<400x1000xf32>, vector<1000x128xf32>, vector<400x128xf32> -> vector<400x128xf32>
    %get3A_20 = arith.constant 0 : index
    %get3A_21 = arith.constant 0 : index
    %get3A_22 = vector.load %arg12[%get3A_20, %get3A_21] : memref<1x128xf32, #tpu.memory_space<vmem>>, vector<1x128xf32>
    %add3A_23 = vector.broadcast %get3A_22 : vector<1x128xf32> to vector<400x128xf32>
    %add3A_24 = arith.addf %dot_general3A_19, %add3A_23 : vector<400x128xf32>
    %swap3A_25 = arith.constant 0 : index
    %swap3A_26 = arith.constant 0 : index
    %swap3A_27 = vector.load %arg17[%swap3A_25, %swap3A_26] : memref<400x128xf32, #tpu.memory_space<vmem>>, vector<400x128xf32>
    tpu.vector_store %arg17[%swap3A_25, %swap3A_26], %add3A_24 {strides = array<i32>} : memref<400x128xf32, #tpu.memory_space<vmem>>, vector<400x128xf32>,
    %get3A_28 = arith.constant 0 : index
    %get3A_29 = arith.constant 0 : index
    %get3A_30 = vector.load %arg3[%get3A_28, %get3A_29] : memref<400x1000xf32, #tpu.memory_space<vmem>>, vector<400x1000xf32>
    %get3A_31 = arith.constant 0 : index
    %get3A_32 = arith.constant 0 : index
    %get3A_33 = vector.load %arg8[%get3A_31, %get3A_32] : memref<1000x128xf32, #tpu.memory_space<vmem>>, vector<1000x128xf32>
    %dot_general3A_34 = arith.constant dense<0.000000e+00> : vector<400x128xf32>
    %dot_general3A_35 = tpu.matmul %get3A_30, %get3A_33, %dot_general3A_34 {dimension_numbers = #tpu.dot_dimension_numbers<[1], [0], [0], [1], [0, 0, 1, 1], [], []>, transpose_lhs_hint = false} : vector<400x1000xf32>, vector<1000x128xf32>, vector<400x128xf32> -> vector<400x128xf32>
    %get3A_36 = arith.constant 0 : index
    %get3A_37 = arith.constant 0 : index
    %get3A_38 = vector.load %arg13[%get3A_36, %get3A_37] : memref<1x128xf32, #tpu.memory_space<vmem>>, vector<1x128xf32>
    %add3A_39 = vector.broadcast %get3A_38 : vector<1x128xf32> to vector<400x128xf32>
    %add3A_40 = arith.addf %dot_general3A_35, %add3A_39 : vector<400x128xf32>
    %swap3A_41 = arith.constant 0 : index
    %swap3A_42 = arith.constant 0 : index
    %swap3A_43 = vector.load %arg18[%swap3A_41, %swap3A_42] : memref<400x128xf32, #tpu.memory_space<vmem>>, vector<400x128xf32>
    tpu.vector_store %arg18[%swap3A_41, %swap3A_42], %add3A_40 {strides = array<i32>} : memref<400x128xf32, #tpu.memory_space<vmem>>, vector<400x128xf32>,
    %get3A_44 = arith.constant 0 : index
    %get3A_45 = arith.constant 0 : index
    %get3A_46 = vector.load %arg4[%get3A_44, %get3A_45] : memref<400x300xf32, #tpu.memory_space<vmem>>, vector<400x300xf32>
    %get3A_47 = arith.constant 0 : index
    %get3A_48 = arith.constant 0 : index
    %get3A_49 = vector.load %arg9[%get3A_47, %get3A_48] : memref<300x128xf32, #tpu.memory_space<vmem>>, vector<300x128xf32>
    %dot_general3A_50 = arith.constant dense<0.000000e+00> : vector<400x128xf32>
    %dot_general3A_51 = tpu.matmul %get3A_46, %get3A_49, %dot_general3A_50 {dimension_numbers = #tpu.dot_dimension_numbers<[1], [0], [0], [1], [0, 0, 1, 1], [], []>, transpose_lhs_hint = false} : vector<400x300xf32>, vector<300x128xf32>, vector<400x128xf32> -> vector<400x128xf32>
    %get3A_52 = arith.constant 0 : index
    %get3A_53 = arith.constant 0 : index
    %get3A_54 = vector.load %arg14[%get3A_52, %get3A_53] : memref<1x128xf32, #tpu.memory_space<vmem>>, vector<1x128xf32>
    %add3A_55 = vector.broadcast %get3A_54 : vector<1x128xf32> to vector<400x128xf32>
    %add3A_56 = arith.addf %dot_general3A_51, %add3A_55 : vector<400x128xf32>
    %swap3A_57 = arith.constant 0 : index
    %swap3A_58 = arith.constant 0 : index
    %swap3A_59 = vector.load %arg19[%swap3A_57, %swap3A_58] : memref<400x128xf32, #tpu.memory_space<vmem>>, vector<400x128xf32>
    tpu.vector_store %arg19[%swap3A_57, %swap3A_58], %add3A_56 {strides = array<i32>} : memref<400x128xf32, #tpu.memory_space<vmem>>, vector<400x128xf32>,
    %get3A_60 = arith.constant 0 : index
    %get3A_61 = arith.constant 0 : index
    %get3A_62 = vector.load %arg5[%get3A_60, %get3A_61] : memref<400x100xf32, #tpu.memory_space<vmem>>, vector<400x100xf32>
    %get3A_63 = arith.constant 0 : index
    %get3A_64 = arith.constant 0 : index
    %get3A_65 = vector.load %arg10[%get3A_63, %get3A_64] : memref<100x128xf32, #tpu.memory_space<vmem>>, vector<100x128xf32>
    %dot_general3A_66 = arith.constant dense<0.000000e+00> : vector<400x128xf32>
    %dot_general3A_67 = tpu.matmul %get3A_62, %get3A_65, %dot_general3A_66 {dimension_numbers = #tpu.dot_dimension_numbers<[1], [0], [0], [1], [0, 0, 1, 1], [], []>, transpose_lhs_hint = false} : vector<400x100xf32>, vector<100x128xf32>, vector<400x128xf32> -> vector<400x128xf32>
    %get3A_68 = arith.constant 0 : index
    %get3A_69 = arith.constant 0 : index
    %get3A_70 = vector.load %arg15[%get3A_68, %get3A_69] : memref<1x128xf32, #tpu.memory_space<vmem>>, vector<1x128xf32>
    %add3A_71 = vector.broadcast %get3A_70 : vector<1x128xf32> to vector<400x128xf32>
    %add3A_72 = arith.addf %dot_general3A_67, %add3A_71 : vector<400x128xf32>
    %swap3A_73 = arith.constant 0 : index
    %swap3A_74 = arith.constant 0 : index
    %swap3A_75 = vector.load %arg20[%swap3A_73, %swap3A_74] : memref<400x128xf32, #tpu.memory_space<vmem>>, vector<400x128xf32>
    tpu.vector_store %arg20[%swap3A_73, %swap3A_74], %add3A_72 {strides = array<i32>} : memref<400x128xf32, #tpu.memory_space<vmem>>, vector<400x128xf32>,
    return
  }
  func.func @transform_0(%arg0: i32) -> (i32, i32) {
    %c0_i32 = arith.constant 0 : i32
    %c0_i32_0 = arith.constant 0 : i32
    return %arg0, %c0_i32 : i32, i32
  }
  func.func @transform_1(%arg0: i32) -> (i32, i32) {
    %c0_i32 = arith.constant 0 : i32
    %c0_i32_0 = arith.constant 0 : i32
    return %arg0, %c0_i32 : i32, i32
  }
  func.func @transform_2(%arg0: i32) -> (i32, i32) {
    %c0_i32 = arith.constant 0 : i32
    %c0_i32_0 = arith.constant 0 : i32
    return %arg0, %c0_i32 : i32, i32
  }
  func.func @transform_3(%arg0: i32) -> (i32, i32) {
    %c0_i32 = arith.constant 0 : i32
    %c0_i32_0 = arith.constant 0 : i32
    return %arg0, %c0_i32 : i32, i32
  }
  func.func @transform_4(%arg0: i32) -> (i32, i32) {
    %c0_i32 = arith.constant 0 : i32
    %c0_i32_0 = arith.constant 0 : i32
    return %arg0, %c0_i32 : i32, i32
  }
  func.func @transform_5(%arg0: i32) -> (i32, i32) {
    %c0_i32 = arith.constant 0 : i32
    %c0_i32_0 = arith.constant 0 : i32
    %c0_i32_1 = arith.constant 0 : i32
    return %c0_i32, %c0_i32_0 : i32, i32
  }
  func.func @transform_6(%arg0: i32) -> (i32, i32) {
    %c0_i32 = arith.constant 0 : i32
    %c0_i32_0 = arith.constant 0 : i32
    %c0_i32_1 = arith.constant 0 : i32
    return %c0_i32, %c0_i32_0 : i32, i32
  }
  func.func @transform_7(%arg0: i32) -> (i32, i32) {
    %c0_i32 = arith.constant 0 : i32
    %c0_i32_0 = arith.constant 0 : i32
    %c0_i32_1 = arith.constant 0 : i32
    return %c0_i32, %c0_i32_0 : i32, i32
  }
  func.func @transform_8(%arg0: i32) -> (i32, i32) {
    %c0_i32 = arith.constant 0 : i32
    %c0_i32_0 = arith.constant 0 : i32
    %c0_i32_1 = arith.constant 0 : i32
    return %c0_i32, %c0_i32_0 : i32, i32
  }
  func.func @transform_9(%arg0: i32) -> (i32, i32) {
    %c0_i32 = arith.constant 0 : i32
    %c0_i32_0 = arith.constant 0 : i32
    %c0_i32_1 = arith.constant 0 : i32
    return %c0_i32, %c0_i32_0 : i32, i32
  }
  func.func @transform_10(%arg0: i32) -> (i32, i32) {
    %c0_i32 = arith.constant 0 : i32
    %c0_i32_0 = arith.constant 0 : i32
    %c0_i32_1 = arith.constant 0 : i32
    return %c0_i32, %c0_i32_0 : i32, i32
  }
  func.func @transform_11(%arg0: i32) -> (i32, i32) {
    %c0_i32 = arith.constant 0 : i32
    %c0_i32_0 = arith.constant 0 : i32
    %c0_i32_1 = arith.constant 0 : i32
    return %c0_i32, %c0_i32_0 : i32, i32
  }
  func.func @transform_12(%arg0: i32) -> (i32, i32) {
    %c0_i32 = arith.constant 0 : i32
    %c0_i32_0 = arith.constant 0 : i32
    %c0_i32_1 = arith.constant 0 : i32
    return %c0_i32, %c0_i32_0 : i32, i32
  }
  func.func @transform_13(%arg0: i32) -> (i32, i32) {
    %c0_i32 = arith.constant 0 : i32
    %c0_i32_0 = arith.constant 0 : i32
    %c0_i32_1 = arith.constant 0 : i32
    return %c0_i32, %c0_i32_0 : i32, i32
  }
  func.func @transform_14(%arg0: i32) -> (i32, i32) {
    %c0_i32 = arith.constant 0 : i32
    %c0_i32_0 = arith.constant 0 : i32
    %c0_i32_1 = arith.constant 0 : i32
    return %c0_i32, %c0_i32_0 : i32, i32
  }
  func.func @transform_15(%arg0: i32) -> (i32, i32) {
    %c0_i32 = arith.constant 0 : i32
    %c0_i32_0 = arith.constant 0 : i32
    return %arg0, %c0_i32 : i32, i32
  }
  func.func @transform_16(%arg0: i32) -> (i32, i32) {
    %c0_i32 = arith.constant 0 : i32
    %c0_i32_0 = arith.constant 0 : i32
    return %arg0, %c0_i32 : i32, i32
  }
  func.func @transform_17(%arg0: i32) -> (i32, i32) {
    %c0_i32 = arith.constant 0 : i32
    %c0_i32_0 = arith.constant 0 : i32
    return %arg0, %c0_i32 : i32, i32
  }
  func.func @transform_18(%arg0: i32) -> (i32, i32) {
    %c0_i32 = arith.constant 0 : i32
    %c0_i32_0 = arith.constant 0 : i32
    return %arg0, %c0_i32 : i32, i32
  }
  func.func @transform_19(%arg0: i32) -> (i32, i32) {
    %c0_i32 = arith.constant 0 : i32
    %c0_i32_0 = arith.constant 0 : i32
    return %arg0, %c0_i32 : i32, i32
  }
}

module attributes {stable_mosaic.version = 14 : i64} {
  func.func @_fin_body(%arg0: i32, %arg1: memref<1x400x128xf32, #tpu.memory_space<vmem>>, %arg2: memref<1x400x128xf32, #tpu.memory_space<vmem>>, %arg3: memref<1x128xf32, #tpu.memory_space<vmem>>, %arg4: memref<400x128xf32, #tpu.memory_space<vmem>>, %arg5: memref<400x128xf32, #tpu.memory_space<vmem>>, %arg6: memref<400x128xf32, #tpu.memory_space<vmem>>, %arg7: memref<400x128xf32, #tpu.memory_space<vmem>>, %arg8: memref<400x128xf32, #tpu.memory_space<vmem>>, %arg9: memref<400x128xf32, #tpu.memory_space<vmem>>, %arg10: memref<400x768xf32, #tpu.memory_space<vmem>>, %arg11: memref<400x6x128xf32, #tpu.memory_space<vmem>>) attributes {dimension_semantics = [#tpu.dimension_semantics<arbitrary>], iteration_bounds = array<i64: 25>, scalar_prefetch = 0 : i64, scratch_operands = 0 : i64, tpu.core_type = #tpu.core_type<tc>, window_params = [{transform_indices = @transform_0, window_bounds = array<i64: 1, 400, 128>}, {transform_indices = @transform_1, window_bounds = array<i64: 1, 400, 128>}, {pipeline_mode = #tpu.pipeline_mode<synchronous>, transform_indices = @transform_2, window_bounds = array<i64: 1, 128>}, {transform_indices = @transform_3, window_bounds = array<i64: 400, 128>}, {transform_indices = @transform_4, window_bounds = array<i64: 400, 128>}, {transform_indices = @transform_5, window_bounds = array<i64: 400, 128>}, {transform_indices = @transform_6, window_bounds = array<i64: 400, 128>}, {transform_indices = @transform_7, window_bounds = array<i64: 400, 128>}, {transform_indices = @transform_8, window_bounds = array<i64: 400, 128>}, {transform_indices = @transform_9, window_bounds = array<i64: 400, 768>}, {transform_indices = @transform_10, window_bounds = array<i64: 400, 6, 128>}]} {
    %get3A = arith.constant 0 : index
    %get3A_0 = arith.constant 0 : index
    %get3A_1 = arith.constant 0 : index
    %get3A_2 = vector.load %arg1[%get3A, %get3A_0, %get3A_1] : memref<1x400x128xf32, #tpu.memory_space<vmem>>, vector<1x400x128xf32>
    %get3A_3 = vector.shape_cast %get3A_2 : vector<1x400x128xf32> to vector<400x128xf32>
    %get3A_4 = arith.constant 0 : index
    %get3A_5 = arith.constant 0 : index
    %get3A_6 = arith.constant 0 : index
    %get3A_7 = vector.load %arg2[%get3A_4, %get3A_5, %get3A_6] : memref<1x400x128xf32, #tpu.memory_space<vmem>>, vector<1x400x128xf32>
    %get3A_8 = vector.shape_cast %get3A_7 : vector<1x400x128xf32> to vector<400x128xf32>
    %add3A = arith.addf %get3A_3, %get3A_8 : vector<400x128xf32>
    %get3A_9 = arith.constant 0 : index
    %get3A_10 = arith.constant 0 : index
    %get3A_11 = vector.load %arg3[%get3A_9, %get3A_10] : memref<1x128xf32, #tpu.memory_space<vmem>>, vector<1x128xf32>
    %add3A_12 = vector.broadcast %get3A_11 : vector<1x128xf32> to vector<400x128xf32>
    %add3A_13 = arith.addf %add3A, %add3A_12 : vector<400x128xf32>
    %swap3A = arith.constant 0 : index
    %swap3A_14 = arith.constant 0 : index
    %swap3A_15 = vector.load %arg9[%swap3A, %swap3A_14] : memref<400x128xf32, #tpu.memory_space<vmem>>, vector<400x128xf32>
    tpu.vector_store %arg9[%swap3A, %swap3A_14], %add3A_13 {strides = array<i32>} : memref<400x128xf32, #tpu.memory_space<vmem>>, vector<400x128xf32>,
    %get3A_16 = arith.constant 0 : index
    %get3A_17 = arith.constant 0 : index
    %get3A_18 = vector.load %arg5[%get3A_16, %get3A_17] : memref<400x128xf32, #tpu.memory_space<vmem>>, vector<400x128xf32>
    %get3A_19 = arith.constant 0 : index
    %get3A_20 = arith.constant 0 : index
    %get3A_21 = vector.load %arg6[%get3A_19, %get3A_20] : memref<400x128xf32, #tpu.memory_space<vmem>>, vector<400x128xf32>
    %get3A_22 = arith.constant 0 : index
    %get3A_23 = arith.constant 0 : index
    %get3A_24 = vector.load %arg4[%get3A_22, %get3A_23] : memref<400x128xf32, #tpu.memory_space<vmem>>, vector<400x128xf32>
    %get3A_25 = arith.constant 0 : index
    %get3A_26 = arith.constant 0 : index
    %get3A_27 = vector.load %arg7[%get3A_25, %get3A_26] : memref<400x128xf32, #tpu.memory_space<vmem>>, vector<400x128xf32>
    %get3A_28 = arith.constant 0 : index
    %get3A_29 = arith.constant 0 : index
    %get3A_30 = vector.load %arg8[%get3A_28, %get3A_29] : memref<400x128xf32, #tpu.memory_space<vmem>>, vector<400x128xf32>
    %swap3A_31 = arith.constant 0 : index
    %swap3A_32 = arith.constant 0 : index
    %swap3A_33 = arith.constant 0 : index
    %swap3A_34 = vector.load %arg11[%swap3A_31, %swap3A_32, %swap3A_33] : memref<400x6x128xf32, #tpu.memory_space<vmem>>, vector<400x1x128xf32>
    %swap3A_35 = vector.shape_cast %swap3A_34 : vector<400x1x128xf32> to vector<400x128xf32>
    %swap3A_36 = vector.shape_cast %add3A_13 : vector<400x128xf32> to vector<400x1x128xf32>
    tpu.vector_store %arg11[%swap3A_31, %swap3A_32, %swap3A_33], %swap3A_36 {strides = array<i32>} : memref<400x6x128xf32, #tpu.memory_space<vmem>>, vector<400x1x128xf32>,
    %mul3A = arith.mulf %add3A_13, %add3A_13 : vector<400x128xf32>
    %reduce_sum3A = arith.constant dense<0.000000e+00> : vector<400xf32>
    %reduce_sum3A_37 = vector.multi_reduction <add>, %mul3A, %reduce_sum3A [1] : vector<400x128xf32> to vector<400xf32>
    %broadcast_in_dim3A = vector.shape_cast %reduce_sum3A_37 : vector<400xf32> to vector<400x1xf32>
    %sqrt3A = math.sqrt %broadcast_in_dim3A : vector<400x1xf32>
    %max3A = arith.constant 9.99999996E-13 : f32
    %max3A_38 = vector.broadcast %max3A : f32 to vector<400x1xf32>
    %max3A_39 = arith.maximumf %sqrt3A, %max3A_38 : vector<400x1xf32>
    %div3A = vector.broadcast %max3A_39 : vector<400x1xf32> to vector<400x128xf32>
    %div3A_40 = arith.divf %add3A_13, %div3A : vector<400x128xf32>
    %swap3A_41 = arith.constant 0 : index
    %swap3A_42 = arith.constant 0 : index
    %swap3A_43 = vector.load %arg10[%swap3A_41, %swap3A_42] : memref<400x768xf32, #tpu.memory_space<vmem>>, vector<400x128xf32>
    tpu.vector_store %arg10[%swap3A_41, %swap3A_42], %div3A_40 {strides = array<i32>} : memref<400x768xf32, #tpu.memory_space<vmem>>, vector<400x128xf32>,
    %swap3A_44 = arith.constant 0 : index
    %swap3A_45 = arith.constant 1 : index
    %swap3A_46 = arith.constant 0 : index
    %swap3A_47 = vector.load %arg11[%swap3A_44, %swap3A_45, %swap3A_46] : memref<400x6x128xf32, #tpu.memory_space<vmem>>, vector<400x1x128xf32>
    %swap3A_48 = vector.shape_cast %swap3A_47 : vector<400x1x128xf32> to vector<400x128xf32>
    %swap3A_49 = vector.shape_cast %get3A_18 : vector<400x128xf32> to vector<400x1x128xf32>
    tpu.vector_store %arg11[%swap3A_44, %swap3A_45, %swap3A_46], %swap3A_49 {strides = array<i32>} : memref<400x6x128xf32, #tpu.memory_space<vmem>>, vector<400x1x128xf32>,
    %mul3A_50 = arith.mulf %get3A_18, %get3A_18 : vector<400x128xf32>
    %reduce_sum3A_51 = arith.constant dense<0.000000e+00> : vector<400xf32>
    %reduce_sum3A_52 = vector.multi_reduction <add>, %mul3A_50, %reduce_sum3A_51 [1] : vector<400x128xf32> to vector<400xf32>
    %broadcast_in_dim3A_53 = vector.shape_cast %reduce_sum3A_52 : vector<400xf32> to vector<400x1xf32>
    %sqrt3A_54 = math.sqrt %broadcast_in_dim3A_53 : vector<400x1xf32>
    %max3A_55 = arith.constant 9.99999996E-13 : f32
    %max3A_56 = vector.broadcast %max3A_55 : f32 to vector<400x1xf32>
    %max3A_57 = arith.maximumf %sqrt3A_54, %max3A_56 : vector<400x1xf32>
    %div3A_58 = vector.broadcast %max3A_57 : vector<400x1xf32> to vector<400x128xf32>
    %div3A_59 = arith.divf %get3A_18, %div3A_58 : vector<400x128xf32>
    %swap3A_60 = arith.constant 0 : index
    %swap3A_61 = arith.constant 128 : index
    %swap3A_62 = vector.load %arg10[%swap3A_60, %swap3A_61] : memref<400x768xf32, #tpu.memory_space<vmem>>, vector<400x128xf32>
    tpu.vector_store %arg10[%swap3A_60, %swap3A_61], %div3A_59 {strides = array<i32>} : memref<400x768xf32, #tpu.memory_space<vmem>>, vector<400x128xf32>,
    %swap3A_63 = arith.constant 0 : index
    %swap3A_64 = arith.constant 2 : index
    %swap3A_65 = arith.constant 0 : index
    %swap3A_66 = vector.load %arg11[%swap3A_63, %swap3A_64, %swap3A_65] : memref<400x6x128xf32, #tpu.memory_space<vmem>>, vector<400x1x128xf32>
    %swap3A_67 = vector.shape_cast %swap3A_66 : vector<400x1x128xf32> to vector<400x128xf32>
    %swap3A_68 = vector.shape_cast %get3A_21 : vector<400x128xf32> to vector<400x1x128xf32>
    tpu.vector_store %arg11[%swap3A_63, %swap3A_64, %swap3A_65], %swap3A_68 {strides = array<i32>} : memref<400x6x128xf32, #tpu.memory_space<vmem>>, vector<400x1x128xf32>,
    %mul3A_69 = arith.mulf %get3A_21, %get3A_21 : vector<400x128xf32>
    %reduce_sum3A_70 = arith.constant dense<0.000000e+00> : vector<400xf32>
    %reduce_sum3A_71 = vector.multi_reduction <add>, %mul3A_69, %reduce_sum3A_70 [1] : vector<400x128xf32> to vector<400xf32>
    %broadcast_in_dim3A_72 = vector.shape_cast %reduce_sum3A_71 : vector<400xf32> to vector<400x1xf32>
    %sqrt3A_73 = math.sqrt %broadcast_in_dim3A_72 : vector<400x1xf32>
    %max3A_74 = arith.constant 9.99999996E-13 : f32
    %max3A_75 = vector.broadcast %max3A_74 : f32 to vector<400x1xf32>
    %max3A_76 = arith.maximumf %sqrt3A_73, %max3A_75 : vector<400x1xf32>
    %div3A_77 = vector.broadcast %max3A_76 : vector<400x1xf32> to vector<400x128xf32>
    %div3A_78 = arith.divf %get3A_21, %div3A_77 : vector<400x128xf32>
    %swap3A_79 = arith.constant 0 : index
    %swap3A_80 = arith.constant 256 : index
    %swap3A_81 = vector.load %arg10[%swap3A_79, %swap3A_80] : memref<400x768xf32, #tpu.memory_space<vmem>>, vector<400x128xf32>
    tpu.vector_store %arg10[%swap3A_79, %swap3A_80], %div3A_78 {strides = array<i32>} : memref<400x768xf32, #tpu.memory_space<vmem>>, vector<400x128xf32>,
    %swap3A_82 = arith.constant 0 : index
    %swap3A_83 = arith.constant 3 : index
    %swap3A_84 = arith.constant 0 : index
    %swap3A_85 = vector.load %arg11[%swap3A_82, %swap3A_83, %swap3A_84] : memref<400x6x128xf32, #tpu.memory_space<vmem>>, vector<400x1x128xf32>
    %swap3A_86 = vector.shape_cast %swap3A_85 : vector<400x1x128xf32> to vector<400x128xf32>
    %swap3A_87 = vector.shape_cast %get3A_24 : vector<400x128xf32> to vector<400x1x128xf32>
    tpu.vector_store %arg11[%swap3A_82, %swap3A_83, %swap3A_84], %swap3A_87 {strides = array<i32>} : memref<400x6x128xf32, #tpu.memory_space<vmem>>, vector<400x1x128xf32>,
    %mul3A_88 = arith.mulf %get3A_24, %get3A_24 : vector<400x128xf32>
    %reduce_sum3A_89 = arith.constant dense<0.000000e+00> : vector<400xf32>
    %reduce_sum3A_90 = vector.multi_reduction <add>, %mul3A_88, %reduce_sum3A_89 [1] : vector<400x128xf32> to vector<400xf32>
    %broadcast_in_dim3A_91 = vector.shape_cast %reduce_sum3A_90 : vector<400xf32> to vector<400x1xf32>
    %sqrt3A_92 = math.sqrt %broadcast_in_dim3A_91 : vector<400x1xf32>
    %max3A_93 = arith.constant 9.99999996E-13 : f32
    %max3A_94 = vector.broadcast %max3A_93 : f32 to vector<400x1xf32>
    %max3A_95 = arith.maximumf %sqrt3A_92, %max3A_94 : vector<400x1xf32>
    %div3A_96 = vector.broadcast %max3A_95 : vector<400x1xf32> to vector<400x128xf32>
    %div3A_97 = arith.divf %get3A_24, %div3A_96 : vector<400x128xf32>
    %swap3A_98 = arith.constant 0 : index
    %swap3A_99 = arith.constant 384 : index
    %swap3A_100 = vector.load %arg10[%swap3A_98, %swap3A_99] : memref<400x768xf32, #tpu.memory_space<vmem>>, vector<400x128xf32>
    tpu.vector_store %arg10[%swap3A_98, %swap3A_99], %div3A_97 {strides = array<i32>} : memref<400x768xf32, #tpu.memory_space<vmem>>, vector<400x128xf32>,
    %swap3A_101 = arith.constant 0 : index
    %swap3A_102 = arith.constant 4 : index
    %swap3A_103 = arith.constant 0 : index
    %swap3A_104 = vector.load %arg11[%swap3A_101, %swap3A_102, %swap3A_103] : memref<400x6x128xf32, #tpu.memory_space<vmem>>, vector<400x1x128xf32>
    %swap3A_105 = vector.shape_cast %swap3A_104 : vector<400x1x128xf32> to vector<400x128xf32>
    %swap3A_106 = vector.shape_cast %get3A_27 : vector<400x128xf32> to vector<400x1x128xf32>
    tpu.vector_store %arg11[%swap3A_101, %swap3A_102, %swap3A_103], %swap3A_106 {strides = array<i32>} : memref<400x6x128xf32, #tpu.memory_space<vmem>>, vector<400x1x128xf32>,
    %mul3A_107 = arith.mulf %get3A_27, %get3A_27 : vector<400x128xf32>
    %reduce_sum3A_108 = arith.constant dense<0.000000e+00> : vector<400xf32>
    %reduce_sum3A_109 = vector.multi_reduction <add>, %mul3A_107, %reduce_sum3A_108 [1] : vector<400x128xf32> to vector<400xf32>
    %broadcast_in_dim3A_110 = vector.shape_cast %reduce_sum3A_109 : vector<400xf32> to vector<400x1xf32>
    %sqrt3A_111 = math.sqrt %broadcast_in_dim3A_110 : vector<400x1xf32>
    %max3A_112 = arith.constant 9.99999996E-13 : f32
    %max3A_113 = vector.broadcast %max3A_112 : f32 to vector<400x1xf32>
    %max3A_114 = arith.maximumf %sqrt3A_111, %max3A_113 : vector<400x1xf32>
    %div3A_115 = vector.broadcast %max3A_114 : vector<400x1xf32> to vector<400x128xf32>
    %div3A_116 = arith.divf %get3A_27, %div3A_115 : vector<400x128xf32>
    %swap3A_117 = arith.constant 0 : index
    %swap3A_118 = arith.constant 512 : index
    %swap3A_119 = vector.load %arg10[%swap3A_117, %swap3A_118] : memref<400x768xf32, #tpu.memory_space<vmem>>, vector<400x128xf32>
    tpu.vector_store %arg10[%swap3A_117, %swap3A_118], %div3A_116 {strides = array<i32>} : memref<400x768xf32, #tpu.memory_space<vmem>>, vector<400x128xf32>,
    %swap3A_120 = arith.constant 0 : index
    %swap3A_121 = arith.constant 5 : index
    %swap3A_122 = arith.constant 0 : index
    %swap3A_123 = vector.load %arg11[%swap3A_120, %swap3A_121, %swap3A_122] : memref<400x6x128xf32, #tpu.memory_space<vmem>>, vector<400x1x128xf32>
    %swap3A_124 = vector.shape_cast %swap3A_123 : vector<400x1x128xf32> to vector<400x128xf32>
    %swap3A_125 = vector.shape_cast %get3A_30 : vector<400x128xf32> to vector<400x1x128xf32>
    tpu.vector_store %arg11[%swap3A_120, %swap3A_121, %swap3A_122], %swap3A_125 {strides = array<i32>} : memref<400x6x128xf32, #tpu.memory_space<vmem>>, vector<400x1x128xf32>,
    %mul3A_126 = arith.mulf %get3A_30, %get3A_30 : vector<400x128xf32>
    %reduce_sum3A_127 = arith.constant dense<0.000000e+00> : vector<400xf32>
    %reduce_sum3A_128 = vector.multi_reduction <add>, %mul3A_126, %reduce_sum3A_127 [1] : vector<400x128xf32> to vector<400xf32>
    %broadcast_in_dim3A_129 = vector.shape_cast %reduce_sum3A_128 : vector<400xf32> to vector<400x1xf32>
    %sqrt3A_130 = math.sqrt %broadcast_in_dim3A_129 : vector<400x1xf32>
    %max3A_131 = arith.constant 9.99999996E-13 : f32
    %max3A_132 = vector.broadcast %max3A_131 : f32 to vector<400x1xf32>
    %max3A_133 = arith.maximumf %sqrt3A_130, %max3A_132 : vector<400x1xf32>
    %div3A_134 = vector.broadcast %max3A_133 : vector<400x1xf32> to vector<400x128xf32>
    %div3A_135 = arith.divf %get3A_30, %div3A_134 : vector<400x128xf32>
    %swap3A_136 = arith.constant 0 : index
    %swap3A_137 = arith.constant 640 : index
    %swap3A_138 = vector.load %arg10[%swap3A_136, %swap3A_137] : memref<400x768xf32, #tpu.memory_space<vmem>>, vector<400x128xf32>
    tpu.vector_store %arg10[%swap3A_136, %swap3A_137], %div3A_135 {strides = array<i32>} : memref<400x768xf32, #tpu.memory_space<vmem>>, vector<400x128xf32>,
    return
  }
  func.func @transform_0(%arg0: i32) -> (i32, i32, i32) {
    %c0_i32 = arith.constant 0 : i32
    %c0_i32_0 = arith.constant 0 : i32
    %c0_i32_1 = arith.constant 0 : i32
    return %c0_i32, %arg0, %c0_i32_0 : i32, i32, i32
  }
  func.func @transform_1(%arg0: i32) -> (i32, i32, i32) {
    %c1_i32 = arith.constant 1 : i32
    %c0_i32 = arith.constant 0 : i32
    %c0_i32_0 = arith.constant 0 : i32
    return %c1_i32, %arg0, %c0_i32 : i32, i32, i32
  }
  func.func @transform_2(%arg0: i32) -> (i32, i32) {
    %c0_i32 = arith.constant 0 : i32
    %c0_i32_0 = arith.constant 0 : i32
    %c0_i32_1 = arith.constant 0 : i32
    return %c0_i32, %c0_i32_0 : i32, i32
  }
  func.func @transform_3(%arg0: i32) -> (i32, i32) {
    %c0_i32 = arith.constant 0 : i32
    %c0_i32_0 = arith.constant 0 : i32
    return %arg0, %c0_i32 : i32, i32
  }
  func.func @transform_4(%arg0: i32) -> (i32, i32) {
    %c0_i32 = arith.constant 0 : i32
    %c0_i32_0 = arith.constant 0 : i32
    return %arg0, %c0_i32 : i32, i32
  }
  func.func @transform_5(%arg0: i32) -> (i32, i32) {
    %c0_i32 = arith.constant 0 : i32
    %c0_i32_0 = arith.constant 0 : i32
    return %arg0, %c0_i32 : i32, i32
  }
  func.func @transform_6(%arg0: i32) -> (i32, i32) {
    %c0_i32 = arith.constant 0 : i32
    %c0_i32_0 = arith.constant 0 : i32
    return %arg0, %c0_i32 : i32, i32
  }
  func.func @transform_7(%arg0: i32) -> (i32, i32) {
    %c0_i32 = arith.constant 0 : i32
    %c0_i32_0 = arith.constant 0 : i32
    return %arg0, %c0_i32 : i32, i32
  }
  func.func @transform_8(%arg0: i32) -> (i32, i32) {
    %c0_i32 = arith.constant 0 : i32
    %c0_i32_0 = arith.constant 0 : i32
    return %arg0, %c0_i32 : i32, i32
  }
  func.func @transform_9(%arg0: i32) -> (i32, i32) {
    %c0_i32 = arith.constant 0 : i32
    %c0_i32_0 = arith.constant 0 : i32
    return %arg0, %c0_i32 : i32, i32
  }
  func.func @transform_10(%arg0: i32) -> (i32, i32, i32) {
    %c0_i32 = arith.constant 0 : i32
    %c0_i32_0 = arith.constant 0 : i32
    %c0_i32_1 = arith.constant 0 : i32
    return %arg0, %c0_i32, %c0_i32_0 : i32, i32, i32
  }
}

</mosaic_0001>

<sc_bundles>
// kernel: gather_offload_async_start
scs
__scs_entry_jumppad:
0x0: {  	(pc) =	sbr.rel $0x88, $3  }
0x1: {  	(tag) =	ssettag $0x0;
	lr =	simm.s32 $0x1  }
0x2: {  	[smem:$0x3F8B] =	sst lr;
	_ =	strace $0xD0000000  }
0x3: {  	_ = 	snop  }
0x4: {  	_ = 	snop  }
0x5: {  	_ = 	snop  }
0x6: {  	_ = 	snop  }
0x7: {  	_ = 	snop  }
__scs_overlays_trampoline_lowered:
0x8: {  	[smem:$0x3F9A] =	sst s0  }
0x9: {  	[smem:$0x3F9B] =	sst s1  }
0xa: {  	[smem:$0x3F9C] =	sst s2  }
0xb: {  	[smem:$0x3F9D] =	sst s3  }
0xc: {  	[smem:$0x3F9E] =	sst s4  }
0xd: {  	[smem:$0x3F9F] =	sst s5  }
0xe: {  	[smem:$0x3FA0] =	sst s6  }
0xf: {  	[smem:$0x3FA1] =	sst s7  }
0x10: {  	[smem:$0x3FA2] =	sst s8  }
0x11: {  	[smem:$0x3FA3] =	sst s9;
	s0 =	simm.s32 @!p0 $0x0  }
0x12: {  	s1 =	sld [smem:$0x3F89];
	s0 =	simm.s32 @p0 $0x1  }
0x13: {  	[smem:$0x3FA4] =	sst s0;
	s0 =	simm.s32 @!p1 $0x0  }
0x14: {  	s2 =	sld [smem:$0x3F88];
	s0 =	simm.s32 @p1 $0x1  }
0x15: {  	[smem:$0x3FA5] =	sst s0;
	s0 =	simm.s32 @!p2 $0x0  }
0x16: {  	s3 =	sld [smem:$0x3FDB];
	s0 =	simm.s32 @p2 $0x1  }
0x17: {  	s4 =	simm.s32 $0x1BF5;
	[smem:$0x3FA7] =	sst s0  }
0x18: {  	s0 =	sld [smem:$0x3F8A];
	_ =	swait.ge [sflag:s4], $0x0  }
0x19: {  	s7 =	sld [smem:$0x3F8B]  }
0x1a: {  	s8 =	sadd.s32 $0xFFFFE003, lr  }
0x1b: {  	s9 =	sadd.s32 $0xFFFFFEF7, lr;
	s5 =	simm.s32 $0xFFFFFFFF;
	p2 =	slt.u32 s8, $0xFFFFF086  }
0x1c: {  	p1 =	slt.u32 s9, $0xF7A;
	s5 =	simm.s32 @!p2 $0x0  }
0x1d: {  	s5 =	simm.s32 @p1 $0x1;
	p0 =	seq.s32 s7, s2  }
0x1e: {  	s7 =	smul.u32 @!p0 $0xF7A, s2;
	p2 =	seq.s32 @!p0 s5, $0x0  }
0x1f: {  	s9 =	smul.u32 $0xF7A, s1;
	s8 =	simm.s32 @!p0 $0x1BF5;
	p2 =	por !p2, p0  }
0x20: {  	[sflag:s8] =	ssyncset.s32 @!p0 $0xFFFFF086;
	s6 =	sadd.s32 @!p0 s3, s7;
	s7 =	simm.s32 @!p0 $0x108  }
0x21: {  	s3 =	sadd.s32 s3, s9;
	s6 =	sadd.s32 @!p0 $0x88, s6;
	s7 =	simm.s32 @p2 $0x1082  }
0x22: {  	[simem:s7], [sflag:s8] =	dma.local @!p0 [hbm:s6], $0xF7A  }
0x23: {  	s9 =	sor.u32 $0xD0000000, s2;
	s6 =	simm.s32 $0x108;
	_ =	swait.ge @!p0 [sflag:s8], $0x0  }
0x24: {  	s3 =	sadd.s32 $0x88, s3;
	s6 =	simm.s32 @!p1 $0x1082;
	[sflag:s4] =	ssyncset.s32 $0xFFFFF086  }
0x25: {  	[simem:s6], [sflag:s4] =	dma.local [hbm:s3], $0xF7A  }
0x26: {  	[smem:$0x3F8B] =	sst s1;
	(tag) =	ssettag s2;
	_ =	strace s9  }
0x27: {  	s1 =	sld [smem:$0x3F9B]  }
0x28: {  	s2 =	sld [smem:$0x3F9C]  }
0x29: {  	s4 =	sld [smem:$0x3F9E]  }
0x2a: {  	p0 =	seq.s32 s5, $0x0;
	s5 =	sld [smem:$0x3F9F]  }
0x2b: {  	s6 =	sld [smem:$0x3FA0]  }
0x2c: {  	s7 =	sld [smem:$0x3FA1]  }
0x2d: {  	s3 =	simm.s32 $0x108;
	s8 =	sld [smem:$0x3FA2]  }
0x2e: {  	s3 =	simm.s32 @!p0 $0x1082;
	s9 =	sld [smem:$0x3FA3]  }
0x2f: {  	lr =	sadd.s32 s0, s3;
	s0 =	sld [smem:$0x3F9A]  }
0x30: {  	s3 =	sld [smem:$0x3F9D]  }
0x31: {  	[smem:$0x3FA6] =	sst s10  }
0x32: {  	s10 =	sld [smem:$0x3FA4];
	_ =	sdelay $0x3  }
0x33: {  	p0 =	seq.s32 s10, $0x1;
	s10 =	sld [smem:$0x3FA6];
	_ =	sdelay $0x3  }
0x34: {  	[smem:$0x3FA6] =	sst s10  }
0x35: {  	s10 =	sld [smem:$0x3FA5];
	_ =	sdelay $0x3  }
0x36: {  	p1 =	seq.s32 s10, $0x1;
	s10 =	sld [smem:$0x3FA6];
	_ =	sdelay $0x3  }
0x37: {  	[smem:$0x3FA6] =	sst s10  }
0x38: {  	s10 =	sld [smem:$0x3FA7]  }
0x39: {  	_ = 	snop;
	(pc) =	sbr.ind lr, $3  }
0x3a: {  	_ = 	snop  }
0x3b: {  	_ = 	snop  }
0x3c: {  	p2 =	seq.s32 s10, $0x1;
	s10 =	sld [smem:$0x3FA6]  }
0x3d: {  	_ =	shalt  }
0x3e: {  	_ =	shalt  }
0x3f: {  	_ =	shalt  }
0x40: {  	_ =	shalt  }
0x41: {  	_ =	shalt  }
0x42: {  	_ =	shalt  }
0x43: {  	_ =	shalt  }
0x44: {  	_ =	shalt  }
0x45: {  	_ =	shalt  }
0x46: {  	_ =	shalt  }
0x47: {  	_ =	shalt  }
0x48: {  	_ =	shalt  }
0x49: {  	_ =	shalt  }
0x4a: {  	_ =	shalt  }
0x4b: {  	_ =	shalt  }
0x4c: {  	_ =	shalt  }
0x4d: {  	_ =	shalt  }
0x4e: {  	_ =	shalt  }
0x4f: {  	_ =	shalt  }
0x50: {  	_ =	shalt  }
0x51: {  	_ =	shalt  }
0x52: {  	_ =	shalt  }
0x53: {  	_ =	shalt  }
0x54: {  	_ =	shalt  }
0x55: {  	_ =	shalt  }
0x56: {  	_ =	shalt  }
0x57: {  	_ =	shalt  }
0x58: {  	_ =	shalt  }
0x59: {  	_ =	shalt  }
0x5a: {  	_ =	shalt  }
0x5b: {  	_ =	shalt  }
0x5c: {  	_ =	shalt  }
0x5d: {  	_ =	shalt  }
0x5e: {  	_ =	shalt  }
0x5f: {  	_ =	shalt  }
0x60: {  	_ =	shalt  }
0x61: {  	_ =	shalt  }
0x62: {  	_ =	shalt  }
0x63: {  	_ =	shalt  }
0x64: {  	_ =	shalt  }
0x65: {  	_ =	shalt  }
0x66: {  	_ =	shalt  }
0x67: {  	_ =	shalt  }
0x68: {  	_ =	shalt  }
0x69: {  	_ =	shalt  }
0x6a: {  	_ =	shalt  }
0x6b: {  	_ =	shalt  }
0x6c: {  	_ =	shalt  }
0x6d: {  	_ =	shalt  }
0x6e: {  	_ =	shalt  }
0x6f: {  	_ =	shalt  }
0x70: {  	_ =	shalt  }
0x71: {  	_ =	shalt  }
0x72: {  	_ =	shalt  }
0x73: {  	_ =	shalt  }
0x74: {  	_ =	shalt  }
0x75: {  	_ =	shalt  }
0x76: {  	_ =	shalt  }
0x77: {  	_ =	shalt  }
0x78: {  	_ =	shalt  }
0x79: {  	_ =	shalt  }
0x7a: {  	_ =	shalt  }
0x7b: {  	_ =	shalt  }
0x7c: {  	_ =	shalt  }
0x7d: {  	_ =	shalt  }
0x7e: {  	_ =	shalt  }
0x7f: {  	_ =	shalt  }
0x80: {  	_ =	shalt  }
0x81: {  	_ =	shalt  }
0x82: {  	_ =	shalt  }
0x83: {  	_ =	shalt  }
0x84: {  	_ =	shalt  }
0x85: {  	_ =	shalt  }
0x86: {  	_ =	shalt  }
0x87: {  	_ =	shalt  }
.Lfunc_end0:
.L_simem_size_0:
called_computation_lowered:
.L_overlay_start_0:
0x88: {  	s0 =	sld [smem:$0x3FD9]  }
0x89: {  	s1 =	sld [smem:$0x3FFE];
	_ =	sdelay $0x3  }
0x8a: {  	s0 =	sadd.s32 s1, s0  }
0x8b: {  	[smem:$0x3FB2] =	sst s0  }
0x8c: {  	_ = 	snop  }
0x8d: {  	s0 =	sld [smem:$0x3FD0];
	_ =	sdelay $0x2  }
0x8e: {  	s2 =	simm.s32 $0xA;
	s3 =	simm.s32 $0x10;
	s14 =	sld [smem:$0x3FC2]  }
0x8f: {  	[smem:s3], [sflag:s2] =	dma.local [hbm:s0], $0x1  }
0x90: {  	_ =	swait.eq [sflag:s2], $0x1  }
0x91: {  	[sflag:s2] =	ssyncset.done $0x0  }
0x92: {  	s15 =	sld [smem:$0x10];
	[sflag:s2] =	ssyncadd.s32 $0xFFFFFFFF  }
0x93: {  	s16 =	sld [smem:$0x15];
	(tm) =	ssettm $0x1  }
0x94: {  	s17 =	sld [smem:$0x3FFB];
	_ =	sdelay $0x3  }
0x95: {  	_ =	strace s17  }
0x96: {  	s3 =	sld [smem:$0x3FFC];
	_ =	sdelay $0x3  }
0x97: {  	_ =	strace s3  }
0x98: {  	s3 =	sld [smem:$0x3FFD];
	_ =	sdelay $0x3  }
0x99: {  	_ =	strace s3  }
0x9a: {  	_ =	strace $0x8FFFFFFF  }
0x9b: {  	s18 =	sld [smem:$0x3FDB];
	_ =	sdelay $0x1  }
0x9c: {  	s4 =	simm.s32 $_scs_section_size  }
0x9d: {  	s5 =	simm.s32 $_size__tile_overlayer_lowered;
	s6 =	simm.s32 $_tile_overlayer_lowered  }
0x9e: {  	s21 =	simm.s32 $0x1BFF;
	s20 =	sshll.u32 s6, $0x1;
	s3 =	sadd.s32 s4, s18  }
0x9f: {  	s7 =	simm.s32 $0x0;
	s19 =	sshll.u32 s5, $0x1;
	s5 =	sadd.s32 s20, s3  }
0xa0: {  	[timem:s7], [sflag:s21] =	dma.local [hbm:s5], s19  }
0xa1: {  	_ =	swait.ge [sflag:s21], s19  }
0xa2: {  	s4 =	ssub.s32 $0x0, s19;
	[sflag:s21] =	ssyncset.done $0x0  }
0xa3: {  	[sflag:s21] =	ssyncadd.s32 s4;
	_ =	sdelay $0x1  }
0xa4: {  	s22 =	simm.s32 $0x1B8B  }
0xa5: {  	_ =	swait.ge [sflag:s22], $0x1  }
0xa6: {  	[sflag:s22] =	ssyncset.done $0x0  }
0xa7: {  	s23 =	simm.s32 $0x1B8E;
	[sflag:s22] =	ssyncadd.s32 $0xFFFFFFFF  }
0xa8: {  	s24 =	simm.s32 $execute0_lowered;
	[smem:$0x3FD2] =	sst s23  }
0xa9: {  	s4 =	sshll.u32 s24, $0x1;
	_ =	strace $0x80000046;
	[dreg:$0x1] =	wrdreg $0xFFFFFFFF  }
0xaa: {  	s25 =	simm.s32 $_size_execute0_lowered;
	s3 =	sadd.s32 s3, s4;
	[dreg:$0x0] =	wrdreg $0x0  }
0xab: {  	s4 =	sshll.u32 s25, $0x1;
	[dreg:$0x2] =	wrdreg s3  }
0xac: {  	[dreg:$0x3] =	wrdreg s4  }
0xad: {  	[dreg:$0x4] =	wrdreg $0xC0  }
0xae: {  	_ =	task [dreg:s7], $0x5FFFF  }
0xaf: {  	[dreg:$0x1] =	wrdreg $0xFFFFFFFF  }
0xb0: {  	[dreg:$0x0] =	wrdreg $0x60  }
0xb1: {  	[dreg:$0x2] =	wrdreg s14  }
0xb2: {  	[dreg:$0x3] =	wrdreg s16  }
0xb3: {  	[dreg:$0x4] =	wrdreg s15  }
0xb4: {  	[dreg:$0x5] =	wrdreg $0x9  }
0xb5: {  	_ =	task.clear_ibuf [dreg:s7], $0x6FFFF;
	_ =	strace $0x90000046  }
0xb6: {  	s26 =	simm.s32 $0x9;
	_ =	strace $0x80000048  }
0xb7: {  	_ =	swait.ge [sflag:s26], $0x1  }
0xb8: {  	[sflag:s26] =	ssyncadd.s32 $0xFFFFFFFF  }
0xb9: {  	_ =	strace $0x90000048  }
0xba: {  	_ =	sfence  }
0xbb: {  	s28 =	sld [smem:$0x0];
	_ =	sdelay $0x1  }
0xbc: {  	s29 =	srdreg.scid  }
0xbd: {  	s30 =	sshll.u32 s29, $0xD;
	s31 =	sshrl.u32 s29, $0x2  }
0xbe: {  	s1 =	sand.u32 $0x1, s29;
	s2 =	sand.u32 $0x4000, s30;
	s0 =	sadd.s32 s31, s28  }
0xbf: {  	s1 =	sor.u32 s2, s1;
	s0 =	sshll.u32 s0, $0x11  }
0xc0: {  	s0 =	sor.u32 s0, s1  }
0xc1: {  	s0 =	sadd.s32 $0x8F2B, s0  }
0xc2: {  	[sflag:s0] =	ssyncadd.remote.s32 $0x1  }
0xc3: {  	_ =	sfence.sel $0xFFFF  }
0xc4: {  	[dreg:$0x0] =	wrdreg $0xFFFFFFFF;
	(pc) =	sbr.abs _section_cstart, $3  }
0xc5: {  	[dreg:$0x1] =	wrdreg $0xFFFFFFFF  }
0xc6: {  	_ =	task.clear_ibuf [dreg:s7], $0x2FFFF;
	_ =	strace $0x9FFFFFFF  }
0xc7: {  	(tm) =	ssettm $0x7FFFFFFF  }
tec
execute0_lowered:
.L_overlay_start_1:
0x0: {  	(tag) =	ssettag $0x1  }
0x1: {  	s0 =	stileid.u32  }
0x2: {  	s1 =	smin.u32 s0, $0x9  }
0x3: {  	s1 =	sadd.s32 s0, s1  }
0x4: {  	s2 =	simm.s32 $0x320;
	p0 =	slt.u32 s0, $0x9;
	s1 =	smul.u32 $0x190, s1  }
0x5: {  	s2 =	simm.s32 @!p0 $0x190  }
0x6: {  	s2 =	sadd.s32 s2, s1  }
0x7: {  	s3 =	smin.u32 s2, $0x2710  }
0x8: {  	s8 =	ssub.s32 s3, s1  }
0x9: {  	p0 =	sgt.s32 s8, $0x0  }
0xa: {  	s8 =	simm.s32 @!p0 $0x0  }
0xb: {  	s31 =	sand.u32 $0xFFF0, s8  }
0xc: {  	s2 =	sshrl.u32 s31, $0x4  }
0xd: {  	s4 =	rddreg [dreg:$0x0];
	s2 =	smul.u32 $0xA3E, s2  }
0xe: {  	s5 =	rddreg [dreg:$0x1]  }
0xf: {  	s6 =	rddreg [dreg:$0x2];
	s7 =	simm.s32 $0x1;
	s9 =	sshrl.u32 s2, $0x10  }
0x10: {  	s11 =	simm.s32 $0x3;
	s13 =	simm.s32 $0x0;
	s10 =	smul.u32 $0x190, s9  }
.Ltmp0:
0x11: {  	s12 =	simm.s32 $0x0;
	s2 =	rddreg [dreg:$0x3];
	(pc) =	sbr.rel .LBB2_1-.Ltmp0, $4  }
0x12: {  	_ =	strace $0x80000047;
	p0 =	sne.s32 s8, s10;
	s10 =	simm.s32 $0x1  }
0x13: {  	[sflag:s7] =	ssyncpa.u1 $0x0;
	s8 =	simm.s32 $0x2;
	s10 =	simm.s32 @!p0 $0x0  }
0x14: {  	[sflag:s8] =	ssyncpa.u1 $0x0;
	p0 =	por $0x0, $0x0;
	s9 =	sadd.s32 s9, s10  }
0x15: {  	vm0 =	vmmov $0xff;
	vm1 =	vcmask $0x3F20;
	[sflag:s11] =	ssyncpa.u1 $0x0;
	s11 =	smov.u32 s1;
	s10 =	sadd.s32 $0x1, s9  }
.LBB2_6:
0x16: {  	[hbm:s17] =	stream.linear.scatter [tilespmem:s14], [sflag:$0x3], $0x400, $0x38;
	[tilespmem:$0x19320] =	vst v63  }
.LBB2_7:
0x17: {  	s13 =	sadd.s32 $0x190, s11  }
0x18: {  	s15 =	smov.u32 s1;
	p2 =	slt.s32 s13, s3  }
0x19: {  	s15 =	smov.u32 @p2 s13;
	p2 =	sne.s32 s12, s10  }
.Ltmp1:
0x1a: {  	p1 =	slt.u32 s12, $0x2;
	(pc) =	sbr.rel @!p2 .LBB2_8-.Ltmp1, $4  }
0x1b: {  	s14 =	simm.s32 @!p1 $0x3  }
0x1c: {  	s16 =	sadd.s32 $0x1, s12;
	_ =	swait.ge @!p1 [sflag:s14], $0xC800  }
0x1d: {  	p0 =	por !p0, !p0;
	s13 =	smov.u32 s11;
	[sflag:s14] =	ssyncset.done @!p1 $0x0  }
0x1e: {  	s12 =	smov.u32 s16;
	s11 =	smov.u32 s15;
	[sflag:s14] =	ssyncadd.s32 @!p1 $0xFFFF3800  }
.LBB2_1:
0x1f: {  	p1 =	sge.u32 s12, s9  }
0x20: {  	s14 =	sxor.u32 @!p1 $0xFFFFFFFF, s12  }
0x21: {  	s14 =	sand.u32 @!p1 $0x1, s14  }
0x22: {  	s14 =	smul.u32 @!p1 $0x640, s14  }
0x23: {  	s31 =	sadd.s32 $0xFFFFFFFF, s12;
	s15 =	sshrl.u32 @!p1 s11, $0x3  }
0x24: {  	s16 =	sand.u32 @!p1 $0x7, s11;
	s15 =	sadd.s32 @!p1 s5, s15;
	s14 =	sshrl.u32 @!p1 s14, $0x2  }
0x25: {  	[tilespmem:s14], [sflag:$0x2] =	stream.linear.gather @!p1 [hbm4b:s15+s16], $0x190, $0x38;
	[tilespmem:$0x19320] =	vst v63  }
0x26: {  	p1 =	sge.u32 s31, s9  }
.Ltmp2:
0x27: {  	_ = 	snop;
	(pc) =	sbr.rel @p1 .LBB2_7-.Ltmp2, $1  }
0x28: {  	_ =	sdelay $0x3  }
0x29: {  	s14 =	simm.s32 $0x1  }
0x2a: {  	s14 =	simm.s32 @!p0 $0x0  }
0x2b: {  	s15 =	smul.u32 $0x640, s14  }
0x2c: {  	_ =	swait.ge [sflag:s8], $0x190  }
0x2d: {  	[sflag:s8] =	ssyncset.done $0x0;
	s16 =	sshrl.u32 s15, $0x2  }
0x2e: {  	[sflag:s8] =	ssyncadd.s32 $0xFFFFFE70;
	s15 =	sadd.s32 $0x0, s16  }
0x2f: {  	v0 =	vld.msk [tilespmem:s15+$0x0 ss:$0x1], $0xffff;
	_ =	sdelay $0x4  }
0x30: {  	vm2 =	vgt.s32 v0, $0x0  }
0x31: {  	v0 =	vnsel vm2, $0x0, v0  }
0x32: {  	v0 =	vmin.u32 v0, $0x270F  }
0x33: {  	v0 =	vshll.u32 v0, $0x4  }
0x34: {  	s14 =	smul.u32 $0x32000, s14;
	_ =	sdelay $0x1  }
0x35: {  	s14 =	sshrl.u32 s14, $0x2  }
0x36: {  	s14 =	sor.u32 $0x320, s14  }
0x37: {  	[tilespmem:s14], [sflag:$0x1] =	stream.indirect_vreg.gather [hbm:s4], $0x80, v0, vm0, $0x38;
	[tilespmem:$0x19320] =	vst v63  }
0x38: {  	s17 =	sadd.s32 $0x10, s16;
	s15 =	sadd.s32 $0x400, s14  }
0x39: {  	[tilespmem:s15], [sflag:$0x1] =	stream.indirect_vreg.gather [hbm:s4], $0x80, v0, vm1, $0x38;
	[tilespmem:$0x19320] =	vst v63  }
0x3a: {  	s18 =	simm.s32 $0x80;
	v0 =	vld.msk [tilespmem:s17+$0x0 ss:$0x1], $0xffff;
	s17 =	smov.u32 s14  }
.LBB2_3:
0x3b: {  	p1 =	sne.s32 s18, $0x600;
	_ =	sdelay $0x4  }
0x3c: {  	vm2 =	vgt.s32 v0, $0x0  }
0x3d: {  	v0 =	vnsel vm2, $0x0, v0  }
0x3e: {  	v0 =	vmin.u32 v0, $0x270F  }
0x3f: {  	v0 =	vshll.u32 v0, $0x4;
	_ =	sdelay $0x3  }
.Ltmp3:
0x40: {  	s19 =	sshra.s32 s18, $0x2;
	s17 =	sadd.s32 $0x800, s17;
	(pc) =	sbr.rel @p1 .LBB2_3-.Ltmp3, $4  }
0x41: {  	[tilespmem:s17], [sflag:$0x1] =	stream.indirect_vreg.gather [hbm:s4], $0x80, v0, vm0, $0x38;
	[tilespmem:$0x19320] =	vst v63  }
0x42: {  	s19 =	sadd.s32 s19, s16;
	s20 =	sadd.s32 $0x400, s17  }
0x43: {  	[tilespmem:s20], [sflag:$0x1] =	stream.indirect_vreg.gather [hbm:s4], $0x80, v0, vm1, $0x38;
	[tilespmem:$0x19320] =	vst v63  }
0x44: {  	s18 =	sadd.s32 $0x40, s18;
	v0 =	vld.msk [tilespmem:s19+$0x0 ss:$0x1], $0xffff  }
0x45: {  	_ =	sdelay $0x3  }
0x46: {  	vm2 =	vgt.s32 v0, $0x0  }
0x47: {  	v0 =	vnsel vm2, $0x0, v0  }
0x48: {  	v0 =	vmin.u32 v0, $0x270F  }
0x49: {  	v0 =	vshll.u32 v0, $0x4;
	_ =	sdelay $0x3  }
0x4a: {  	s16 =	sadd.s32 $0x800, s17  }
0x4b: {  	[tilespmem:s16], [sflag:$0x1] =	stream.indirect_vreg.gather [hbm:s4], $0x80, v0, vm0, $0x38;
	[tilespmem:$0x19320] =	vst v63  }
0x4c: {  	s16 =	sadd.s32 $0x400, s16  }
0x4d: {  	[tilespmem:s16], [sflag:$0x1] =	stream.indirect_vreg.gather [hbm:s4], $0x80, v0, vm1, $0x38;
	[tilespmem:$0x19320] =	vst v63  }
0x4e: {  	s13 =	sshll.u32 s13, $0x4;
	_ =	swait.ge [sflag:s7], $0xC800  }
0x4f: {  	s13 =	sadd.s32 s13, s6;
	[sflag:s7] =	ssyncset.done $0x0  }
0x50: {  	s17 =	sadd.s32 $0x0, s13;
	s16 =	simm.s32 $0x80;
	[sflag:s7] =	ssyncadd.s32 $0xFFFF3800  }
.LBB2_5:
0x51: {  	[hbm:s17] =	stream.linear.scatter [tilespmem:s14], [sflag:$0x3], $0x400, $0x38;
	[tilespmem:$0x19320] =	vst v63  }
0x52: {  	s17 =	smov.u32 s16;
	s14 =	smov.u32 s15;
	p1 =	sne.s32 s16, $0x1880  }
.Ltmp4:
0x53: {  	s16 =	sadd.s32 $0x80, s16;
	(pc) =	sbr.rel @p1 .LBB2_5-.Ltmp4, $2  }
0x54: {  	_ =	sdelay $0x2  }
0x55: {  	s15 =	sadd.s32 $0x400, s15;
	s17 =	sadd.s32 s17, s13  }
.Ltmp5:
0x56: {  	_ = 	snop;
	(pc) =	sbr.rel .LBB2_6-.Ltmp5, $1  }
0x57: {  	_ =	sdelay $0x3  }
.LBB2_8:
0x58: {  	_ =	sfence.sel $0x180000  }
0x59: {  	s1 =	simm.s32 $0x2;
	[bflag:$0x0] =	sbarrier.arrive $0xFFFF  }
0x5a: {  	s30 =	simm.s32 $0x3;
	[sflag:s1] =	ssyncpa.u1 $0x1  }
0x5b: {  	s31 =	simm.s32 $0x1;
	[sflag:s30] =	ssyncpa.u1 $0x1  }
0x5c: {  	[sflag:s31] =	ssyncpa.u1 $0x1  }
0x5d: {  	p0 =	sne.s32 s0, $0x0;
	_ =	strace $0x90000047  }
0x5e: {  	s0 =	sadd.s32 @!p0 $0x100000, s2;
	[bflag:$0x2] =	sbarrier.arrive $0xFFFF  }
0x5f: {  	[sflag:s0] =	ssyncadd.tile.s32 @!p0 $0x1;
	_ =	shalt  }
.Lfunc_end2:
_tile_overlayer_lowered:
.L_overlay_start_2:
0x60: {  	(tag) =	ssettag $0x2  }
0x61: {  	s0 =	rddreg [dreg:$0x0];
	s2 =	stileid.u32  }
0x62: {  	s1 =	rddreg [dreg:$0x1];
	p0 =	sne.s32 s2, $0x0  }
0x63: {  	s3 =	rddreg [dreg:$0x2];
	[bflag:$0x3] =	sbarrier.arrive $0xFFFF;
	s2 =	simm.s32 @!p0 $0x1C01  }
0x64: {  	[timem:s3], [sflag:s2] =	dma.local @!p0 [hbm:s0], s1  }
0x65: {  	s0 =	simm.s32 @!p0 $0x1  }
0x66: {  	_ =	swait.ge @!p0 [sflag:s0], s1  }
0x67: {  	s1 =	ssub.s32 @!p0 $0x0, s1;
	[sflag:s0] =	ssyncset.done @!p0 $0x0  }
0x68: {  	[sflag:s0] =	ssyncadd.s32 @!p0 s1  }
0x69: {  	[bflag:$0x3] =	sbarrier.arrive $0xFFFF  }
0x6a: {  	_ =	shalt  }

// kernel: kernel.11.cloned.1.call-start
scs
__scs_entry_jumppad:
0x0: {  	(pc) =	sbr.rel $0x88, $3  }
0x1: {  	(tag) =	ssettag $0x0;
	lr =	simm.s32 $0x1  }
0x2: {  	[smem:$0x3F8B] =	sst lr;
	_ =	strace $0xD0000000  }
0x3: {  	_ = 	snop  }
0x4: {  	_ = 	snop  }
0x5: {  	_ = 	snop  }
0x6: {  	_ = 	snop  }
0x7: {  	_ = 	snop  }
__scs_overlays_trampoline_lowered:
0x8: {  	[smem:$0x3F9A] =	sst s0  }
0x9: {  	[smem:$0x3F9B] =	sst s1  }
0xa: {  	[smem:$0x3F9C] =	sst s2  }
0xb: {  	[smem:$0x3F9D] =	sst s3  }
0xc: {  	[smem:$0x3F9E] =	sst s4  }
0xd: {  	[smem:$0x3F9F] =	sst s5  }
0xe: {  	[smem:$0x3FA0] =	sst s6  }
0xf: {  	[smem:$0x3FA1] =	sst s7  }
0x10: {  	[smem:$0x3FA2] =	sst s8  }
0x11: {  	[smem:$0x3FA3] =	sst s9;
	s0 =	simm.s32 @!p0 $0x0  }
0x12: {  	s1 =	sld [smem:$0x3F89];
	s0 =	simm.s32 @p0 $0x1  }
0x13: {  	[smem:$0x3FA4] =	sst s0;
	s0 =	simm.s32 @!p1 $0x0  }
0x14: {  	s2 =	sld [smem:$0x3F88];
	s0 =	simm.s32 @p1 $0x1  }
0x15: {  	[smem:$0x3FA5] =	sst s0;
	s0 =	simm.s32 @!p2 $0x0  }
0x16: {  	s3 =	sld [smem:$0x3FDB];
	s0 =	simm.s32 @p2 $0x1  }
0x17: {  	s4 =	simm.s32 $0x1BF5;
	[smem:$0x3FA7] =	sst s0  }
0x18: {  	s0 =	sld [smem:$0x3F8A];
	_ =	swait.ge [sflag:s4], $0x0  }
0x19: {  	s7 =	sld [smem:$0x3F8B]  }
0x1a: {  	s8 =	sadd.s32 $0xFFFFE003, lr  }
0x1b: {  	s9 =	sadd.s32 $0xFFFFFEF7, lr;
	s5 =	simm.s32 $0xFFFFFFFF;
	p2 =	slt.u32 s8, $0xFFFFF086  }
0x1c: {  	p1 =	slt.u32 s9, $0xF7A;
	s5 =	simm.s32 @!p2 $0x0  }
0x1d: {  	s5 =	simm.s32 @p1 $0x1;
	p0 =	seq.s32 s7, s2  }
0x1e: {  	s7 =	smul.u32 @!p0 $0xF7A, s2;
	p2 =	seq.s32 @!p0 s5, $0x0  }
0x1f: {  	s9 =	smul.u32 $0xF7A, s1;
	s8 =	simm.s32 @!p0 $0x1BF5;
	p2 =	por !p2, p0  }
0x20: {  	[sflag:s8] =	ssyncset.s32 @!p0 $0xFFFFF086;
	s6 =	sadd.s32 @!p0 s3, s7;
	s7 =	simm.s32 @!p0 $0x108  }
0x21: {  	s3 =	sadd.s32 s3, s9;
	s6 =	sadd.s32 @!p0 $0x88, s6;
	s7 =	simm.s32 @p2 $0x1082  }
0x22: {  	[simem:s7], [sflag:s8] =	dma.local @!p0 [hbm:s6], $0xF7A  }
0x23: {  	s9 =	sor.u32 $0xD0000000, s2;
	s6 =	simm.s32 $0x108;
	_ =	swait.ge @!p0 [sflag:s8], $0x0  }
0x24: {  	s3 =	sadd.s32 $0x88, s3;
	s6 =	simm.s32 @!p1 $0x1082;
	[sflag:s4] =	ssyncset.s32 $0xFFFFF086  }
0x25: {  	[simem:s6], [sflag:s4] =	dma.local [hbm:s3], $0xF7A  }
0x26: {  	[smem:$0x3F8B] =	sst s1;
	(tag) =	ssettag s2;
	_ =	strace s9  }
0x27: {  	s1 =	sld [smem:$0x3F9B]  }
0x28: {  	s2 =	sld [smem:$0x3F9C]  }
0x29: {  	s4 =	sld [smem:$0x3F9E]  }
0x2a: {  	p0 =	seq.s32 s5, $0x0;
	s5 =	sld [smem:$0x3F9F]  }
0x2b: {  	s6 =	sld [smem:$0x3FA0]  }
0x2c: {  	s7 =	sld [smem:$0x3FA1]  }
0x2d: {  	s3 =	simm.s32 $0x108;
	s8 =	sld [smem:$0x3FA2]  }
0x2e: {  	s3 =	simm.s32 @!p0 $0x1082;
	s9 =	sld [smem:$0x3FA3]  }
0x2f: {  	lr =	sadd.s32 s0, s3;
	s0 =	sld [smem:$0x3F9A]  }
0x30: {  	s3 =	sld [smem:$0x3F9D]  }
0x31: {  	[smem:$0x3FA6] =	sst s10  }
0x32: {  	s10 =	sld [smem:$0x3FA4];
	_ =	sdelay $0x3  }
0x33: {  	p0 =	seq.s32 s10, $0x1;
	s10 =	sld [smem:$0x3FA6];
	_ =	sdelay $0x3  }
0x34: {  	[smem:$0x3FA6] =	sst s10  }
0x35: {  	s10 =	sld [smem:$0x3FA5];
	_ =	sdelay $0x3  }
0x36: {  	p1 =	seq.s32 s10, $0x1;
	s10 =	sld [smem:$0x3FA6];
	_ =	sdelay $0x3  }
0x37: {  	[smem:$0x3FA6] =	sst s10  }
0x38: {  	s10 =	sld [smem:$0x3FA7]  }
0x39: {  	_ = 	snop;
	(pc) =	sbr.ind lr, $3  }
0x3a: {  	_ = 	snop  }
0x3b: {  	_ = 	snop  }
0x3c: {  	p2 =	seq.s32 s10, $0x1;
	s10 =	sld [smem:$0x3FA6]  }
0x3d: {  	_ =	shalt  }
0x3e: {  	_ =	shalt  }
0x3f: {  	_ =	shalt  }
0x40: {  	_ =	shalt  }
0x41: {  	_ =	shalt  }
0x42: {  	_ =	shalt  }
0x43: {  	_ =	shalt  }
0x44: {  	_ =	shalt  }
0x45: {  	_ =	shalt  }
0x46: {  	_ =	shalt  }
0x47: {  	_ =	shalt  }
0x48: {  	_ =	shalt  }
0x49: {  	_ =	shalt  }
0x4a: {  	_ =	shalt  }
0x4b: {  	_ =	shalt  }
0x4c: {  	_ =	shalt  }
0x4d: {  	_ =	shalt  }
0x4e: {  	_ =	shalt  }
0x4f: {  	_ =	shalt  }
0x50: {  	_ =	shalt  }
0x51: {  	_ =	shalt  }
0x52: {  	_ =	shalt  }
0x53: {  	_ =	shalt  }
0x54: {  	_ =	shalt  }
0x55: {  	_ =	shalt  }
0x56: {  	_ =	shalt  }
0x57: {  	_ =	shalt  }
0x58: {  	_ =	shalt  }
0x59: {  	_ =	shalt  }
0x5a: {  	_ =	shalt  }
0x5b: {  	_ =	shalt  }
0x5c: {  	_ =	shalt  }
0x5d: {  	_ =	shalt  }
0x5e: {  	_ =	shalt  }
0x5f: {  	_ =	shalt  }
0x60: {  	_ =	shalt  }
0x61: {  	_ =	shalt  }
0x62: {  	_ =	shalt  }
0x63: {  	_ =	shalt  }
0x64: {  	_ =	shalt  }
0x65: {  	_ =	shalt  }
0x66: {  	_ =	shalt  }
0x67: {  	_ =	shalt  }
0x68: {  	_ =	shalt  }
0x69: {  	_ =	shalt  }
0x6a: {  	_ =	shalt  }
0x6b: {  	_ =	shalt  }
0x6c: {  	_ =	shalt  }
0x6d: {  	_ =	shalt  }
0x6e: {  	_ =	shalt  }
0x6f: {  	_ =	shalt  }
0x70: {  	_ =	shalt  }
0x71: {  	_ =	shalt  }
0x72: {  	_ =	shalt  }
0x73: {  	_ =	shalt  }
0x74: {  	_ =	shalt  }
0x75: {  	_ =	shalt  }
0x76: {  	_ =	shalt  }
0x77: {  	_ =	shalt  }
0x78: {  	_ =	shalt  }
0x79: {  	_ =	shalt  }
0x7a: {  	_ =	shalt  }
0x7b: {  	_ =	shalt  }
0x7c: {  	_ =	shalt  }
0x7d: {  	_ =	shalt  }
0x7e: {  	_ =	shalt  }
0x7f: {  	_ =	shalt  }
0x80: {  	_ =	shalt  }
0x81: {  	_ =	shalt  }
0x82: {  	_ =	shalt  }
0x83: {  	_ =	shalt  }
0x84: {  	_ =	shalt  }
0x85: {  	_ =	shalt  }
0x86: {  	_ =	shalt  }
0x87: {  	_ =	shalt  }
.Lfunc_end0:
.L_simem_size_0:
called_computation.2_lowered:
.L_overlay_start_0:
0x88: {  	s2 =	sld [smem:$0x3FD9]  }
0x89: {  	s3 =	sld [smem:$0x3FFE];
	_ =	sdelay $0x1  }
0x8a: {  	s1 =	srdreg.scid  }
0x8b: {  	s0 =	sand.u32 $0x1, s1  }
0x8c: {  	s14 =	sshll.u32 s0, $0xA;
	s2 =	sadd.s32 s3, s2  }
0x8d: {  	s2 =	sadd.s32 s2, s14  }
0x8e: {  	[smem:$0x3FB2] =	sst s2  }
0x8f: {  	_ = 	snop  }
0x90: {  	s2 =	sld [smem:$0x3FD0];
	_ =	sdelay $0x2  }
0x91: {  	s15 =	simm.s32 $0xA;
	s4 =	simm.s32 $0x10  }
0x92: {  	[smem:s4], [sflag:s15] =	dma.local [hbm:s2], $0x1  }
0x93: {  	_ =	swait.eq [sflag:s15], $0x1  }
0x94: {  	s16 =	sld [smem:$0x10];
	[sflag:s15] =	ssyncset.done $0x0  }
0x95: {  	s17 =	sld [smem:$0x16];
	[sflag:s15] =	ssyncadd.s32 $0xFFFFFFFF  }
0x96: {  	s18 =	sld [smem:$0x17];
	(tm) =	ssettm $0x1  }
0x97: {  	s5 =	sld [smem:$0x3FFB];
	_ =	sdelay $0x3  }
0x98: {  	_ =	strace s5  }
0x99: {  	s5 =	sld [smem:$0x3FFC];
	_ =	sdelay $0x3  }
0x9a: {  	_ =	strace s5  }
0x9b: {  	s5 =	sld [smem:$0x3FFD];
	_ =	sdelay $0x3  }
0x9c: {  	_ =	strace s5  }
0x9d: {  	_ =	strace $0x8FFFFFFF  }
0x9e: {  	s19 =	sld [smem:$0x3FDB];
	_ =	sdelay $0x1  }
0x9f: {  	s6 =	simm.s32 $_scs_section_size  }
0xa0: {  	s7 =	simm.s32 $_size__tile_overlayer_lowered;
	s8 =	simm.s32 $_tile_overlayer_lowered  }
0xa1: {  	s22 =	simm.s32 $0x1BFF;
	s21 =	sshll.u32 s8, $0x1;
	s5 =	sadd.s32 s6, s19  }
0xa2: {  	s9 =	simm.s32 $0x0;
	s20 =	sshll.u32 s7, $0x1;
	s7 =	sadd.s32 s21, s5  }
0xa3: {  	[timem:s9], [sflag:s22] =	dma.local [hbm:s7], s20  }
0xa4: {  	_ =	swait.ge [sflag:s22], s20  }
0xa5: {  	s6 =	ssub.s32 $0x0, s20;
	[sflag:s22] =	ssyncset.done $0x0  }
0xa6: {  	[sflag:s22] =	ssyncadd.s32 s6;
	_ =	sdelay $0x1  }
0xa7: {  	s23 =	simm.s32 $0x1B8B  }
0xa8: {  	_ =	swait.ge [sflag:s23], $0x1  }
0xa9: {  	[sflag:s23] =	ssyncset.done $0x0  }
0xaa: {  	s25 =	simm.s32 $0x1B8E;
	s24 =	sld [smem:$0x3FFE];
	[sflag:s23] =	ssyncadd.s32 $0xFFFFFFFF  }
0xab: {  	s26 =	simm.s32 $execute0_lowered;
	[smem:$0x3FD2] =	sst s25  }
0xac: {  	s7 =	sshll.u32 s26, $0x1;
	_ =	strace $0x8000004C;
	[dreg:$0x1] =	wrdreg $0xFFFFFFFF  }
0xad: {  	s28 =	simm.s32 $_size_execute0_lowered;
	s5 =	sadd.s32 s5, s7;
	[dreg:$0x0] =	wrdreg $0x0  }
0xae: {  	s7 =	sshll.u32 s28, $0x1;
	[dreg:$0x2] =	wrdreg s5  }
0xaf: {  	[dreg:$0x3] =	wrdreg s7  }
0xb0: {  	[dreg:$0x4] =	wrdreg $0xC0  }
0xb1: {  	_ =	task [dreg:s9], $0x5FFFF  }
0xb2: {  	[dreg:$0x1] =	wrdreg $0xFFFFFFFF  }
0xb3: {  	[dreg:$0x0] =	wrdreg $0x60  }
0xb4: {  	[dreg:$0x2] =	wrdreg s24  }
0xb5: {  	[dreg:$0x3] =	wrdreg s17  }
0xb6: {  	[dreg:$0x4] =	wrdreg s16  }
0xb7: {  	[dreg:$0x5] =	wrdreg s18  }
0xb8: {  	[dreg:$0x6] =	wrdreg $0x90000  }
0xb9: {  	[dreg:$0x7] =	wrdreg $0x9  }
0xba: {  	_ =	task.clear_ibuf [dreg:s9], $0x8FFFF;
	_ =	strace $0x9000004C  }
0xbb: {  	s29 =	simm.s32 $0x9;
	_ =	strace $0x8000004E  }
0xbc: {  	_ =	swait.ge [sflag:s29], $0x1  }
0xbd: {  	[sflag:s29] =	ssyncadd.s32 $0xFFFFFFFF  }
0xbe: {  	_ =	strace $0x9000004E  }
0xbf: {  	_ =	sfence  }
0xc0: {  	s30 =	sld [smem:$0x0];
	_ =	sdelay $0x2  }
0xc1: {  	s31 =	sshll.u32 s1, $0xD;
	s1 =	sshrl.u32 s1, $0x2  }
0xc2: {  	s3 =	sand.u32 $0x4000, s31;
	s1 =	sadd.s32 s1, s30  }
0xc3: {  	s0 =	sor.u32 s3, s0;
	s1 =	sshll.u32 s1, $0x11  }
0xc4: {  	s0 =	sor.u32 s1, s0  }
0xc5: {  	s0 =	sadd.s32 $0x8F2B, s0  }
0xc6: {  	[sflag:s0] =	ssyncadd.remote.s32 $0x1  }
0xc7: {  	_ =	sfence.sel $0xFFFF  }
0xc8: {  	[dreg:$0x0] =	wrdreg $0xFFFFFFFF;
	(pc) =	sbr.abs _section_cstart, $3  }
0xc9: {  	[dreg:$0x1] =	wrdreg $0xFFFFFFFF  }
0xca: {  	_ =	task.clear_ibuf [dreg:s9], $0x2FFFF;
	_ =	strace $0x9FFFFFFF  }
0xcb: {  	(tm) =	ssettm $0x7FFFFFFF  }
tec
execute0_lowered:
.L_overlay_start_1:
0x0: {  	(tag) =	ssettag $0x1  }
0x1: {  	s0 =	rddreg [dreg:$0x0]  }
0x2: {  	s3 =	rddreg [dreg:$0x1]  }
0x3: {  	s1 =	rddreg [dreg:$0x2]  }
0x4: {  	s5 =	rddreg [dreg:$0x3]  }
0x5: {  	s2 =	rddreg [dreg:$0x4]  }
0x6: {  	s4 =	srdreg.scid;
	s11 =	stileid.u32;
	s14 =	simm.s32 $0x880  }
0x7: {  	s16 =	simm.s32 $0x180;
	s17 =	simm.s32 $0x900;
	s18 =	simm.s32 $0x200  }
0x8: {  	s19 =	simm.s32 $0x980;
	s6 =	sand.u32 $0x1, s4;
	s4 =	simm.s32 $0x0  }
0x9: {  	s21 =	simm.s32 $0x280;
	s22 =	simm.s32 $0xA00;
	[smem:$0x7FF] =	sst s4  }
0xa: {  	s28 =	simm.s32 $0x600;
	_ =	strace $0x8000004D;
	[dreg:$0x9] =	wrdreg s14  }
0xb: {  	s29 =	simm.s32 $0xD80;
	s8 =	smul.u32 $0x50000, s11;
	[dreg:$0xa] =	wrdreg s16  }
0xc: {  	s30 =	simm.s32 $0x680;
	s23 =	smul.u32 $0x500, s11;
	[dreg:$0xb] =	wrdreg s17  }
0xd: {  	s31 =	simm.s32 $0xE00;
	s13 =	smul.u32 $0x14000, s11;
	[dreg:$0xc] =	wrdreg s18  }
0xe: {  	s7 =	smul.u32 $0x5000, s6;
	s9 =	ssub.s32 $0x2, s6;
	[dreg:$0xd] =	wrdreg s19  }
0xf: {  	s8 =	sshrl.u32 s8, $0x2;
	s10 =	sshrl.u32 s9, $0x1;
	[dreg:$0xe] =	wrdreg s21  }
0x10: {  	[dreg:$0xf] =	wrdreg s22;
	s14 =	simm.s32 $0x800;
	s16 =	simm.s32 $0x5000  }
0x11: {  	s17 =	simm.s32 $0x1;
	s18 =	simm.s32 $0x2;
	s19 =	simm.s32 $0x400  }
0x12: {  	s21 =	simm.s32 $0x480;
	s22 =	simm.s32 $0xC00;
	s0 =	sadd.s32 s7, s0  }
0x13: {  	s12 =	sadd.s32 s8, s2;
	s9 =	ssub.s32 s9, s10;
	s10 =	simm.s32 $0x100  }
0x14: {  	s3 =	sadd.s32 s7, s3;
	s8 =	smul.u32 $0x140000, s6;
	[dreg:$0x8] =	wrdreg s10  }
0x15: {  	s6 =	simm.s32 $0x780;
	s24 =	sadd.s32 $0x4000, s12;
	[dreg:$0x14] =	wrdreg s12  }
0x16: {  	s7 =	simm.s32 $0xF00;
	s25 =	sadd.s32 $0x8000, s12;
	[dreg:$0x15] =	wrdreg s24  }
0x17: {  	s3 =	sadd.s32 s23, s3;
	s26 =	sadd.s32 $0xC000, s12;
	[dreg:$0x16] =	wrdreg s25  }
0x18: {  	s0 =	sadd.s32 s23, s0;
	s15 =	sadd.s32 $0x10000, s12;
	[dreg:$0x17] =	wrdreg s26  }
0x19: {  	s20 =	smax.u32 s9, $0x1;
	s12 =	simm.s32 $0x1000;
	[dreg:$0x6] =	wrdreg s3  }
0x1a: {  	s23 =	simm.s32 $0x300;
	s9 =	simm.s32 $0x0;
	[dreg:$0x18] =	wrdreg s15  }
0x1b: {  	s0 =	sadd.s32 $0x4C00, s0;
	s3 =	sadd.s32 s13, s8;
	[dreg:$0x1a] =	wrdreg s20  }
0x1c: {  	s13 =	simm.s32 $0x3;
	[dreg:$0x10] =	wrdreg s23;
	s24 =	simm.s32 $0xA80  }
0x1d: {  	s15 =	simm.s32 $0x80;
	s25 =	simm.s32 $0x380;
	[dreg:$0x7] =	wrdreg s0  }
0x1e: {  	s26 =	simm.s32 $0xB00;
	s20 =	simm.s32 $0xB80;
	[dreg:$0x11] =	wrdreg s24  }
0x1f: {  	s23 =	simm.s32 $0x500;
	s8 =	simm.s32 $0xF80;
	[dreg:$0x12] =	wrdreg s25  }
0x20: {  	s3 =	sshrl.u32 s3, $0x3;
	[dreg:$0x13] =	wrdreg s26;
	s24 =	simm.s32 $0xC80  }
0x21: {  	s25 =	simm.s32 $0x580;
	s26 =	simm.s32 $0xD00;
	s3 =	sadd.s32 s5, s3  }
0x22: {  	v0 =	vimm.f32 $0.0e+00;
	s0 =	simm.s32 $0x700;
	[dreg:$0x19] =	wrdreg s3;
	s3 =	simm.s32 $0xE80  }
.LBB2_1:
0x23: {  	s10 =	simm.s32 $0x0;
	s11 =	simm.s32 $0x200  }
.LBB2_2:
0x24: {  	p0 =	sne.s32 s11, $0xFE00;
	[tilespmem:s10+$0x1070] =	vst v0  }
0x25: {  	[tilespmem:s10+$0x1000] =	vst v0  }
0x26: {  	[tilespmem:s10+$0x1010] =	vst v0  }
.Ltmp0:
0x27: {  	[tilespmem:s10+$0x1020] =	vst v0;
	(pc) =	sbr.rel @p0 .LBB2_2-.Ltmp0, $4  }
0x28: {  	[tilespmem:s10+$0x1030] =	vst v0  }
0x29: {  	[tilespmem:s10+$0x1040] =	vst v0  }
0x2a: {  	[tilespmem:s10+$0x1050] =	vst v0  }
0x2b: {  	[tilespmem:s10+$0x1060] =	vst v0;
	s10 =	sshra.s32 s11, $0x2;
	s11 =	sadd.s32 $0x200, s11  }
0x2c: {  	[tilespmem:s10+$0x1070] =	vst v0  }
0x2d: {  	[tilespmem:s10+$0x1000] =	vst v0  }
0x2e: {  	[tilespmem:s10+$0x1010] =	vst v0  }
0x2f: {  	[tilespmem:s10+$0x1020] =	vst v0  }
0x30: {  	[tilespmem:s10+$0x1030] =	vst v0  }
0x31: {  	[tilespmem:s10+$0x1040] =	vst v0  }
0x32: {  	[dreg:$0x1b] =	wrdreg s9;
	[tilespmem:s10+$0x1050] =	vst v0  }
0x33: {  	[tilespmem:s10+$0x1060] =	vst v0;
	s5 =	rddreg [dreg:$0x14]  }
0x34: {  	[spmem:s5] =	stream.linear.scatter [tilespmem:s12], [sflag:$0x3], $0x4000, $0x38;
	[tilespmem:$0x1D000] =	vst v63  }
0x35: {  	_ =	swait.ge [sflag:s13], $0x4000  }
0x36: {  	[sflag:s13] =	ssyncset.done $0x0  }
0x37: {  	s9 =	rddreg [dreg:$0x15];
	[sflag:s13] =	ssyncadd.s32 $0xFFFFC000  }
0x38: {  	[spmem:s9] =	stream.linear.scatter [tilespmem:s12], [sflag:$0x3], $0x4000, $0x38;
	[tilespmem:$0x1D000] =	vst v63  }
0x39: {  	_ =	swait.ge [sflag:s13], $0x4000  }
0x3a: {  	[sflag:s13] =	ssyncset.done $0x0  }
0x3b: {  	s10 =	rddreg [dreg:$0x16];
	[sflag:s13] =	ssyncadd.s32 $0xFFFFC000  }
0x3c: {  	[spmem:s10] =	stream.linear.scatter [tilespmem:s12], [sflag:$0x3], $0x4000, $0x38;
	[tilespmem:$0x1D000] =	vst v63  }
0x3d: {  	_ =	swait.ge [sflag:s13], $0x4000  }
0x3e: {  	[sflag:s13] =	ssyncset.done $0x0  }
0x3f: {  	s11 =	rddreg [dreg:$0x17];
	[sflag:s13] =	ssyncadd.s32 $0xFFFFC000  }
0x40: {  	[spmem:s11] =	stream.linear.scatter [tilespmem:s12], [sflag:$0x3], $0x4000, $0x38;
	[tilespmem:$0x1D000] =	vst v63  }
0x41: {  	_ =	swait.ge [sflag:s13], $0x4000  }
0x42: {  	[sflag:s13] =	ssyncset.done $0x0  }
0x43: {  	s9 =	rddreg [dreg:$0x18];
	[sflag:s13] =	ssyncadd.s32 $0xFFFFC000  }
0x44: {  	[spmem:s9] =	stream.linear.scatter [tilespmem:s12], [sflag:$0x3], $0x4000, $0x38;
	[tilespmem:$0x1D000] =	vst v63  }
0x45: {  	_ =	swait.ge [sflag:s13], $0x4000  }
0x46: {  	[sflag:s13] =	ssyncset.done $0x0  }
0x47: {  	[sflag:s13] =	ssyncadd.s32 $0xFFFFC000  }
0x48: {  	[bflag:$0x0] =	sbarrier.arrive $0xFFFF  }
0x49: {  	s10 =	rddreg [dreg:$0x6]  }
0x4a: {  	s5 =	sadd.s32 $0x0, s10  }
0x4b: {  	[tilespmem:s4], [sflag:$0x3] =	stream.linear.gather [hbm4b:s5+s4], $0x800, $0x38;
	[tilespmem:$0x1D000] =	vst v63  }
0x4c: {  	_ =	swait.ge [sflag:s13], $0x800  }
0x4d: {  	s11 =	rddreg [dreg:$0x7];
	[sflag:s13] =	ssyncset.done $0x0  }
0x4e: {  	[sflag:s13] =	ssyncadd.s32 $0xFFFFF800;
	s5 =	sadd.s32 $0x0, s11  }
0x4f: {  	[tilespmem:s14], [sflag:$0x3] =	stream.linear.gather [hbm4b:s5+s4], $0x800, $0x38;
	[tilespmem:$0x1D000] =	vst v63  }
0x50: {  	_ =	swait.ge [sflag:s13], $0x800  }
0x51: {  	[sflag:s13] =	ssyncset.done $0x0  }
0x52: {  	[sflag:s13] =	ssyncadd.s32 $0xFFFFF800  }
0x53: {  	[tilespmem:s12], [sflag:$0x1] =	stream.indirect.gather [hbm4b:s1+s15], $0x80, s4, s15, $0xb8;
	[tilespmem:$0x1D000] =	vst v63  }
0x54: {  	_ = 	snop  }
0x55: {  	[tilespmem:s16], [sflag:$0x2] =	stream.indirect.gather [hbm4b:s1+s15], $0x80, s15, s15, $0xb8;
	[tilespmem:$0x1D000] =	vst v63  }
0x56: {  	_ =	swait.ge [sflag:s17], $0x4000  }
0x57: {  	[sflag:s17] =	ssyncset.done $0x0  }
0x58: {  	[sflag:s17] =	ssyncadd.s32 $0xFFFFC000  }
0x59: {  	[spmem:s2] =	stream.indirect.scatter.add.f32 [tilespmem:s12], [sflag:$0x3], $0x80, s14, s15, $0xb8;
	[tilespmem:$0x1D000] =	vst v63  }
0x5a: {  	_ =	swait.ge [sflag:s13], $0x4000  }
0x5b: {  	[sflag:s13] =	ssyncset.done $0x0  }
0x5c: {  	s9 =	rddreg [dreg:$0x8];
	[sflag:s13] =	ssyncadd.s32 $0xFFFFC000  }
0x5d: {  	[tilespmem:s12], [sflag:$0x1] =	stream.indirect.gather [hbm4b:s1+s15], $0x80, s9, s15, $0xb8;
	[tilespmem:$0x1D000] =	vst v63  }
0x5e: {  	_ =	swait.ge [sflag:s18], $0x4000  }
0x5f: {  	[sflag:s18] =	ssyncset.done $0x0  }
0x60: {  	s10 =	rddreg [dreg:$0x9];
	[sflag:s18] =	ssyncadd.s32 $0xFFFFC000  }
0x61: {  	[spmem:s2] =	stream.indirect.scatter.add.f32 [tilespmem:s16], [sflag:$0x3], $0x80, s10, s15, $0xb8;
	[tilespmem:$0x1D000] =	vst v63  }
0x62: {  	_ =	swait.ge [sflag:s13], $0x4000  }
0x63: {  	[sflag:s13] =	ssyncset.done $0x0  }
0x64: {  	s11 =	rddreg [dreg:$0xa];
	[sflag:s13] =	ssyncadd.s32 $0xFFFFC000  }
0x65: {  	[tilespmem:s16], [sflag:$0x2] =	stream.indirect.gather [hbm4b:s1+s15], $0x80, s11, s15, $0xb8;
	[tilespmem:$0x1D000] =	vst v63  }
0x66: {  	_ =	swait.ge [sflag:s17], $0x4000  }
0x67: {  	[sflag:s17] =	ssyncset.done $0x0  }
0x68: {  	s9 =	rddreg [dreg:$0xb];
	[sflag:s17] =	ssyncadd.s32 $0xFFFFC000  }
0x69: {  	[spmem:s2] =	stream.indirect.scatter.add.f32 [tilespmem:s12], [sflag:$0x3], $0x80, s9, s15, $0xb8;
	[tilespmem:$0x1D000] =	vst v63  }
0x6a: {  	_ =	swait.ge [sflag:s13], $0x4000  }
0x6b: {  	[sflag:s13] =	ssyncset.done $0x0  }
0x6c: {  	s10 =	rddreg [dreg:$0xc];
	[sflag:s13] =	ssyncadd.s32 $0xFFFFC000  }
0x6d: {  	[tilespmem:s12], [sflag:$0x1] =	stream.indirect.gather [hbm4b:s1+s15], $0x80, s10, s15, $0xb8;
	[tilespmem:$0x1D000] =	vst v63  }
0x6e: {  	_ =	swait.ge [sflag:s18], $0x4000  }
0x6f: {  	[sflag:s18] =	ssyncset.done $0x0  }
0x70: {  	s11 =	rddreg [dreg:$0xd];
	[sflag:s18] =	ssyncadd.s32 $0xFFFFC000  }
0x71: {  	[spmem:s2] =	stream.indirect.scatter.add.f32 [tilespmem:s16], [sflag:$0x3], $0x80, s11, s15, $0xb8;
	[tilespmem:$0x1D000] =	vst v63  }
0x72: {  	_ =	swait.ge [sflag:s13], $0x4000  }
0x73: {  	[sflag:s13] =	ssyncset.done $0x0  }
0x74: {  	s9 =	rddreg [dreg:$0xe];
	[sflag:s13] =	ssyncadd.s32 $0xFFFFC000  }
0x75: {  	[tilespmem:s16], [sflag:$0x2] =	stream.indirect.gather [hbm4b:s1+s15], $0x80, s9, s15, $0xb8;
	[tilespmem:$0x1D000] =	vst v63  }
0x76: {  	_ =	swait.ge [sflag:s17], $0x4000  }
0x77: {  	[sflag:s17] =	ssyncset.done $0x0  }
0x78: {  	s10 =	rddreg [dreg:$0xf];
	[sflag:s17] =	ssyncadd.s32 $0xFFFFC000  }
0x79: {  	[spmem:s2] =	stream.indirect.scatter.add.f32 [tilespmem:s12], [sflag:$0x3], $0x80, s10, s15, $0xb8;
	[tilespmem:$0x1D000] =	vst v63  }
0x7a: {  	_ =	swait.ge [sflag:s13], $0x4000  }
0x7b: {  	[sflag:s13] =	ssyncset.done $0x0  }
0x7c: {  	s11 =	rddreg [dreg:$0x10];
	[sflag:s13] =	ssyncadd.s32 $0xFFFFC000  }
0x7d: {  	[tilespmem:s12], [sflag:$0x1] =	stream.indirect.gather [hbm4b:s1+s15], $0x80, s11, s15, $0xb8;
	[tilespmem:$0x1D000] =	vst v63  }
0x7e: {  	_ =	swait.ge [sflag:s18], $0x4000  }
0x7f: {  	[sflag:s18] =	ssyncset.done $0x0  }
0x80: {  	s9 =	rddreg [dreg:$0x11];
	[sflag:s18] =	ssyncadd.s32 $0xFFFFC000  }
0x81: {  	[spmem:s2] =	stream.indirect.scatter.add.f32 [tilespmem:s16], [sflag:$0x3], $0x80, s9, s15, $0xb8;
	[tilespmem:$0x1D000] =	vst v63  }
0x82: {  	_ =	swait.ge [sflag:s13], $0x4000  }
0x83: {  	[sflag:s13] =	ssyncset.done $0x0  }
0x84: {  	s10 =	rddreg [dreg:$0x12];
	[sflag:s13] =	ssyncadd.s32 $0xFFFFC000  }
0x85: {  	[tilespmem:s16], [sflag:$0x2] =	stream.indirect.gather [hbm4b:s1+s15], $0x80, s10, s15, $0xb8;
	[tilespmem:$0x1D000] =	vst v63  }
0x86: {  	_ =	swait.ge [sflag:s17], $0x4000  }
0x87: {  	[sflag:s17] =	ssyncset.done $0x0  }
0x88: {  	s11 =	rddreg [dreg:$0x13];
	[sflag:s17] =	ssyncadd.s32 $0xFFFFC000  }
0x89: {  	[spmem:s2] =	stream.indirect.scatter.add.f32 [tilespmem:s12], [sflag:$0x3], $0x80, s11, s15, $0xb8;
	[tilespmem:$0x1D000] =	vst v63  }
0x8a: {  	_ =	swait.ge [sflag:s13], $0x4000  }
0x8b: {  	[sflag:s13] =	ssyncset.done $0x0  }
0x8c: {  	[sflag:s13] =	ssyncadd.s32 $0xFFFFC000  }
0x8d: {  	[tilespmem:s12], [sflag:$0x1] =	stream.indirect.gather [hbm4b:s1+s15], $0x80, s19, s15, $0xb8;
	[tilespmem:$0x1D000] =	vst v63  }
0x8e: {  	_ =	swait.ge [sflag:s18], $0x4000  }
0x8f: {  	[sflag:s18] =	ssyncset.done $0x0  }
0x90: {  	[sflag:s18] =	ssyncadd.s32 $0xFFFFC000  }
0x91: {  	[spmem:s2] =	stream.indirect.scatter.add.f32 [tilespmem:s16], [sflag:$0x3], $0x80, s20, s15, $0xb8;
	[tilespmem:$0x1D000] =	vst v63  }
0x92: {  	_ =	swait.ge [sflag:s13], $0x4000  }
0x93: {  	[sflag:s13] =	ssyncset.done $0x0  }
0x94: {  	[sflag:s13] =	ssyncadd.s32 $0xFFFFC000  }
0x95: {  	[tilespmem:s16], [sflag:$0x2] =	stream.indirect.gather [hbm4b:s1+s15], $0x80, s21, s15, $0xb8;
	[tilespmem:$0x1D000] =	vst v63  }
0x96: {  	_ =	swait.ge [sflag:s17], $0x4000  }
0x97: {  	[sflag:s17] =	ssyncset.done $0x0  }
0x98: {  	[sflag:s17] =	ssyncadd.s32 $0xFFFFC000  }
0x99: {  	[spmem:s2] =	stream.indirect.scatter.add.f32 [tilespmem:s12], [sflag:$0x3], $0x80, s22, s15, $0xb8;
	[tilespmem:$0x1D000] =	vst v63  }
0x9a: {  	_ =	swait.ge [sflag:s13], $0x4000  }
0x9b: {  	[sflag:s13] =	ssyncset.done $0x0  }
0x9c: {  	[sflag:s13] =	ssyncadd.s32 $0xFFFFC000  }
0x9d: {  	[tilespmem:s12], [sflag:$0x1] =	stream.indirect.gather [hbm4b:s1+s15], $0x80, s23, s15, $0xb8;
	[tilespmem:$0x1D000] =	vst v63  }
0x9e: {  	_ =	swait.ge [sflag:s18], $0x4000  }
0x9f: {  	[sflag:s18] =	ssyncset.done $0x0  }
0xa0: {  	[sflag:s18] =	ssyncadd.s32 $0xFFFFC000  }
0xa1: {  	[spmem:s2] =	stream.indirect.scatter.add.f32 [tilespmem:s16], [sflag:$0x3], $0x80, s24, s15, $0xb8;
	[tilespmem:$0x1D000] =	vst v63  }
0xa2: {  	_ =	swait.ge [sflag:s13], $0x4000  }
0xa3: {  	[sflag:s13] =	ssyncset.done $0x0  }
0xa4: {  	[sflag:s13] =	ssyncadd.s32 $0xFFFFC000  }
0xa5: {  	[tilespmem:s16], [sflag:$0x2] =	stream.indirect.gather [hbm4b:s1+s15], $0x80, s25, s15, $0xb8;
	[tilespmem:$0x1D000] =	vst v63  }
0xa6: {  	_ =	swait.ge [sflag:s17], $0x4000  }
0xa7: {  	[sflag:s17] =	ssyncset.done $0x0  }
0xa8: {  	[sflag:s17] =	ssyncadd.s32 $0xFFFFC000  }
0xa9: {  	[spmem:s2] =	stream.indirect.scatter.add.f32 [tilespmem:s12], [sflag:$0x3], $0x80, s26, s15, $0xb8;
	[tilespmem:$0x1D000] =	vst v63  }
0xaa: {  	_ =	swait.ge [sflag:s13], $0x4000  }
0xab: {  	[sflag:s13] =	ssyncset.done $0x0  }
0xac: {  	[sflag:s13] =	ssyncadd.s32 $0xFFFFC000  }
0xad: {  	[tilespmem:s12], [sflag:$0x1] =	stream.indirect.gather [hbm4b:s1+s15], $0x80, s28, s15, $0xb8;
	[tilespmem:$0x1D000] =	vst v63  }
0xae: {  	_ =	swait.ge [sflag:s18], $0x4000  }
0xaf: {  	[sflag:s18] =	ssyncset.done $0x0  }
0xb0: {  	[sflag:s18] =	ssyncadd.s32 $0xFFFFC000  }
0xb1: {  	[spmem:s2] =	stream.indirect.scatter.add.f32 [tilespmem:s16], [sflag:$0x3], $0x80, s29, s15, $0xb8;
	[tilespmem:$0x1D000] =	vst v63  }
0xb2: {  	_ =	swait.ge [sflag:s13], $0x4000  }
0xb3: {  	[sflag:s13] =	ssyncset.done $0x0  }
0xb4: {  	[sflag:s13] =	ssyncadd.s32 $0xFFFFC000  }
0xb5: {  	[tilespmem:s16], [sflag:$0x2] =	stream.indirect.gather [hbm4b:s1+s15], $0x80, s30, s15, $0xb8;
	[tilespmem:$0x1D000] =	vst v63  }
0xb6: {  	_ =	swait.ge [sflag:s17], $0x4000  }
0xb7: {  	[sflag:s17] =	ssyncset.done $0x0  }
0xb8: {  	[sflag:s17] =	ssyncadd.s32 $0xFFFFC000  }
0xb9: {  	[spmem:s2] =	stream.indirect.scatter.add.f32 [tilespmem:s12], [sflag:$0x3], $0x80, s31, s15, $0xb8;
	[tilespmem:$0x1D000] =	vst v63  }
0xba: {  	_ =	swait.ge [sflag:s13], $0x4000  }
0xbb: {  	[sflag:s13] =	ssyncset.done $0x0  }
0xbc: {  	[sflag:s13] =	ssyncadd.s32 $0xFFFFC000  }
0xbd: {  	[tilespmem:s12], [sflag:$0x1] =	stream.indirect.gather [hbm4b:s1+s15], $0x80, s0, s15, $0xb8;
	[tilespmem:$0x1D000] =	vst v63  }
0xbe: {  	_ =	swait.ge [sflag:s18], $0x4000  }
0xbf: {  	[sflag:s18] =	ssyncset.done $0x0  }
0xc0: {  	[sflag:s18] =	ssyncadd.s32 $0xFFFFC000  }
0xc1: {  	[spmem:s2] =	stream.indirect.scatter.add.f32 [tilespmem:s16], [sflag:$0x3], $0x80, s3, s15, $0xb8;
	[tilespmem:$0x1D000] =	vst v63  }
0xc2: {  	_ =	swait.ge [sflag:s13], $0x4000  }
0xc3: {  	[sflag:s13] =	ssyncset.done $0x0  }
0xc4: {  	[sflag:s13] =	ssyncadd.s32 $0xFFFFC000  }
0xc5: {  	[tilespmem:s16], [sflag:$0x2] =	stream.indirect.gather [hbm4b:s1+s15], $0x80, s6, s15, $0xb8;
	[tilespmem:$0x1D000] =	vst v63  }
0xc6: {  	_ =	swait.ge [sflag:s17], $0x4000  }
0xc7: {  	[sflag:s17] =	ssyncset.done $0x0  }
0xc8: {  	[sflag:s17] =	ssyncadd.s32 $0xFFFFC000  }
0xc9: {  	[spmem:s2] =	stream.indirect.scatter.add.f32 [tilespmem:s12], [sflag:$0x3], $0x80, s7, s15, $0xb8;
	[tilespmem:$0x1D000] =	vst v63  }
0xca: {  	_ =	swait.ge [sflag:s13], $0x4000  }
0xcb: {  	[sflag:s13] =	ssyncset.done $0x0  }
0xcc: {  	[sflag:s13] =	ssyncadd.s32 $0xFFFFC000  }
0xcd: {  	[tilespmem:s12], [sflag:$0x1] =	stream.indirect.gather [hbm4b:s1+s15], $0x80, s6, s15, $0xb8;
	[tilespmem:$0x1D000] =	vst v63  }
0xce: {  	_ =	swait.ge [sflag:s18], $0x4000  }
0xcf: {  	[sflag:s18] =	ssyncset.done $0x0  }
0xd0: {  	[sflag:s18] =	ssyncadd.s32 $0xFFFFC000  }
0xd1: {  	[spmem:s2] =	stream.indirect.scatter.add.f32 [tilespmem:s16], [sflag:$0x3], $0x80, s8, s15, $0xb8;
	[tilespmem:$0x1D000] =	vst v63  }
0xd2: {  	_ =	swait.ge [sflag:s13], $0x4000  }
0xd3: {  	[sflag:s13] =	ssyncset.done $0x0  }
0xd4: {  	[sflag:s13] =	ssyncadd.s32 $0xFFFFC000  }
0xd5: {  	s10 =	simm.s32 $0x100;
	_ =	swait.ge [sflag:s17], $0x4000  }
0xd6: {  	s11 =	simm.s32 $0x200;
	s5 =	rddreg [dreg:$0x6];
	[sflag:s17] =	ssyncset.done $0x0  }
.LBB2_4:
0xd7: {  	[sflag:s17] =	ssyncadd.s32 $0xFFFFC000;
	s5 =	sadd.s32 s10, s5  }
0xd8: {  	[tilespmem:s4], [sflag:$0x3] =	stream.linear.gather [hbm4b:s5+s4], $0x800, $0x38;
	[tilespmem:$0x1D000] =	vst v63  }
0xd9: {  	_ =	swait.ge [sflag:s13], $0x800  }
0xda: {  	s5 =	rddreg [dreg:$0x7];
	[sflag:s13] =	ssyncset.done $0x0  }
0xdb: {  	[sflag:s13] =	ssyncadd.s32 $0xFFFFF800;
	s5 =	sadd.s32 s10, s5  }
0xdc: {  	[tilespmem:s14], [sflag:$0x3] =	stream.linear.gather [hbm4b:s5+s4], $0x800, $0x38;
	[tilespmem:$0x1D000] =	vst v63  }
0xdd: {  	_ =	swait.ge [sflag:s13], $0x800  }
0xde: {  	[sflag:s13] =	ssyncset.done $0x0  }
0xdf: {  	[sflag:s13] =	ssyncadd.s32 $0xFFFFF800  }
0xe0: {  	[tilespmem:s12], [sflag:$0x1] =	stream.indirect.gather [hbm4b:s1+s15], $0x80, s4, s15, $0xb8;
	[tilespmem:$0x1D000] =	vst v63  }
0xe1: {  	_ = 	snop  }
0xe2: {  	[tilespmem:s16], [sflag:$0x2] =	stream.indirect.gather [hbm4b:s1+s15], $0x80, s15, s15, $0xb8;
	[tilespmem:$0x1D000] =	vst v63  }
0xe3: {  	_ =	swait.ge [sflag:s17], $0x4000  }
0xe4: {  	[sflag:s17] =	ssyncset.done $0x0  }
0xe5: {  	[sflag:s17] =	ssyncadd.s32 $0xFFFFC000  }
0xe6: {  	[spmem:s2] =	stream.indirect.scatter.add.f32 [tilespmem:s12], [sflag:$0x3], $0x80, s14, s15, $0xb8;
	[tilespmem:$0x1D000] =	vst v63  }
0xe7: {  	_ =	swait.ge [sflag:s13], $0x4000  }
0xe8: {  	s9 =	smov.u32 s11;
	[sflag:s13] =	ssyncset.done $0x0  }
0xe9: {  	s10 =	smov.u32 s9;
	s9 =	rddreg [dreg:$0x8];
	[sflag:s13] =	ssyncadd.s32 $0xFFFFC000  }
0xea: {  	[tilespmem:s12], [sflag:$0x1] =	stream.indirect.gather [hbm4b:s1+s15], $0x80, s9, s15, $0xb8;
	[tilespmem:$0x1D000] =	vst v63  }
0xeb: {  	_ =	swait.ge [sflag:s18], $0x4000  }
0xec: {  	[sflag:s18] =	ssyncset.done $0x0  }
0xed: {  	s9 =	rddreg [dreg:$0x9];
	[sflag:s18] =	ssyncadd.s32 $0xFFFFC000  }
0xee: {  	[spmem:s2] =	stream.indirect.scatter.add.f32 [tilespmem:s16], [sflag:$0x3], $0x80, s9, s15, $0xb8;
	[tilespmem:$0x1D000] =	vst v63  }
0xef: {  	_ =	swait.ge [sflag:s13], $0x4000  }
0xf0: {  	[sflag:s13] =	ssyncset.done $0x0  }
0xf1: {  	s9 =	rddreg [dreg:$0xa];
	[sflag:s13] =	ssyncadd.s32 $0xFFFFC000  }
0xf2: {  	[tilespmem:s16], [sflag:$0x2] =	stream.indirect.gather [hbm4b:s1+s15], $0x80, s9, s15, $0xb8;
	[tilespmem:$0x1D000] =	vst v63  }
0xf3: {  	_ =	swait.ge [sflag:s17], $0x4000  }
0xf4: {  	[sflag:s17] =	ssyncset.done $0x0  }
0xf5: {  	s9 =	rddreg [dreg:$0xb];
	[sflag:s17] =	ssyncadd.s32 $0xFFFFC000  }
0xf6: {  	[spmem:s2] =	stream.indirect.scatter.add.f32 [tilespmem:s12], [sflag:$0x3], $0x80, s9, s15, $0xb8;
	[tilespmem:$0x1D000] =	vst v63  }
0xf7: {  	_ =	swait.ge [sflag:s13], $0x4000  }
0xf8: {  	[sflag:s13] =	ssyncset.done $0x0  }
0xf9: {  	s9 =	rddreg [dreg:$0xc];
	[sflag:s13] =	ssyncadd.s32 $0xFFFFC000  }
0xfa: {  	[tilespmem:s12], [sflag:$0x1] =	stream.indirect.gather [hbm4b:s1+s15], $0x80, s9, s15, $0xb8;
	[tilespmem:$0x1D000] =	vst v63  }
0xfb: {  	_ =	swait.ge [sflag:s18], $0x4000  }
0xfc: {  	[sflag:s18] =	ssyncset.done $0x0  }
0xfd: {  	s9 =	rddreg [dreg:$0xd];
	[sflag:s18] =	ssyncadd.s32 $0xFFFFC000  }
0xfe: {  	[spmem:s2] =	stream.indirect.scatter.add.f32 [tilespmem:s16], [sflag:$0x3], $0x80, s9, s15, $0xb8;
	[tilespmem:$0x1D000] =	vst v63  }
0xff: {  	_ =	swait.ge [sflag:s13], $0x4000  }
0x100: {  	[sflag:s13] =	ssyncset.done $0x0  }
0x101: {  	s9 =	rddreg [dreg:$0xe];
	[sflag:s13] =	ssyncadd.s32 $0xFFFFC000  }
0x102: {  	[tilespmem:s16], [sflag:$0x2] =	stream.indirect.gather [hbm4b:s1+s15], $0x80, s9, s15, $0xb8;
	[tilespmem:$0x1D000] =	vst v63  }
0x103: {  	_ =	swait.ge [sflag:s17], $0x4000  }
0x104: {  	[sflag:s17] =	ssyncset.done $0x0  }
0x105: {  	s9 =	rddreg [dreg:$0xf];
	[sflag:s17] =	ssyncadd.s32 $0xFFFFC000  }
0x106: {  	[spmem:s2] =	stream.indirect.scatter.add.f32 [tilespmem:s12], [sflag:$0x3], $0x80, s9, s15, $0xb8;
	[tilespmem:$0x1D000] =	vst v63  }
0x107: {  	_ =	swait.ge [sflag:s13], $0x4000  }
0x108: {  	[sflag:s13] =	ssyncset.done $0x0  }
0x109: {  	s9 =	rddreg [dreg:$0x10];
	[sflag:s13] =	ssyncadd.s32 $0xFFFFC000  }
0x10a: {  	[tilespmem:s12], [sflag:$0x1] =	stream.indirect.gather [hbm4b:s1+s15], $0x80, s9, s15, $0xb8;
	[tilespmem:$0x1D000] =	vst v63  }
0x10b: {  	_ =	swait.ge [sflag:s18], $0x4000  }
0x10c: {  	[sflag:s18] =	ssyncset.done $0x0  }
0x10d: {  	s9 =	rddreg [dreg:$0x11];
	[sflag:s18] =	ssyncadd.s32 $0xFFFFC000  }
0x10e: {  	[spmem:s2] =	stream.indirect.scatter.add.f32 [tilespmem:s16], [sflag:$0x3], $0x80, s9, s15, $0xb8;
	[tilespmem:$0x1D000] =	vst v63  }
0x10f: {  	_ =	swait.ge [sflag:s13], $0x4000  }
0x110: {  	[sflag:s13] =	ssyncset.done $0x0  }
0x111: {  	s9 =	rddreg [dreg:$0x12];
	[sflag:s13] =	ssyncadd.s32 $0xFFFFC000  }
0x112: {  	[tilespmem:s16], [sflag:$0x2] =	stream.indirect.gather [hbm4b:s1+s15], $0x80, s9, s15, $0xb8;
	[tilespmem:$0x1D000] =	vst v63  }
0x113: {  	_ =	swait.ge [sflag:s17], $0x4000  }
0x114: {  	[sflag:s17] =	ssyncset.done $0x0  }
0x115: {  	s9 =	rddreg [dreg:$0x13];
	[sflag:s17] =	ssyncadd.s32 $0xFFFFC000  }
0x116: {  	[spmem:s2] =	stream.indirect.scatter.add.f32 [tilespmem:s12], [sflag:$0x3], $0x80, s9, s15, $0xb8;
	[tilespmem:$0x1D000] =	vst v63  }
0x117: {  	_ =	swait.ge [sflag:s13], $0x4000  }
0x118: {  	[sflag:s13] =	ssyncset.done $0x0  }
0x119: {  	[sflag:s13] =	ssyncadd.s32 $0xFFFFC000  }
0x11a: {  	[tilespmem:s12], [sflag:$0x1] =	stream.indirect.gather [hbm4b:s1+s15], $0x80, s19, s15, $0xb8;
	[tilespmem:$0x1D000] =	vst v63  }
0x11b: {  	_ =	swait.ge [sflag:s18], $0x4000  }
0x11c: {  	[sflag:s18] =	ssyncset.done $0x0  }
0x11d: {  	[sflag:s18] =	ssyncadd.s32 $0xFFFFC000  }
0x11e: {  	[spmem:s2] =	stream.indirect.scatter.add.f32 [tilespmem:s16], [sflag:$0x3], $0x80, s20, s15, $0xb8;
	[tilespmem:$0x1D000] =	vst v63  }
0x11f: {  	_ =	swait.ge [sflag:s13], $0x4000  }
0x120: {  	[sflag:s13] =	ssyncset.done $0x0  }
0x121: {  	[sflag:s13] =	ssyncadd.s32 $0xFFFFC000  }
0x122: {  	[tilespmem:s16], [sflag:$0x2] =	stream.indirect.gather [hbm4b:s1+s15], $0x80, s21, s15, $0xb8;
	[tilespmem:$0x1D000] =	vst v63  }
0x123: {  	_ =	swait.ge [sflag:s17], $0x4000  }
0x124: {  	[sflag:s17] =	ssyncset.done $0x0  }
0x125: {  	[sflag:s17] =	ssyncadd.s32 $0xFFFFC000  }
0x126: {  	[spmem:s2] =	stream.indirect.scatter.add.f32 [tilespmem:s12], [sflag:$0x3], $0x80, s22, s15, $0xb8;
	[tilespmem:$0x1D000] =	vst v63  }
0x127: {  	_ =	swait.ge [sflag:s13], $0x4000  }
0x128: {  	[sflag:s13] =	ssyncset.done $0x0  }
0x129: {  	[sflag:s13] =	ssyncadd.s32 $0xFFFFC000  }
0x12a: {  	[tilespmem:s12], [sflag:$0x1] =	stream.indirect.gather [hbm4b:s1+s15], $0x80, s23, s15, $0xb8;
	[tilespmem:$0x1D000] =	vst v63  }
0x12b: {  	_ =	swait.ge [sflag:s18], $0x4000  }
0x12c: {  	[sflag:s18] =	ssyncset.done $0x0  }
0x12d: {  	[sflag:s18] =	ssyncadd.s32 $0xFFFFC000  }
0x12e: {  	[spmem:s2] =	stream.indirect.scatter.add.f32 [tilespmem:s16], [sflag:$0x3], $0x80, s24, s15, $0xb8;
	[tilespmem:$0x1D000] =	vst v63  }
0x12f: {  	_ =	swait.ge [sflag:s13], $0x4000  }
0x130: {  	[sflag:s13] =	ssyncset.done $0x0  }
0x131: {  	[sflag:s13] =	ssyncadd.s32 $0xFFFFC000  }
0x132: {  	[tilespmem:s16], [sflag:$0x2] =	stream.indirect.gather [hbm4b:s1+s15], $0x80, s25, s15, $0xb8;
	[tilespmem:$0x1D000] =	vst v63  }
0x133: {  	_ =	swait.ge [sflag:s17], $0x4000  }
0x134: {  	[sflag:s17] =	ssyncset.done $0x0  }
0x135: {  	[sflag:s17] =	ssyncadd.s32 $0xFFFFC000  }
0x136: {  	[spmem:s2] =	stream.indirect.scatter.add.f32 [tilespmem:s12], [sflag:$0x3], $0x80, s26, s15, $0xb8;
	[tilespmem:$0x1D000] =	vst v63  }
0x137: {  	_ =	swait.ge [sflag:s13], $0x4000  }
0x138: {  	[sflag:s13] =	ssyncset.done $0x0  }
0x139: {  	[sflag:s13] =	ssyncadd.s32 $0xFFFFC000  }
0x13a: {  	[tilespmem:s12], [sflag:$0x1] =	stream.indirect.gather [hbm4b:s1+s15], $0x80, s28, s15, $0xb8;
	[tilespmem:$0x1D000] =	vst v63  }
0x13b: {  	_ =	swait.ge [sflag:s18], $0x4000  }
0x13c: {  	[sflag:s18] =	ssyncset.done $0x0  }
0x13d: {  	[sflag:s18] =	ssyncadd.s32 $0xFFFFC000  }
0x13e: {  	[spmem:s2] =	stream.indirect.scatter.add.f32 [tilespmem:s16], [sflag:$0x3], $0x80, s29, s15, $0xb8;
	[tilespmem:$0x1D000] =	vst v63  }
0x13f: {  	_ =	swait.ge [sflag:s13], $0x4000  }
0x140: {  	[sflag:s13] =	ssyncset.done $0x0  }
0x141: {  	[sflag:s13] =	ssyncadd.s32 $0xFFFFC000  }
0x142: {  	[tilespmem:s16], [sflag:$0x2] =	stream.indirect.gather [hbm4b:s1+s15], $0x80, s30, s15, $0xb8;
	[tilespmem:$0x1D000] =	vst v63  }
0x143: {  	_ =	swait.ge [sflag:s17], $0x4000  }
0x144: {  	[sflag:s17] =	ssyncset.done $0x0  }
0x145: {  	[sflag:s17] =	ssyncadd.s32 $0xFFFFC000  }
0x146: {  	[spmem:s2] =	stream.indirect.scatter.add.f32 [tilespmem:s12], [sflag:$0x3], $0x80, s31, s15, $0xb8;
	[tilespmem:$0x1D000] =	vst v63  }
0x147: {  	_ =	swait.ge [sflag:s13], $0x4000  }
0x148: {  	[sflag:s13] =	ssyncset.done $0x0  }
0x149: {  	[sflag:s13] =	ssyncadd.s32 $0xFFFFC000  }
0x14a: {  	[tilespmem:s12], [sflag:$0x1] =	stream.indirect.gather [hbm4b:s1+s15], $0x80, s0, s15, $0xb8;
	[tilespmem:$0x1D000] =	vst v63  }
0x14b: {  	_ =	swait.ge [sflag:s18], $0x4000  }
0x14c: {  	[sflag:s18] =	ssyncset.done $0x0  }
0x14d: {  	[sflag:s18] =	ssyncadd.s32 $0xFFFFC000  }
0x14e: {  	[spmem:s2] =	stream.indirect.scatter.add.f32 [tilespmem:s16], [sflag:$0x3], $0x80, s3, s15, $0xb8;
	[tilespmem:$0x1D000] =	vst v63  }
0x14f: {  	_ =	swait.ge [sflag:s13], $0x4000  }
0x150: {  	[sflag:s13] =	ssyncset.done $0x0  }
0x151: {  	[sflag:s13] =	ssyncadd.s32 $0xFFFFC000  }
0x152: {  	[tilespmem:s16], [sflag:$0x2] =	stream.indirect.gather [hbm4b:s1+s15], $0x80, s6, s15, $0xb8;
	[tilespmem:$0x1D000] =	vst v63  }
0x153: {  	_ =	swait.ge [sflag:s17], $0x4000  }
0x154: {  	[sflag:s17] =	ssyncset.done $0x0  }
0x155: {  	[sflag:s17] =	ssyncadd.s32 $0xFFFFC000  }
0x156: {  	[spmem:s2] =	stream.indirect.scatter.add.f32 [tilespmem:s12], [sflag:$0x3], $0x80, s7, s15, $0xb8;
	[tilespmem:$0x1D000] =	vst v63  }
0x157: {  	_ =	swait.ge [sflag:s13], $0x4000  }
0x158: {  	[sflag:s13] =	ssyncset.done $0x0  }
0x159: {  	[sflag:s13] =	ssyncadd.s32 $0xFFFFC000  }
0x15a: {  	[tilespmem:s12], [sflag:$0x1] =	stream.indirect.gather [hbm4b:s1+s15], $0x80, s6, s15, $0xb8;
	[tilespmem:$0x1D000] =	vst v63  }
0x15b: {  	_ =	swait.ge [sflag:s18], $0x4000  }
0x15c: {  	[sflag:s18] =	ssyncset.done $0x0  }
0x15d: {  	p0 =	sne.s32 s11, $0x400;
	[sflag:s18] =	ssyncadd.s32 $0xFFFFC000  }
0x15e: {  	[spmem:s2] =	stream.indirect.scatter.add.f32 [tilespmem:s16], [sflag:$0x3], $0x80, s8, s15, $0xb8;
	[tilespmem:$0x1D000] =	vst v63  }
.Ltmp1:
0x15f: {  	_ =	swait.ge [sflag:s13], $0x4000;
	(pc) =	sbr.rel @p0 .LBB2_4-.Ltmp1, $4  }
0x160: {  	[sflag:s13] =	ssyncset.done $0x0  }
0x161: {  	[sflag:s13] =	ssyncadd.s32 $0xFFFFC000  }
0x162: {  	_ =	swait.ge [sflag:s17], $0x4000  }
0x163: {  	s11 =	sadd.s32 $0x100, s11;
	s5 =	rddreg [dreg:$0x6];
	[sflag:s17] =	ssyncset.done $0x0  }
0x164: {  	[sflag:s17] =	ssyncadd.s32 $0xFFFFC000;
	s5 =	sadd.s32 s10, s5  }
0x165: {  	[tilespmem:s4], [sflag:$0x3] =	stream.linear.gather [hbm4b:s5+s4], $0x800, $0x38;
	[tilespmem:$0x1D000] =	vst v63  }
0x166: {  	_ =	swait.ge [sflag:s13], $0x800  }
0x167: {  	s9 =	rddreg [dreg:$0x7];
	[sflag:s13] =	ssyncset.done $0x0  }
0x168: {  	[sflag:s13] =	ssyncadd.s32 $0xFFFFF800;
	s5 =	sadd.s32 s10, s9  }
0x169: {  	[tilespmem:s14], [sflag:$0x3] =	stream.linear.gather [hbm4b:s5+s4], $0x800, $0x38;
	[tilespmem:$0x1D000] =	vst v63  }
0x16a: {  	_ =	swait.ge [sflag:s13], $0x800  }
0x16b: {  	[sflag:s13] =	ssyncset.done $0x0  }
0x16c: {  	[sflag:s13] =	ssyncadd.s32 $0xFFFFF800  }
0x16d: {  	[tilespmem:s12], [sflag:$0x1] =	stream.indirect.gather [hbm4b:s1+s15], $0x80, s4, s15, $0xb8;
	[tilespmem:$0x1D000] =	vst v63  }
0x16e: {  	_ = 	snop  }
0x16f: {  	[tilespmem:s16], [sflag:$0x2] =	stream.indirect.gather [hbm4b:s1+s15], $0x80, s15, s15, $0xb8;
	[tilespmem:$0x1D000] =	vst v63  }
0x170: {  	_ =	swait.ge [sflag:s17], $0x4000  }
0x171: {  	[sflag:s17] =	ssyncset.done $0x0  }
0x172: {  	[sflag:s17] =	ssyncadd.s32 $0xFFFFC000  }
0x173: {  	[spmem:s2] =	stream.indirect.scatter.add.f32 [tilespmem:s12], [sflag:$0x3], $0x80, s14, s15, $0xb8;
	[tilespmem:$0x1D000] =	vst v63  }
0x174: {  	_ =	swait.ge [sflag:s13], $0x4000  }
0x175: {  	[sflag:s13] =	ssyncset.done $0x0  }
0x176: {  	s10 =	rddreg [dreg:$0x8];
	[sflag:s13] =	ssyncadd.s32 $0xFFFFC000  }
0x177: {  	[tilespmem:s12], [sflag:$0x1] =	stream.indirect.gather [hbm4b:s1+s15], $0x80, s10, s15, $0xb8;
	[tilespmem:$0x1D000] =	vst v63  }
0x178: {  	_ =	swait.ge [sflag:s18], $0x4000  }
0x179: {  	[sflag:s18] =	ssyncset.done $0x0  }
0x17a: {  	s11 =	rddreg [dreg:$0x9];
	[sflag:s18] =	ssyncadd.s32 $0xFFFFC000  }
0x17b: {  	[spmem:s2] =	stream.indirect.scatter.add.f32 [tilespmem:s16], [sflag:$0x3], $0x80, s11, s15, $0xb8;
	[tilespmem:$0x1D000] =	vst v63  }
0x17c: {  	_ =	swait.ge [sflag:s13], $0x4000  }
0x17d: {  	[sflag:s13] =	ssyncset.done $0x0  }
0x17e: {  	s9 =	rddreg [dreg:$0xa];
	[sflag:s13] =	ssyncadd.s32 $0xFFFFC000  }
0x17f: {  	[tilespmem:s16], [sflag:$0x2] =	stream.indirect.gather [hbm4b:s1+s15], $0x80, s9, s15, $0xb8;
	[tilespmem:$0x1D000] =	vst v63  }
0x180: {  	_ =	swait.ge [sflag:s17], $0x4000  }
0x181: {  	[sflag:s17] =	ssyncset.done $0x0  }
0x182: {  	s10 =	rddreg [dreg:$0xb];
	[sflag:s17] =	ssyncadd.s32 $0xFFFFC000  }
0x183: {  	[spmem:s2] =	stream.indirect.scatter.add.f32 [tilespmem:s12], [sflag:$0x3], $0x80, s10, s15, $0xb8;
	[tilespmem:$0x1D000] =	vst v63  }
0x184: {  	_ =	swait.ge [sflag:s13], $0x4000  }
0x185: {  	[sflag:s13] =	ssyncset.done $0x0  }
0x186: {  	s11 =	rddreg [dreg:$0xc];
	[sflag:s13] =	ssyncadd.s32 $0xFFFFC000  }
0x187: {  	[tilespmem:s12], [sflag:$0x1] =	stream.indirect.gather [hbm4b:s1+s15], $0x80, s11, s15, $0xb8;
	[tilespmem:$0x1D000] =	vst v63  }
0x188: {  	_ =	swait.ge [sflag:s18], $0x4000  }
0x189: {  	[sflag:s18] =	ssyncset.done $0x0  }
0x18a: {  	s9 =	rddreg [dreg:$0xd];
	[sflag:s18] =	ssyncadd.s32 $0xFFFFC000  }
0x18b: {  	[spmem:s2] =	stream.indirect.scatter.add.f32 [tilespmem:s16], [sflag:$0x3], $0x80, s9, s15, $0xb8;
	[tilespmem:$0x1D000] =	vst v63  }
0x18c: {  	_ =	swait.ge [sflag:s13], $0x4000  }
0x18d: {  	[sflag:s13] =	ssyncset.done $0x0  }
0x18e: {  	s10 =	rddreg [dreg:$0xe];
	[sflag:s13] =	ssyncadd.s32 $0xFFFFC000  }
0x18f: {  	[tilespmem:s16], [sflag:$0x2] =	stream.indirect.gather [hbm4b:s1+s15], $0x80, s10, s15, $0xb8;
	[tilespmem:$0x1D000] =	vst v63  }
0x190: {  	_ =	swait.ge [sflag:s17], $0x4000  }
0x191: {  	[sflag:s17] =	ssyncset.done $0x0  }
0x192: {  	s11 =	rddreg [dreg:$0xf];
	[sflag:s17] =	ssyncadd.s32 $0xFFFFC000  }
0x193: {  	[spmem:s2] =	stream.indirect.scatter.add.f32 [tilespmem:s12], [sflag:$0x3], $0x80, s11, s15, $0xb8;
	[tilespmem:$0x1D000] =	vst v63  }
0x194: {  	_ =	swait.ge [sflag:s13], $0x4000  }
0x195: {  	[sflag:s13] =	ssyncset.done $0x0  }
0x196: {  	s9 =	rddreg [dreg:$0x10];
	[sflag:s13] =	ssyncadd.s32 $0xFFFFC000  }
0x197: {  	[tilespmem:s12], [sflag:$0x1] =	stream.indirect.gather [hbm4b:s1+s15], $0x80, s9, s15, $0xb8;
	[tilespmem:$0x1D000] =	vst v63  }
0x198: {  	_ =	swait.ge [sflag:s18], $0x4000  }
0x199: {  	[sflag:s18] =	ssyncset.done $0x0  }
0x19a: {  	s10 =	rddreg [dreg:$0x11];
	[sflag:s18] =	ssyncadd.s32 $0xFFFFC000  }
0x19b: {  	[spmem:s2] =	stream.indirect.scatter.add.f32 [tilespmem:s16], [sflag:$0x3], $0x80, s10, s15, $0xb8;
	[tilespmem:$0x1D000] =	vst v63  }
0x19c: {  	_ =	swait.ge [sflag:s13], $0x4000  }
0x19d: {  	[sflag:s13] =	ssyncset.done $0x0  }
0x19e: {  	s11 =	rddreg [dreg:$0x12];
	[sflag:s13] =	ssyncadd.s32 $0xFFFFC000  }
0x19f: {  	[tilespmem:s16], [sflag:$0x2] =	stream.indirect.gather [hbm4b:s1+s15], $0x80, s11, s15, $0xb8;
	[tilespmem:$0x1D000] =	vst v63  }
0x1a0: {  	_ =	swait.ge [sflag:s17], $0x4000  }
0x1a1: {  	[sflag:s17] =	ssyncset.done $0x0  }
0x1a2: {  	s9 =	rddreg [dreg:$0x13];
	[sflag:s17] =	ssyncadd.s32 $0xFFFFC000  }
0x1a3: {  	[spmem:s2] =	stream.indirect.scatter.add.f32 [tilespmem:s12], [sflag:$0x3], $0x80, s9, s15, $0xb8;
	[tilespmem:$0x1D000] =	vst v63  }
0x1a4: {  	_ =	swait.ge [sflag:s13], $0x4000  }
0x1a5: {  	[sflag:s13] =	ssyncset.done $0x0  }
0x1a6: {  	[sflag:s13] =	ssyncadd.s32 $0xFFFFC000  }
0x1a7: {  	[tilespmem:s12], [sflag:$0x1] =	stream.indirect.gather [hbm4b:s1+s15], $0x80, s19, s15, $0xb8;
	[tilespmem:$0x1D000] =	vst v63  }
0x1a8: {  	_ =	swait.ge [sflag:s18], $0x4000  }
0x1a9: {  	[sflag:s18] =	ssyncset.done $0x0  }
0x1aa: {  	[sflag:s18] =	ssyncadd.s32 $0xFFFFC000  }
0x1ab: {  	[spmem:s2] =	stream.indirect.scatter.add.f32 [tilespmem:s16], [sflag:$0x3], $0x80, s20, s15, $0xb8;
	[tilespmem:$0x1D000] =	vst v63  }
0x1ac: {  	_ =	swait.ge [sflag:s13], $0x4000  }
0x1ad: {  	[sflag:s13] =	ssyncset.done $0x0  }
0x1ae: {  	[sflag:s13] =	ssyncadd.s32 $0xFFFFC000  }
0x1af: {  	[tilespmem:s16], [sflag:$0x2] =	stream.indirect.gather [hbm4b:s1+s15], $0x80, s21, s15, $0xb8;
	[tilespmem:$0x1D000] =	vst v63  }
0x1b0: {  	_ =	swait.ge [sflag:s17], $0x4000  }
0x1b1: {  	[sflag:s17] =	ssyncset.done $0x0  }
0x1b2: {  	[sflag:s17] =	ssyncadd.s32 $0xFFFFC000  }
0x1b3: {  	[spmem:s2] =	stream.indirect.scatter.add.f32 [tilespmem:s12], [sflag:$0x3], $0x80, s22, s15, $0xb8;
	[tilespmem:$0x1D000] =	vst v63  }
0x1b4: {  	_ =	swait.ge [sflag:s13], $0x4000  }
0x1b5: {  	[sflag:s13] =	ssyncset.done $0x0  }
0x1b6: {  	[sflag:s13] =	ssyncadd.s32 $0xFFFFC000  }
0x1b7: {  	[tilespmem:s12], [sflag:$0x1] =	stream.indirect.gather [hbm4b:s1+s15], $0x80, s23, s15, $0xb8;
	[tilespmem:$0x1D000] =	vst v63  }
0x1b8: {  	_ =	swait.ge [sflag:s18], $0x4000  }
0x1b9: {  	[sflag:s18] =	ssyncset.done $0x0  }
0x1ba: {  	[sflag:s18] =	ssyncadd.s32 $0xFFFFC000  }
0x1bb: {  	[spmem:s2] =	stream.indirect.scatter.add.f32 [tilespmem:s16], [sflag:$0x3], $0x80, s24, s15, $0xb8;
	[tilespmem:$0x1D000] =	vst v63  }
0x1bc: {  	_ =	swait.ge [sflag:s13], $0x4000  }
0x1bd: {  	[sflag:s13] =	ssyncset.done $0x0  }
0x1be: {  	[sflag:s13] =	ssyncadd.s32 $0xFFFFC000  }
0x1bf: {  	[tilespmem:s16], [sflag:$0x2] =	stream.indirect.gather [hbm4b:s1+s15], $0x80, s25, s15, $0xb8;
	[tilespmem:$0x1D000] =	vst v63  }
0x1c0: {  	_ =	swait.ge [sflag:s17], $0x4000  }
0x1c1: {  	[sflag:s17] =	ssyncset.done $0x0  }
0x1c2: {  	[sflag:s17] =	ssyncadd.s32 $0xFFFFC000  }
0x1c3: {  	[spmem:s2] =	stream.indirect.scatter.add.f32 [tilespmem:s12], [sflag:$0x3], $0x80, s26, s15, $0xb8;
	[tilespmem:$0x1D000] =	vst v63  }
0x1c4: {  	_ =	swait.ge [sflag:s13], $0x4000  }
0x1c5: {  	[sflag:s13] =	ssyncset.done $0x0  }
0x1c6: {  	[sflag:s13] =	ssyncadd.s32 $0xFFFFC000  }
0x1c7: {  	[tilespmem:s12], [sflag:$0x1] =	stream.indirect.gather [hbm4b:s1+s15], $0x80, s28, s15, $0xb8;
	[tilespmem:$0x1D000] =	vst v63  }
0x1c8: {  	_ =	swait.ge [sflag:s18], $0x4000  }
0x1c9: {  	[sflag:s18] =	ssyncset.done $0x0  }
0x1ca: {  	[sflag:s18] =	ssyncadd.s32 $0xFFFFC000  }
0x1cb: {  	[spmem:s2] =	stream.indirect.scatter.add.f32 [tilespmem:s16], [sflag:$0x3], $0x80, s29, s15, $0xb8;
	[tilespmem:$0x1D000] =	vst v63  }
0x1cc: {  	_ =	swait.ge [sflag:s13], $0x4000  }
0x1cd: {  	[sflag:s13] =	ssyncset.done $0x0  }
0x1ce: {  	[sflag:s13] =	ssyncadd.s32 $0xFFFFC000  }
0x1cf: {  	[tilespmem:s16], [sflag:$0x2] =	stream.indirect.gather [hbm4b:s1+s15], $0x80, s30, s15, $0xb8;
	[tilespmem:$0x1D000] =	vst v63  }
0x1d0: {  	_ =	swait.ge [sflag:s17], $0x4000  }
0x1d1: {  	[sflag:s17] =	ssyncset.done $0x0  }
0x1d2: {  	[sflag:s17] =	ssyncadd.s32 $0xFFFFC000  }
0x1d3: {  	[spmem:s2] =	stream.indirect.scatter.add.f32 [tilespmem:s12], [sflag:$0x3], $0x80, s31, s15, $0xb8;
	[tilespmem:$0x1D000] =	vst v63  }
0x1d4: {  	_ =	swait.ge [sflag:s13], $0x4000  }
0x1d5: {  	[sflag:s13] =	ssyncset.done $0x0  }
0x1d6: {  	[sflag:s13] =	ssyncadd.s32 $0xFFFFC000  }
0x1d7: {  	[tilespmem:s12], [sflag:$0x1] =	stream.indirect.gather [hbm4b:s1+s15], $0x80, s0, s15, $0xb8;
	[tilespmem:$0x1D000] =	vst v63  }
0x1d8: {  	_ =	swait.ge [sflag:s18], $0x4000  }
0x1d9: {  	[sflag:s18] =	ssyncset.done $0x0  }
0x1da: {  	[sflag:s18] =	ssyncadd.s32 $0xFFFFC000  }
0x1db: {  	[spmem:s2] =	stream.indirect.scatter.add.f32 [tilespmem:s16], [sflag:$0x3], $0x80, s3, s15, $0xb8;
	[tilespmem:$0x1D000] =	vst v63  }
0x1dc: {  	_ =	swait.ge [sflag:s13], $0x4000  }
0x1dd: {  	[sflag:s13] =	ssyncset.done $0x0  }
0x1de: {  	[sflag:s13] =	ssyncadd.s32 $0xFFFFC000  }
0x1df: {  	[tilespmem:s16], [sflag:$0x2] =	stream.indirect.gather [hbm4b:s1+s15], $0x80, s6, s15, $0xb8;
	[tilespmem:$0x1D000] =	vst v63  }
0x1e0: {  	_ =	swait.ge [sflag:s17], $0x4000  }
0x1e1: {  	[sflag:s17] =	ssyncset.done $0x0  }
0x1e2: {  	[sflag:s17] =	ssyncadd.s32 $0xFFFFC000  }
0x1e3: {  	[spmem:s2] =	stream.indirect.scatter.add.f32 [tilespmem:s12], [sflag:$0x3], $0x80, s7, s15, $0xb8;
	[tilespmem:$0x1D000] =	vst v63  }
0x1e4: {  	_ =	swait.ge [sflag:s13], $0x4000  }
0x1e5: {  	[sflag:s13] =	ssyncset.done $0x0  }
0x1e6: {  	[sflag:s13] =	ssyncadd.s32 $0xFFFFC000  }
0x1e7: {  	[tilespmem:s12], [sflag:$0x1] =	stream.indirect.gather [hbm4b:s1+s15], $0x80, s6, s15, $0xb8;
	[tilespmem:$0x1D000] =	vst v63  }
0x1e8: {  	_ =	swait.ge [sflag:s18], $0x4000  }
0x1e9: {  	[sflag:s18] =	ssyncset.done $0x0  }
0x1ea: {  	[sflag:s18] =	ssyncadd.s32 $0xFFFFC000  }
0x1eb: {  	[spmem:s2] =	stream.indirect.scatter.add.f32 [tilespmem:s16], [sflag:$0x3], $0x80, s8, s15, $0xb8;
	[tilespmem:$0x1D000] =	vst v63  }
0x1ec: {  	_ =	swait.ge [sflag:s13], $0x4000  }
0x1ed: {  	[sflag:s13] =	ssyncset.done $0x0  }
0x1ee: {  	[sflag:s13] =	ssyncadd.s32 $0xFFFFC000  }
0x1ef: {  	_ =	swait.ge [sflag:s17], $0x4000  }
0x1f0: {  	[sflag:s17] =	ssyncset.done $0x0  }
0x1f1: {  	[sflag:s17] =	ssyncadd.s32 $0xFFFFC000  }
0x1f2: {  	s10 =	stileid.u32;
	[bflag:$0x0] =	sbarrier.arrive $0xFFFF  }
0x1f3: {  	s5 =	sshll.u32 s10, $0x6;
	s9 =	rddreg [dreg:$0x14]  }
0x1f4: {  	s5 =	sor.u32 $0x1C03, s5;
	s11 =	rddreg [dreg:$0x19];
	s9 =	sshrl.u32 s9, $0x3  }
0x1f5: {  	[hbm:s11], [sflag:s5] =	dma.local [spmem:s9], $0x2800  }
0x1f6: {  	_ =	swait.ge [sflag:s13], $0x2800  }
0x1f7: {  	s10 =	rddreg [dreg:$0x1b]  }
0x1f8: {  	s11 =	rddreg [dreg:$0x1a];
	s9 =	sadd.s32 $0x1, s10  }
0x1f9: {  	p0 =	sne.s32 s9, s11  }
.Ltmp2:
0x1fa: {  	_ = 	snop;
	(pc) =	sbr.rel @p0 .LBB2_1-.Ltmp2, $3  }
0x1fb: {  	_ =	sdelay $0x1  }
0x1fc: {  	[sflag:s13] =	ssyncset.done $0x0  }
0x1fd: {  	[sflag:s13] =	ssyncadd.s32 $0xFFFFD800  }
0x1fe: {  	_ =	sfence.sel $0x180000  }
0x1ff: {  	[bflag:$0x0] =	sbarrier.arrive $0xFFFF  }
0x200: {  	_ =	strace $0x9000004D  }
0x201: {  	s0 =	stileid.u32;
	[bflag:$0x2] =	sbarrier.arrive $0xFFFF  }
0x202: {  	p0 =	sne.s32 s0, $0x0;
	s0 =	rddreg [dreg:$0x5]  }
0x203: {  	s0 =	sadd.s32 @!p0 $0x100000, s0  }
0x204: {  	[sflag:s0] =	ssyncadd.tile.s32 @!p0 $0x1;
	_ =	shalt  }
.Lfunc_end2:
_tile_overlayer_lowered:
.L_overlay_start_2:
0x205: {  	(tag) =	ssettag $0x2  }
0x206: {  	s0 =	rddreg [dreg:$0x0];
	s2 =	stileid.u32  }
0x207: {  	s1 =	rddreg [dreg:$0x1];
	p0 =	sne.s32 s2, $0x0  }
0x208: {  	s3 =	rddreg [dreg:$0x2];
	[bflag:$0x3] =	sbarrier.arrive $0xFFFF;
	s2 =	simm.s32 @!p0 $0x1C03  }
0x209: {  	[timem:s3], [sflag:s2] =	dma.local @!p0 [hbm:s0], s1  }
0x20a: {  	s0 =	simm.s32 @!p0 $0x3  }
0x20b: {  	_ =	swait.ge @!p0 [sflag:s0], s1  }
0x20c: {  	s1 =	ssub.s32 @!p0 $0x0, s1;
	[sflag:s0] =	ssyncset.done @!p0 $0x0  }
0x20d: {  	[sflag:s0] =	ssyncadd.s32 @!p0 s1  }
0x20e: {  	[bflag:$0x3] =	sbarrier.arrive $0xFFFF  }
0x20f: {  	_ =	shalt  }

// kernel: kernel.8.cloned.1.call-start
scs
__scs_entry_jumppad:
0x0: {  	(pc) =	sbr.rel $0x88, $3  }
0x1: {  	(tag) =	ssettag $0x0;
	lr =	simm.s32 $0x1  }
0x2: {  	[smem:$0x3F8B] =	sst lr;
	_ =	strace $0xD0000000  }
0x3: {  	_ = 	snop  }
0x4: {  	_ = 	snop  }
0x5: {  	_ = 	snop  }
0x6: {  	_ = 	snop  }
0x7: {  	_ = 	snop  }
__scs_overlays_trampoline_lowered:
0x8: {  	[smem:$0x3F9A] =	sst s0  }
0x9: {  	[smem:$0x3F9B] =	sst s1  }
0xa: {  	[smem:$0x3F9C] =	sst s2  }
0xb: {  	[smem:$0x3F9D] =	sst s3  }
0xc: {  	[smem:$0x3F9E] =	sst s4  }
0xd: {  	[smem:$0x3F9F] =	sst s5  }
0xe: {  	[smem:$0x3FA0] =	sst s6  }
0xf: {  	[smem:$0x3FA1] =	sst s7  }
0x10: {  	[smem:$0x3FA2] =	sst s8  }
0x11: {  	[smem:$0x3FA3] =	sst s9;
	s0 =	simm.s32 @!p0 $0x0  }
0x12: {  	s1 =	sld [smem:$0x3F89];
	s0 =	simm.s32 @p0 $0x1  }
0x13: {  	[smem:$0x3FA4] =	sst s0;
	s0 =	simm.s32 @!p1 $0x0  }
0x14: {  	s2 =	sld [smem:$0x3F88];
	s0 =	simm.s32 @p1 $0x1  }
0x15: {  	[smem:$0x3FA5] =	sst s0;
	s0 =	simm.s32 @!p2 $0x0  }
0x16: {  	s3 =	sld [smem:$0x3FDB];
	s0 =	simm.s32 @p2 $0x1  }
0x17: {  	s4 =	simm.s32 $0x1BF5;
	[smem:$0x3FA7] =	sst s0  }
0x18: {  	s0 =	sld [smem:$0x3F8A];
	_ =	swait.ge [sflag:s4], $0x0  }
0x19: {  	s7 =	sld [smem:$0x3F8B]  }
0x1a: {  	s8 =	sadd.s32 $0xFFFFE003, lr  }
0x1b: {  	s9 =	sadd.s32 $0xFFFFFEF7, lr;
	s5 =	simm.s32 $0xFFFFFFFF;
	p2 =	slt.u32 s8, $0xFFFFF086  }
0x1c: {  	p1 =	slt.u32 s9, $0xF7A;
	s5 =	simm.s32 @!p2 $0x0  }
0x1d: {  	s5 =	simm.s32 @p1 $0x1;
	p0 =	seq.s32 s7, s2  }
0x1e: {  	s7 =	smul.u32 @!p0 $0xF7A, s2;
	p2 =	seq.s32 @!p0 s5, $0x0  }
0x1f: {  	s9 =	smul.u32 $0xF7A, s1;
	s8 =	simm.s32 @!p0 $0x1BF5;
	p2 =	por !p2, p0  }
0x20: {  	[sflag:s8] =	ssyncset.s32 @!p0 $0xFFFFF086;
	s6 =	sadd.s32 @!p0 s3, s7;
	s7 =	simm.s32 @!p0 $0x108  }
0x21: {  	s3 =	sadd.s32 s3, s9;
	s6 =	sadd.s32 @!p0 $0x88, s6;
	s7 =	simm.s32 @p2 $0x1082  }
0x22: {  	[simem:s7], [sflag:s8] =	dma.local @!p0 [hbm:s6], $0xF7A  }
0x23: {  	s9 =	sor.u32 $0xD0000000, s2;
	s6 =	simm.s32 $0x108;
	_ =	swait.ge @!p0 [sflag:s8], $0x0  }
0x24: {  	s3 =	sadd.s32 $0x88, s3;
	s6 =	simm.s32 @!p1 $0x1082;
	[sflag:s4] =	ssyncset.s32 $0xFFFFF086  }
0x25: {  	[simem:s6], [sflag:s4] =	dma.local [hbm:s3], $0xF7A  }
0x26: {  	[smem:$0x3F8B] =	sst s1;
	(tag) =	ssettag s2;
	_ =	strace s9  }
0x27: {  	s1 =	sld [smem:$0x3F9B]  }
0x28: {  	s2 =	sld [smem:$0x3F9C]  }
0x29: {  	s4 =	sld [smem:$0x3F9E]  }
0x2a: {  	p0 =	seq.s32 s5, $0x0;
	s5 =	sld [smem:$0x3F9F]  }
0x2b: {  	s6 =	sld [smem:$0x3FA0]  }
0x2c: {  	s7 =	sld [smem:$0x3FA1]  }
0x2d: {  	s3 =	simm.s32 $0x108;
	s8 =	sld [smem:$0x3FA2]  }
0x2e: {  	s3 =	simm.s32 @!p0 $0x1082;
	s9 =	sld [smem:$0x3FA3]  }
0x2f: {  	lr =	sadd.s32 s0, s3;
	s0 =	sld [smem:$0x3F9A]  }
0x30: {  	s3 =	sld [smem:$0x3F9D]  }
0x31: {  	[smem:$0x3FA6] =	sst s10  }
0x32: {  	s10 =	sld [smem:$0x3FA4];
	_ =	sdelay $0x3  }
0x33: {  	p0 =	seq.s32 s10, $0x1;
	s10 =	sld [smem:$0x3FA6];
	_ =	sdelay $0x3  }
0x34: {  	[smem:$0x3FA6] =	sst s10  }
0x35: {  	s10 =	sld [smem:$0x3FA5];
	_ =	sdelay $0x3  }
0x36: {  	p1 =	seq.s32 s10, $0x1;
	s10 =	sld [smem:$0x3FA6];
	_ =	sdelay $0x3  }
0x37: {  	[smem:$0x3FA6] =	sst s10  }
0x38: {  	s10 =	sld [smem:$0x3FA7]  }
0x39: {  	_ = 	snop;
	(pc) =	sbr.ind lr, $3  }
0x3a: {  	_ = 	snop  }
0x3b: {  	_ = 	snop  }
0x3c: {  	p2 =	seq.s32 s10, $0x1;
	s10 =	sld [smem:$0x3FA6]  }
0x3d: {  	_ =	shalt  }
0x3e: {  	_ =	shalt  }
0x3f: {  	_ =	shalt  }
0x40: {  	_ =	shalt  }
0x41: {  	_ =	shalt  }
0x42: {  	_ =	shalt  }
0x43: {  	_ =	shalt  }
0x44: {  	_ =	shalt  }
0x45: {  	_ =	shalt  }
0x46: {  	_ =	shalt  }
0x47: {  	_ =	shalt  }
0x48: {  	_ =	shalt  }
0x49: {  	_ =	shalt  }
0x4a: {  	_ =	shalt  }
0x4b: {  	_ =	shalt  }
0x4c: {  	_ =	shalt  }
0x4d: {  	_ =	shalt  }
0x4e: {  	_ =	shalt  }
0x4f: {  	_ =	shalt  }
0x50: {  	_ =	shalt  }
0x51: {  	_ =	shalt  }
0x52: {  	_ =	shalt  }
0x53: {  	_ =	shalt  }
0x54: {  	_ =	shalt  }
0x55: {  	_ =	shalt  }
0x56: {  	_ =	shalt  }
0x57: {  	_ =	shalt  }
0x58: {  	_ =	shalt  }
0x59: {  	_ =	shalt  }
0x5a: {  	_ =	shalt  }
0x5b: {  	_ =	shalt  }
0x5c: {  	_ =	shalt  }
0x5d: {  	_ =	shalt  }
0x5e: {  	_ =	shalt  }
0x5f: {  	_ =	shalt  }
0x60: {  	_ =	shalt  }
0x61: {  	_ =	shalt  }
0x62: {  	_ =	shalt  }
0x63: {  	_ =	shalt  }
0x64: {  	_ =	shalt  }
0x65: {  	_ =	shalt  }
0x66: {  	_ =	shalt  }
0x67: {  	_ =	shalt  }
0x68: {  	_ =	shalt  }
0x69: {  	_ =	shalt  }
0x6a: {  	_ =	shalt  }
0x6b: {  	_ =	shalt  }
0x6c: {  	_ =	shalt  }
0x6d: {  	_ =	shalt  }
0x6e: {  	_ =	shalt  }
0x6f: {  	_ =	shalt  }
0x70: {  	_ =	shalt  }
0x71: {  	_ =	shalt  }
0x72: {  	_ =	shalt  }
0x73: {  	_ =	shalt  }
0x74: {  	_ =	shalt  }
0x75: {  	_ =	shalt  }
0x76: {  	_ =	shalt  }
0x77: {  	_ =	shalt  }
0x78: {  	_ =	shalt  }
0x79: {  	_ =	shalt  }
0x7a: {  	_ =	shalt  }
0x7b: {  	_ =	shalt  }
0x7c: {  	_ =	shalt  }
0x7d: {  	_ =	shalt  }
0x7e: {  	_ =	shalt  }
0x7f: {  	_ =	shalt  }
0x80: {  	_ =	shalt  }
0x81: {  	_ =	shalt  }
0x82: {  	_ =	shalt  }
0x83: {  	_ =	shalt  }
0x84: {  	_ =	shalt  }
0x85: {  	_ =	shalt  }
0x86: {  	_ =	shalt  }
0x87: {  	_ =	shalt  }
.Lfunc_end0:
.L_simem_size_0:
called_computation.1_lowered:
.L_overlay_start_0:
0x88: {  	s2 =	sld [smem:$0x3FD9]  }
0x89: {  	s3 =	sld [smem:$0x3FFE];
	_ =	sdelay $0x1  }
0x8a: {  	s1 =	srdreg.scid  }
0x8b: {  	s0 =	sand.u32 $0x1, s1  }
0x8c: {  	s14 =	sshll.u32 s0, $0xA;
	s2 =	sadd.s32 s3, s2  }
0x8d: {  	s2 =	sadd.s32 s2, s14  }
0x8e: {  	[smem:$0x3FB2] =	sst s2  }
0x8f: {  	_ = 	snop  }
0x90: {  	s2 =	sld [smem:$0x3FD0];
	_ =	sdelay $0x2  }
0x91: {  	s15 =	simm.s32 $0xA;
	s4 =	simm.s32 $0x10  }
0x92: {  	[smem:s4], [sflag:s15] =	dma.local [hbm:s2], $0x1  }
0x93: {  	_ =	swait.eq [sflag:s15], $0x1  }
0x94: {  	s16 =	sld [smem:$0x10];
	[sflag:s15] =	ssyncset.done $0x0  }
0x95: {  	s17 =	sld [smem:$0x16];
	[sflag:s15] =	ssyncadd.s32 $0xFFFFFFFF  }
0x96: {  	s18 =	sld [smem:$0x17];
	(tm) =	ssettm $0x1  }
0x97: {  	s5 =	sld [smem:$0x3FFB];
	_ =	sdelay $0x3  }
0x98: {  	_ =	strace s5  }
0x99: {  	s5 =	sld [smem:$0x3FFC];
	_ =	sdelay $0x3  }
0x9a: {  	_ =	strace s5  }
0x9b: {  	s5 =	sld [smem:$0x3FFD];
	_ =	sdelay $0x3  }
0x9c: {  	_ =	strace s5  }
0x9d: {  	_ =	strace $0x8FFFFFFF  }
0x9e: {  	s19 =	sld [smem:$0x3FDB];
	_ =	sdelay $0x1  }
0x9f: {  	s6 =	simm.s32 $_scs_section_size  }
0xa0: {  	s7 =	simm.s32 $_size__tile_overlayer_lowered;
	s8 =	simm.s32 $_tile_overlayer_lowered  }
0xa1: {  	s22 =	simm.s32 $0x1BFF;
	s21 =	sshll.u32 s8, $0x1;
	s5 =	sadd.s32 s6, s19  }
0xa2: {  	s9 =	simm.s32 $0x0;
	s20 =	sshll.u32 s7, $0x1;
	s7 =	sadd.s32 s21, s5  }
0xa3: {  	[timem:s9], [sflag:s22] =	dma.local [hbm:s7], s20  }
0xa4: {  	_ =	swait.ge [sflag:s22], s20  }
0xa5: {  	s6 =	ssub.s32 $0x0, s20;
	[sflag:s22] =	ssyncset.done $0x0  }
0xa6: {  	[sflag:s22] =	ssyncadd.s32 s6;
	_ =	sdelay $0x1  }
0xa7: {  	s23 =	simm.s32 $0x1B8B  }
0xa8: {  	_ =	swait.ge [sflag:s23], $0x1  }
0xa9: {  	[sflag:s23] =	ssyncset.done $0x0  }
0xaa: {  	s25 =	simm.s32 $0x1B8E;
	s24 =	sld [smem:$0x3FFE];
	[sflag:s23] =	ssyncadd.s32 $0xFFFFFFFF  }
0xab: {  	s26 =	simm.s32 $execute0_lowered;
	[smem:$0x3FD2] =	sst s25  }
0xac: {  	s7 =	sshll.u32 s26, $0x1;
	_ =	strace $0x80000049;
	[dreg:$0x1] =	wrdreg $0xFFFFFFFF  }
0xad: {  	s28 =	simm.s32 $_size_execute0_lowered;
	s5 =	sadd.s32 s5, s7;
	[dreg:$0x0] =	wrdreg $0x0  }
0xae: {  	s7 =	sshll.u32 s28, $0x1;
	[dreg:$0x2] =	wrdreg s5  }
0xaf: {  	[dreg:$0x3] =	wrdreg s7  }
0xb0: {  	[dreg:$0x4] =	wrdreg $0xC0  }
0xb1: {  	_ =	task [dreg:s9], $0x5FFFF  }
0xb2: {  	[dreg:$0x1] =	wrdreg $0xFFFFFFFF  }
0xb3: {  	[dreg:$0x0] =	wrdreg $0x60  }
0xb4: {  	[dreg:$0x2] =	wrdreg s24  }
0xb5: {  	[dreg:$0x3] =	wrdreg s17  }
0xb6: {  	[dreg:$0x4] =	wrdreg s16  }
0xb7: {  	[dreg:$0x5] =	wrdreg s18  }
0xb8: {  	[dreg:$0x6] =	wrdreg $0x90000  }
0xb9: {  	[dreg:$0x7] =	wrdreg $0x9  }
0xba: {  	_ =	task.clear_ibuf [dreg:s9], $0x8FFFF;
	_ =	strace $0x90000049  }
0xbb: {  	s29 =	simm.s32 $0x9;
	_ =	strace $0x8000004B  }
0xbc: {  	_ =	swait.ge [sflag:s29], $0x1  }
0xbd: {  	[sflag:s29] =	ssyncadd.s32 $0xFFFFFFFF  }
0xbe: {  	_ =	strace $0x9000004B  }
0xbf: {  	_ =	sfence  }
0xc0: {  	s30 =	sld [smem:$0x0];
	_ =	sdelay $0x2  }
0xc1: {  	s31 =	sshll.u32 s1, $0xD;
	s1 =	sshrl.u32 s1, $0x2  }
0xc2: {  	s3 =	sand.u32 $0x4000, s31;
	s1 =	sadd.s32 s1, s30  }
0xc3: {  	s0 =	sor.u32 s3, s0;
	s1 =	sshll.u32 s1, $0x11  }
0xc4: {  	s0 =	sor.u32 s1, s0  }
0xc5: {  	s0 =	sadd.s32 $0x8F2B, s0  }
0xc6: {  	[sflag:s0] =	ssyncadd.remote.s32 $0x1  }
0xc7: {  	_ =	sfence.sel $0xFFFF  }
0xc8: {  	[dreg:$0x0] =	wrdreg $0xFFFFFFFF;
	(pc) =	sbr.abs _section_cstart, $3  }
0xc9: {  	[dreg:$0x1] =	wrdreg $0xFFFFFFFF  }
0xca: {  	_ =	task.clear_ibuf [dreg:s9], $0x2FFFF;
	_ =	strace $0x9FFFFFFF  }
0xcb: {  	(tm) =	ssettm $0x7FFFFFFF  }
tec
execute0_lowered:
.L_overlay_start_1:
0x0: {  	(tag) =	ssettag $0x1  }
0x1: {  	s0 =	rddreg [dreg:$0x0]  }
0x2: {  	s3 =	rddreg [dreg:$0x1]  }
0x3: {  	s1 =	rddreg [dreg:$0x2]  }
0x4: {  	s5 =	rddreg [dreg:$0x3]  }
0x5: {  	s2 =	rddreg [dreg:$0x4]  }
0x6: {  	s4 =	srdreg.scid;
	s11 =	stileid.u32;
	s14 =	simm.s32 $0x880  }
0x7: {  	s16 =	simm.s32 $0x180;
	s17 =	simm.s32 $0x900;
	s18 =	simm.s32 $0x200  }
0x8: {  	s19 =	simm.s32 $0x980;
	s6 =	sand.u32 $0x1, s4;
	s4 =	simm.s32 $0x0  }
0x9: {  	s21 =	simm.s32 $0x280;
	s22 =	simm.s32 $0xA00;
	[smem:$0x7FF] =	sst s4  }
0xa: {  	s28 =	simm.s32 $0x600;
	_ =	strace $0x8000004A;
	[dreg:$0x9] =	wrdreg s14  }
0xb: {  	s29 =	simm.s32 $0xD80;
	s8 =	smul.u32 $0x50000, s11;
	[dreg:$0xa] =	wrdreg s16  }
0xc: {  	s30 =	simm.s32 $0x680;
	s23 =	smul.u32 $0x500, s11;
	[dreg:$0xb] =	wrdreg s17  }
0xd: {  	s31 =	simm.s32 $0xE00;
	s13 =	smul.u32 $0x14000, s11;
	[dreg:$0xc] =	wrdreg s18  }
0xe: {  	s7 =	smul.u32 $0x5000, s6;
	s9 =	ssub.s32 $0x2, s6;
	[dreg:$0xd] =	wrdreg s19  }
0xf: {  	s8 =	sshrl.u32 s8, $0x2;
	s10 =	sshrl.u32 s9, $0x1;
	[dreg:$0xe] =	wrdreg s21  }
0x10: {  	[dreg:$0xf] =	wrdreg s22;
	s14 =	simm.s32 $0x800;
	s16 =	simm.s32 $0x5000  }
0x11: {  	s17 =	simm.s32 $0x1;
	s18 =	simm.s32 $0x2;
	s19 =	simm.s32 $0x400  }
0x12: {  	s21 =	simm.s32 $0x480;
	s22 =	simm.s32 $0xC00;
	s0 =	sadd.s32 s7, s0  }
0x13: {  	s12 =	sadd.s32 s8, s2;
	s9 =	ssub.s32 s9, s10;
	s10 =	simm.s32 $0x100  }
0x14: {  	s3 =	sadd.s32 s7, s3;
	s8 =	smul.u32 $0x140000, s6;
	[dreg:$0x8] =	wrdreg s10  }
0x15: {  	s6 =	simm.s32 $0x780;
	s24 =	sadd.s32 $0x4000, s12;
	[dreg:$0x14] =	wrdreg s12  }
0x16: {  	s7 =	simm.s32 $0xF00;
	s25 =	sadd.s32 $0x8000, s12;
	[dreg:$0x15] =	wrdreg s24  }
0x17: {  	s3 =	sadd.s32 s23, s3;
	s26 =	sadd.s32 $0xC000, s12;
	[dreg:$0x16] =	wrdreg s25  }
0x18: {  	s0 =	sadd.s32 s23, s0;
	s15 =	sadd.s32 $0x10000, s12;
	[dreg:$0x17] =	wrdreg s26  }
0x19: {  	s20 =	smax.u32 s9, $0x1;
	s12 =	simm.s32 $0x1000;
	[dreg:$0x6] =	wrdreg s3  }
0x1a: {  	s23 =	simm.s32 $0x300;
	s9 =	simm.s32 $0x0;
	[dreg:$0x18] =	wrdreg s15  }
0x1b: {  	s0 =	sadd.s32 $0x4C00, s0;
	s3 =	sadd.s32 s13, s8;
	[dreg:$0x1a] =	wrdreg s20  }
0x1c: {  	s13 =	simm.s32 $0x3;
	[dreg:$0x10] =	wrdreg s23;
	s24 =	simm.s32 $0xA80  }
0x1d: {  	s15 =	simm.s32 $0x80;
	s25 =	simm.s32 $0x380;
	[dreg:$0x7] =	wrdreg s0  }
0x1e: {  	s26 =	simm.s32 $0xB00;
	s20 =	simm.s32 $0xB80;
	[dreg:$0x11] =	wrdreg s24  }
0x1f: {  	s23 =	simm.s32 $0x500;
	s8 =	simm.s32 $0xF80;
	[dreg:$0x12] =	wrdreg s25  }
0x20: {  	s3 =	sshrl.u32 s3, $0x3;
	[dreg:$0x13] =	wrdreg s26;
	s24 =	simm.s32 $0xC80  }
0x21: {  	s25 =	simm.s32 $0x580;
	s26 =	simm.s32 $0xD00;
	s3 =	sadd.s32 s5, s3  }
0x22: {  	v0 =	vimm.f32 $0.0e+00;
	s0 =	simm.s32 $0x700;
	[dreg:$0x19] =	wrdreg s3;
	s3 =	simm.s32 $0xE80  }
.LBB2_1:
0x23: {  	s10 =	simm.s32 $0x0;
	s11 =	simm.s32 $0x200  }
.LBB2_2:
0x24: {  	p0 =	sne.s32 s11, $0xFE00;
	[tilespmem:s10+$0x1070] =	vst v0  }
0x25: {  	[tilespmem:s10+$0x1000] =	vst v0  }
0x26: {  	[tilespmem:s10+$0x1010] =	vst v0  }
.Ltmp0:
0x27: {  	[tilespmem:s10+$0x1020] =	vst v0;
	(pc) =	sbr.rel @p0 .LBB2_2-.Ltmp0, $4  }
0x28: {  	[tilespmem:s10+$0x1030] =	vst v0  }
0x29: {  	[tilespmem:s10+$0x1040] =	vst v0  }
0x2a: {  	[tilespmem:s10+$0x1050] =	vst v0  }
0x2b: {  	[tilespmem:s10+$0x1060] =	vst v0;
	s10 =	sshra.s32 s11, $0x2;
	s11 =	sadd.s32 $0x200, s11  }
0x2c: {  	[tilespmem:s10+$0x1070] =	vst v0  }
0x2d: {  	[tilespmem:s10+$0x1000] =	vst v0  }
0x2e: {  	[tilespmem:s10+$0x1010] =	vst v0  }
0x2f: {  	[tilespmem:s10+$0x1020] =	vst v0  }
0x30: {  	[tilespmem:s10+$0x1030] =	vst v0  }
0x31: {  	[tilespmem:s10+$0x1040] =	vst v0  }
0x32: {  	[dreg:$0x1b] =	wrdreg s9;
	[tilespmem:s10+$0x1050] =	vst v0  }
0x33: {  	[tilespmem:s10+$0x1060] =	vst v0;
	s5 =	rddreg [dreg:$0x14]  }
0x34: {  	[spmem:s5] =	stream.linear.scatter [tilespmem:s12], [sflag:$0x3], $0x4000, $0x38;
	[tilespmem:$0x1D000] =	vst v63  }
0x35: {  	_ =	swait.ge [sflag:s13], $0x4000  }
0x36: {  	[sflag:s13] =	ssyncset.done $0x0  }
0x37: {  	s9 =	rddreg [dreg:$0x15];
	[sflag:s13] =	ssyncadd.s32 $0xFFFFC000  }
0x38: {  	[spmem:s9] =	stream.linear.scatter [tilespmem:s12], [sflag:$0x3], $0x4000, $0x38;
	[tilespmem:$0x1D000] =	vst v63  }
0x39: {  	_ =	swait.ge [sflag:s13], $0x4000  }
0x3a: {  	[sflag:s13] =	ssyncset.done $0x0  }
0x3b: {  	s10 =	rddreg [dreg:$0x16];
	[sflag:s13] =	ssyncadd.s32 $0xFFFFC000  }
0x3c: {  	[spmem:s10] =	stream.linear.scatter [tilespmem:s12], [sflag:$0x3], $0x4000, $0x38;
	[tilespmem:$0x1D000] =	vst v63  }
0x3d: {  	_ =	swait.ge [sflag:s13], $0x4000  }
0x3e: {  	[sflag:s13] =	ssyncset.done $0x0  }
0x3f: {  	s11 =	rddreg [dreg:$0x17];
	[sflag:s13] =	ssyncadd.s32 $0xFFFFC000  }
0x40: {  	[spmem:s11] =	stream.linear.scatter [tilespmem:s12], [sflag:$0x3], $0x4000, $0x38;
	[tilespmem:$0x1D000] =	vst v63  }
0x41: {  	_ =	swait.ge [sflag:s13], $0x4000  }
0x42: {  	[sflag:s13] =	ssyncset.done $0x0  }
0x43: {  	s9 =	rddreg [dreg:$0x18];
	[sflag:s13] =	ssyncadd.s32 $0xFFFFC000  }
0x44: {  	[spmem:s9] =	stream.linear.scatter [tilespmem:s12], [sflag:$0x3], $0x4000, $0x38;
	[tilespmem:$0x1D000] =	vst v63  }
0x45: {  	_ =	swait.ge [sflag:s13], $0x4000  }
0x46: {  	[sflag:s13] =	ssyncset.done $0x0  }
0x47: {  	[sflag:s13] =	ssyncadd.s32 $0xFFFFC000  }
0x48: {  	[bflag:$0x0] =	sbarrier.arrive $0xFFFF  }
0x49: {  	s10 =	rddreg [dreg:$0x6]  }
0x4a: {  	s5 =	sadd.s32 $0x0, s10  }
0x4b: {  	[tilespmem:s4], [sflag:$0x3] =	stream.linear.gather [hbm4b:s5+s4], $0x800, $0x38;
	[tilespmem:$0x1D000] =	vst v63  }
0x4c: {  	_ =	swait.ge [sflag:s13], $0x800  }
0x4d: {  	s11 =	rddreg [dreg:$0x7];
	[sflag:s13] =	ssyncset.done $0x0  }
0x4e: {  	[sflag:s13] =	ssyncadd.s32 $0xFFFFF800;
	s5 =	sadd.s32 $0x0, s11  }
0x4f: {  	[tilespmem:s14], [sflag:$0x3] =	stream.linear.gather [hbm4b:s5+s4], $0x800, $0x38;
	[tilespmem:$0x1D000] =	vst v63  }
0x50: {  	_ =	swait.ge [sflag:s13], $0x800  }
0x51: {  	[sflag:s13] =	ssyncset.done $0x0  }
0x52: {  	[sflag:s13] =	ssyncadd.s32 $0xFFFFF800  }
0x53: {  	[tilespmem:s12], [sflag:$0x1] =	stream.indirect.gather [hbm4b:s1+s15], $0x80, s4, s15, $0xb8;
	[tilespmem:$0x1D000] =	vst v63  }
0x54: {  	_ = 	snop  }
0x55: {  	[tilespmem:s16], [sflag:$0x2] =	stream.indirect.gather [hbm4b:s1+s15], $0x80, s15, s15, $0xb8;
	[tilespmem:$0x1D000] =	vst v63  }
0x56: {  	_ =	swait.ge [sflag:s17], $0x4000  }
0x57: {  	[sflag:s17] =	ssyncset.done $0x0  }
0x58: {  	[sflag:s17] =	ssyncadd.s32 $0xFFFFC000  }
0x59: {  	[spmem:s2] =	stream.indirect.scatter.add.f32 [tilespmem:s12], [sflag:$0x3], $0x80, s14, s15, $0xb8;
	[tilespmem:$0x1D000] =	vst v63  }
0x5a: {  	_ =	swait.ge [sflag:s13], $0x4000  }
0x5b: {  	[sflag:s13] =	ssyncset.done $0x0  }
0x5c: {  	s9 =	rddreg [dreg:$0x8];
	[sflag:s13] =	ssyncadd.s32 $0xFFFFC000  }
0x5d: {  	[tilespmem:s12], [sflag:$0x1] =	stream.indirect.gather [hbm4b:s1+s15], $0x80, s9, s15, $0xb8;
	[tilespmem:$0x1D000] =	vst v63  }
0x5e: {  	_ =	swait.ge [sflag:s18], $0x4000  }
0x5f: {  	[sflag:s18] =	ssyncset.done $0x0  }
0x60: {  	s10 =	rddreg [dreg:$0x9];
	[sflag:s18] =	ssyncadd.s32 $0xFFFFC000  }
0x61: {  	[spmem:s2] =	stream.indirect.scatter.add.f32 [tilespmem:s16], [sflag:$0x3], $0x80, s10, s15, $0xb8;
	[tilespmem:$0x1D000] =	vst v63  }
0x62: {  	_ =	swait.ge [sflag:s13], $0x4000  }
0x63: {  	[sflag:s13] =	ssyncset.done $0x0  }
0x64: {  	s11 =	rddreg [dreg:$0xa];
	[sflag:s13] =	ssyncadd.s32 $0xFFFFC000  }
0x65: {  	[tilespmem:s16], [sflag:$0x2] =	stream.indirect.gather [hbm4b:s1+s15], $0x80, s11, s15, $0xb8;
	[tilespmem:$0x1D000] =	vst v63  }
0x66: {  	_ =	swait.ge [sflag:s17], $0x4000  }
0x67: {  	[sflag:s17] =	ssyncset.done $0x0  }
0x68: {  	s9 =	rddreg [dreg:$0xb];
	[sflag:s17] =	ssyncadd.s32 $0xFFFFC000  }
0x69: {  	[spmem:s2] =	stream.indirect.scatter.add.f32 [tilespmem:s12], [sflag:$0x3], $0x80, s9, s15, $0xb8;
	[tilespmem:$0x1D000] =	vst v63  }
0x6a: {  	_ =	swait.ge [sflag:s13], $0x4000  }
0x6b: {  	[sflag:s13] =	ssyncset.done $0x0  }
0x6c: {  	s10 =	rddreg [dreg:$0xc];
	[sflag:s13] =	ssyncadd.s32 $0xFFFFC000  }
0x6d: {  	[tilespmem:s12], [sflag:$0x1] =	stream.indirect.gather [hbm4b:s1+s15], $0x80, s10, s15, $0xb8;
	[tilespmem:$0x1D000] =	vst v63  }
0x6e: {  	_ =	swait.ge [sflag:s18], $0x4000  }
0x6f: {  	[sflag:s18] =	ssyncset.done $0x0  }
0x70: {  	s11 =	rddreg [dreg:$0xd];
	[sflag:s18] =	ssyncadd.s32 $0xFFFFC000  }
0x71: {  	[spmem:s2] =	stream.indirect.scatter.add.f32 [tilespmem:s16], [sflag:$0x3], $0x80, s11, s15, $0xb8;
	[tilespmem:$0x1D000] =	vst v63  }
0x72: {  	_ =	swait.ge [sflag:s13], $0x4000  }
0x73: {  	[sflag:s13] =	ssyncset.done $0x0  }
0x74: {  	s9 =	rddreg [dreg:$0xe];
	[sflag:s13] =	ssyncadd.s32 $0xFFFFC000  }
0x75: {  	[tilespmem:s16], [sflag:$0x2] =	stream.indirect.gather [hbm4b:s1+s15], $0x80, s9, s15, $0xb8;
	[tilespmem:$0x1D000] =	vst v63  }
0x76: {  	_ =	swait.ge [sflag:s17], $0x4000  }
0x77: {  	[sflag:s17] =	ssyncset.done $0x0  }
0x78: {  	s10 =	rddreg [dreg:$0xf];
	[sflag:s17] =	ssyncadd.s32 $0xFFFFC000  }
0x79: {  	[spmem:s2] =	stream.indirect.scatter.add.f32 [tilespmem:s12], [sflag:$0x3], $0x80, s10, s15, $0xb8;
	[tilespmem:$0x1D000] =	vst v63  }
0x7a: {  	_ =	swait.ge [sflag:s13], $0x4000  }
0x7b: {  	[sflag:s13] =	ssyncset.done $0x0  }
0x7c: {  	s11 =	rddreg [dreg:$0x10];
	[sflag:s13] =	ssyncadd.s32 $0xFFFFC000  }
0x7d: {  	[tilespmem:s12], [sflag:$0x1] =	stream.indirect.gather [hbm4b:s1+s15], $0x80, s11, s15, $0xb8;
	[tilespmem:$0x1D000] =	vst v63  }
0x7e: {  	_ =	swait.ge [sflag:s18], $0x4000  }
0x7f: {  	[sflag:s18] =	ssyncset.done $0x0  }
0x80: {  	s9 =	rddreg [dreg:$0x11];
	[sflag:s18] =	ssyncadd.s32 $0xFFFFC000  }
0x81: {  	[spmem:s2] =	stream.indirect.scatter.add.f32 [tilespmem:s16], [sflag:$0x3], $0x80, s9, s15, $0xb8;
	[tilespmem:$0x1D000] =	vst v63  }
0x82: {  	_ =	swait.ge [sflag:s13], $0x4000  }
0x83: {  	[sflag:s13] =	ssyncset.done $0x0  }
0x84: {  	s10 =	rddreg [dreg:$0x12];
	[sflag:s13] =	ssyncadd.s32 $0xFFFFC000  }
0x85: {  	[tilespmem:s16], [sflag:$0x2] =	stream.indirect.gather [hbm4b:s1+s15], $0x80, s10, s15, $0xb8;
	[tilespmem:$0x1D000] =	vst v63  }
0x86: {  	_ =	swait.ge [sflag:s17], $0x4000  }
0x87: {  	[sflag:s17] =	ssyncset.done $0x0  }
0x88: {  	s11 =	rddreg [dreg:$0x13];
	[sflag:s17] =	ssyncadd.s32 $0xFFFFC000  }
0x89: {  	[spmem:s2] =	stream.indirect.scatter.add.f32 [tilespmem:s12], [sflag:$0x3], $0x80, s11, s15, $0xb8;
	[tilespmem:$0x1D000] =	vst v63  }
0x8a: {  	_ =	swait.ge [sflag:s13], $0x4000  }
0x8b: {  	[sflag:s13] =	ssyncset.done $0x0  }
0x8c: {  	[sflag:s13] =	ssyncadd.s32 $0xFFFFC000  }
0x8d: {  	[tilespmem:s12], [sflag:$0x1] =	stream.indirect.gather [hbm4b:s1+s15], $0x80, s19, s15, $0xb8;
	[tilespmem:$0x1D000] =	vst v63  }
0x8e: {  	_ =	swait.ge [sflag:s18], $0x4000  }
0x8f: {  	[sflag:s18] =	ssyncset.done $0x0  }
0x90: {  	[sflag:s18] =	ssyncadd.s32 $0xFFFFC000  }
0x91: {  	[spmem:s2] =	stream.indirect.scatter.add.f32 [tilespmem:s16], [sflag:$0x3], $0x80, s20, s15, $0xb8;
	[tilespmem:$0x1D000] =	vst v63  }
0x92: {  	_ =	swait.ge [sflag:s13], $0x4000  }
0x93: {  	[sflag:s13] =	ssyncset.done $0x0  }
0x94: {  	[sflag:s13] =	ssyncadd.s32 $0xFFFFC000  }
0x95: {  	[tilespmem:s16], [sflag:$0x2] =	stream.indirect.gather [hbm4b:s1+s15], $0x80, s21, s15, $0xb8;
	[tilespmem:$0x1D000] =	vst v63  }
0x96: {  	_ =	swait.ge [sflag:s17], $0x4000  }
0x97: {  	[sflag:s17] =	ssyncset.done $0x0  }
0x98: {  	[sflag:s17] =	ssyncadd.s32 $0xFFFFC000  }
0x99: {  	[spmem:s2] =	stream.indirect.scatter.add.f32 [tilespmem:s12], [sflag:$0x3], $0x80, s22, s15, $0xb8;
	[tilespmem:$0x1D000] =	vst v63  }
0x9a: {  	_ =	swait.ge [sflag:s13], $0x4000  }
0x9b: {  	[sflag:s13] =	ssyncset.done $0x0  }
0x9c: {  	[sflag:s13] =	ssyncadd.s32 $0xFFFFC000  }
0x9d: {  	[tilespmem:s12], [sflag:$0x1] =	stream.indirect.gather [hbm4b:s1+s15], $0x80, s23, s15, $0xb8;
	[tilespmem:$0x1D000] =	vst v63  }
0x9e: {  	_ =	swait.ge [sflag:s18], $0x4000  }
0x9f: {  	[sflag:s18] =	ssyncset.done $0x0  }
0xa0: {  	[sflag:s18] =	ssyncadd.s32 $0xFFFFC000  }
0xa1: {  	[spmem:s2] =	stream.indirect.scatter.add.f32 [tilespmem:s16], [sflag:$0x3], $0x80, s24, s15, $0xb8;
	[tilespmem:$0x1D000] =	vst v63  }
0xa2: {  	_ =	swait.ge [sflag:s13], $0x4000  }
0xa3: {  	[sflag:s13] =	ssyncset.done $0x0  }
0xa4: {  	[sflag:s13] =	ssyncadd.s32 $0xFFFFC000  }
0xa5: {  	[tilespmem:s16], [sflag:$0x2] =	stream.indirect.gather [hbm4b:s1+s15], $0x80, s25, s15, $0xb8;
	[tilespmem:$0x1D000] =	vst v63  }
0xa6: {  	_ =	swait.ge [sflag:s17], $0x4000  }
0xa7: {  	[sflag:s17] =	ssyncset.done $0x0  }
0xa8: {  	[sflag:s17] =	ssyncadd.s32 $0xFFFFC000  }
0xa9: {  	[spmem:s2] =	stream.indirect.scatter.add.f32 [tilespmem:s12], [sflag:$0x3], $0x80, s26, s15, $0xb8;
	[tilespmem:$0x1D000] =	vst v63  }
0xaa: {  	_ =	swait.ge [sflag:s13], $0x4000  }
0xab: {  	[sflag:s13] =	ssyncset.done $0x0  }
0xac: {  	[sflag:s13] =	ssyncadd.s32 $0xFFFFC000  }
0xad: {  	[tilespmem:s12], [sflag:$0x1] =	stream.indirect.gather [hbm4b:s1+s15], $0x80, s28, s15, $0xb8;
	[tilespmem:$0x1D000] =	vst v63  }
0xae: {  	_ =	swait.ge [sflag:s18], $0x4000  }
0xaf: {  	[sflag:s18] =	ssyncset.done $0x0  }
0xb0: {  	[sflag:s18] =	ssyncadd.s32 $0xFFFFC000  }
0xb1: {  	[spmem:s2] =	stream.indirect.scatter.add.f32 [tilespmem:s16], [sflag:$0x3], $0x80, s29, s15, $0xb8;
	[tilespmem:$0x1D000] =	vst v63  }
0xb2: {  	_ =	swait.ge [sflag:s13], $0x4000  }
0xb3: {  	[sflag:s13] =	ssyncset.done $0x0  }
0xb4: {  	[sflag:s13] =	ssyncadd.s32 $0xFFFFC000  }
0xb5: {  	[tilespmem:s16], [sflag:$0x2] =	stream.indirect.gather [hbm4b:s1+s15], $0x80, s30, s15, $0xb8;
	[tilespmem:$0x1D000] =	vst v63  }
0xb6: {  	_ =	swait.ge [sflag:s17], $0x4000  }
0xb7: {  	[sflag:s17] =	ssyncset.done $0x0  }
0xb8: {  	[sflag:s17] =	ssyncadd.s32 $0xFFFFC000  }
0xb9: {  	[spmem:s2] =	stream.indirect.scatter.add.f32 [tilespmem:s12], [sflag:$0x3], $0x80, s31, s15, $0xb8;
	[tilespmem:$0x1D000] =	vst v63  }
0xba: {  	_ =	swait.ge [sflag:s13], $0x4000  }
0xbb: {  	[sflag:s13] =	ssyncset.done $0x0  }
0xbc: {  	[sflag:s13] =	ssyncadd.s32 $0xFFFFC000  }
0xbd: {  	[tilespmem:s12], [sflag:$0x1] =	stream.indirect.gather [hbm4b:s1+s15], $0x80, s0, s15, $0xb8;
	[tilespmem:$0x1D000] =	vst v63  }
0xbe: {  	_ =	swait.ge [sflag:s18], $0x4000  }
0xbf: {  	[sflag:s18] =	ssyncset.done $0x0  }
0xc0: {  	[sflag:s18] =	ssyncadd.s32 $0xFFFFC000  }
0xc1: {  	[spmem:s2] =	stream.indirect.scatter.add.f32 [tilespmem:s16], [sflag:$0x3], $0x80, s3, s15, $0xb8;
	[tilespmem:$0x1D000] =	vst v63  }
0xc2: {  	_ =	swait.ge [sflag:s13], $0x4000  }
0xc3: {  	[sflag:s13] =	ssyncset.done $0x0  }
0xc4: {  	[sflag:s13] =	ssyncadd.s32 $0xFFFFC000  }
0xc5: {  	[tilespmem:s16], [sflag:$0x2] =	stream.indirect.gather [hbm4b:s1+s15], $0x80, s6, s15, $0xb8;
	[tilespmem:$0x1D000] =	vst v63  }
0xc6: {  	_ =	swait.ge [sflag:s17], $0x4000  }
0xc7: {  	[sflag:s17] =	ssyncset.done $0x0  }
0xc8: {  	[sflag:s17] =	ssyncadd.s32 $0xFFFFC000  }
0xc9: {  	[spmem:s2] =	stream.indirect.scatter.add.f32 [tilespmem:s12], [sflag:$0x3], $0x80, s7, s15, $0xb8;
	[tilespmem:$0x1D000] =	vst v63  }
0xca: {  	_ =	swait.ge [sflag:s13], $0x4000  }
0xcb: {  	[sflag:s13] =	ssyncset.done $0x0  }
0xcc: {  	[sflag:s13] =	ssyncadd.s32 $0xFFFFC000  }
0xcd: {  	[tilespmem:s12], [sflag:$0x1] =	stream.indirect.gather [hbm4b:s1+s15], $0x80, s6, s15, $0xb8;
	[tilespmem:$0x1D000] =	vst v63  }
0xce: {  	_ =	swait.ge [sflag:s18], $0x4000  }
0xcf: {  	[sflag:s18] =	ssyncset.done $0x0  }
0xd0: {  	[sflag:s18] =	ssyncadd.s32 $0xFFFFC000  }
0xd1: {  	[spmem:s2] =	stream.indirect.scatter.add.f32 [tilespmem:s16], [sflag:$0x3], $0x80, s8, s15, $0xb8;
	[tilespmem:$0x1D000] =	vst v63  }
0xd2: {  	_ =	swait.ge [sflag:s13], $0x4000  }
0xd3: {  	[sflag:s13] =	ssyncset.done $0x0  }
0xd4: {  	[sflag:s13] =	ssyncadd.s32 $0xFFFFC000  }
0xd5: {  	s10 =	simm.s32 $0x100;
	_ =	swait.ge [sflag:s17], $0x4000  }
0xd6: {  	s11 =	simm.s32 $0x200;
	s5 =	rddreg [dreg:$0x6];
	[sflag:s17] =	ssyncset.done $0x0  }
.LBB2_4:
0xd7: {  	[sflag:s17] =	ssyncadd.s32 $0xFFFFC000;
	s5 =	sadd.s32 s10, s5  }
0xd8: {  	[tilespmem:s4], [sflag:$0x3] =	stream.linear.gather [hbm4b:s5+s4], $0x800, $0x38;
	[tilespmem:$0x1D000] =	vst v63  }
0xd9: {  	_ =	swait.ge [sflag:s13], $0x800  }
0xda: {  	s5 =	rddreg [dreg:$0x7];
	[sflag:s13] =	ssyncset.done $0x0  }
0xdb: {  	[sflag:s13] =	ssyncadd.s32 $0xFFFFF800;
	s5 =	sadd.s32 s10, s5  }
0xdc: {  	[tilespmem:s14], [sflag:$0x3] =	stream.linear.gather [hbm4b:s5+s4], $0x800, $0x38;
	[tilespmem:$0x1D000] =	vst v63  }
0xdd: {  	_ =	swait.ge [sflag:s13], $0x800  }
0xde: {  	[sflag:s13] =	ssyncset.done $0x0  }
0xdf: {  	[sflag:s13] =	ssyncadd.s32 $0xFFFFF800  }
0xe0: {  	[tilespmem:s12], [sflag:$0x1] =	stream.indirect.gather [hbm4b:s1+s15], $0x80, s4, s15, $0xb8;
	[tilespmem:$0x1D000] =	vst v63  }
0xe1: {  	_ = 	snop  }
0xe2: {  	[tilespmem:s16], [sflag:$0x2] =	stream.indirect.gather [hbm4b:s1+s15], $0x80, s15, s15, $0xb8;
	[tilespmem:$0x1D000] =	vst v63  }
0xe3: {  	_ =	swait.ge [sflag:s17], $0x4000  }
0xe4: {  	[sflag:s17] =	ssyncset.done $0x0  }
0xe5: {  	[sflag:s17] =	ssyncadd.s32 $0xFFFFC000  }
0xe6: {  	[spmem:s2] =	stream.indirect.scatter.add.f32 [tilespmem:s12], [sflag:$0x3], $0x80, s14, s15, $0xb8;
	[tilespmem:$0x1D000] =	vst v63  }
0xe7: {  	_ =	swait.ge [sflag:s13], $0x4000  }
0xe8: {  	s9 =	smov.u32 s11;
	[sflag:s13] =	ssyncset.done $0x0  }
0xe9: {  	s10 =	smov.u32 s9;
	s9 =	rddreg [dreg:$0x8];
	[sflag:s13] =	ssyncadd.s32 $0xFFFFC000  }
0xea: {  	[tilespmem:s12], [sflag:$0x1] =	stream.indirect.gather [hbm4b:s1+s15], $0x80, s9, s15, $0xb8;
	[tilespmem:$0x1D000] =	vst v63  }
0xeb: {  	_ =	swait.ge [sflag:s18], $0x4000  }
0xec: {  	[sflag:s18] =	ssyncset.done $0x0  }
0xed: {  	s9 =	rddreg [dreg:$0x9];
	[sflag:s18] =	ssyncadd.s32 $0xFFFFC000  }
0xee: {  	[spmem:s2] =	stream.indirect.scatter.add.f32 [tilespmem:s16], [sflag:$0x3], $0x80, s9, s15, $0xb8;
	[tilespmem:$0x1D000] =	vst v63  }
0xef: {  	_ =	swait.ge [sflag:s13], $0x4000  }
0xf0: {  	[sflag:s13] =	ssyncset.done $0x0  }
0xf1: {  	s9 =	rddreg [dreg:$0xa];
	[sflag:s13] =	ssyncadd.s32 $0xFFFFC000  }
0xf2: {  	[tilespmem:s16], [sflag:$0x2] =	stream.indirect.gather [hbm4b:s1+s15], $0x80, s9, s15, $0xb8;
	[tilespmem:$0x1D000] =	vst v63  }
0xf3: {  	_ =	swait.ge [sflag:s17], $0x4000  }
0xf4: {  	[sflag:s17] =	ssyncset.done $0x0  }
0xf5: {  	s9 =	rddreg [dreg:$0xb];
	[sflag:s17] =	ssyncadd.s32 $0xFFFFC000  }
0xf6: {  	[spmem:s2] =	stream.indirect.scatter.add.f32 [tilespmem:s12], [sflag:$0x3], $0x80, s9, s15, $0xb8;
	[tilespmem:$0x1D000] =	vst v63  }
0xf7: {  	_ =	swait.ge [sflag:s13], $0x4000  }
0xf8: {  	[sflag:s13] =	ssyncset.done $0x0  }
0xf9: {  	s9 =	rddreg [dreg:$0xc];
	[sflag:s13] =	ssyncadd.s32 $0xFFFFC000  }
0xfa: {  	[tilespmem:s12], [sflag:$0x1] =	stream.indirect.gather [hbm4b:s1+s15], $0x80, s9, s15, $0xb8;
	[tilespmem:$0x1D000] =	vst v63  }
0xfb: {  	_ =	swait.ge [sflag:s18], $0x4000  }
0xfc: {  	[sflag:s18] =	ssyncset.done $0x0  }
0xfd: {  	s9 =	rddreg [dreg:$0xd];
	[sflag:s18] =	ssyncadd.s32 $0xFFFFC000  }
0xfe: {  	[spmem:s2] =	stream.indirect.scatter.add.f32 [tilespmem:s16], [sflag:$0x3], $0x80, s9, s15, $0xb8;
	[tilespmem:$0x1D000] =	vst v63  }
0xff: {  	_ =	swait.ge [sflag:s13], $0x4000  }
0x100: {  	[sflag:s13] =	ssyncset.done $0x0  }
0x101: {  	s9 =	rddreg [dreg:$0xe];
	[sflag:s13] =	ssyncadd.s32 $0xFFFFC000  }
0x102: {  	[tilespmem:s16], [sflag:$0x2] =	stream.indirect.gather [hbm4b:s1+s15], $0x80, s9, s15, $0xb8;
	[tilespmem:$0x1D000] =	vst v63  }
0x103: {  	_ =	swait.ge [sflag:s17], $0x4000  }
0x104: {  	[sflag:s17] =	ssyncset.done $0x0  }
0x105: {  	s9 =	rddreg [dreg:$0xf];
	[sflag:s17] =	ssyncadd.s32 $0xFFFFC000  }
0x106: {  	[spmem:s2] =	stream.indirect.scatter.add.f32 [tilespmem:s12], [sflag:$0x3], $0x80, s9, s15, $0xb8;
	[tilespmem:$0x1D000] =	vst v63  }
0x107: {  	_ =	swait.ge [sflag:s13], $0x4000  }
0x108: {  	[sflag:s13] =	ssyncset.done $0x0  }
0x109: {  	s9 =	rddreg [dreg:$0x10];
	[sflag:s13] =	ssyncadd.s32 $0xFFFFC000  }
0x10a: {  	[tilespmem:s12], [sflag:$0x1] =	stream.indirect.gather [hbm4b:s1+s15], $0x80, s9, s15, $0xb8;
	[tilespmem:$0x1D000] =	vst v63  }
0x10b: {  	_ =	swait.ge [sflag:s18], $0x4000  }
0x10c: {  	[sflag:s18] =	ssyncset.done $0x0  }
0x10d: {  	s9 =	rddreg [dreg:$0x11];
	[sflag:s18] =	ssyncadd.s32 $0xFFFFC000  }
0x10e: {  	[spmem:s2] =	stream.indirect.scatter.add.f32 [tilespmem:s16], [sflag:$0x3], $0x80, s9, s15, $0xb8;
	[tilespmem:$0x1D000] =	vst v63  }
0x10f: {  	_ =	swait.ge [sflag:s13], $0x4000  }
0x110: {  	[sflag:s13] =	ssyncset.done $0x0  }
0x111: {  	s9 =	rddreg [dreg:$0x12];
	[sflag:s13] =	ssyncadd.s32 $0xFFFFC000  }
0x112: {  	[tilespmem:s16], [sflag:$0x2] =	stream.indirect.gather [hbm4b:s1+s15], $0x80, s9, s15, $0xb8;
	[tilespmem:$0x1D000] =	vst v63  }
0x113: {  	_ =	swait.ge [sflag:s17], $0x4000  }
0x114: {  	[sflag:s17] =	ssyncset.done $0x0  }
0x115: {  	s9 =	rddreg [dreg:$0x13];
	[sflag:s17] =	ssyncadd.s32 $0xFFFFC000  }
0x116: {  	[spmem:s2] =	stream.indirect.scatter.add.f32 [tilespmem:s12], [sflag:$0x3], $0x80, s9, s15, $0xb8;
	[tilespmem:$0x1D000] =	vst v63  }
0x117: {  	_ =	swait.ge [sflag:s13], $0x4000  }
0x118: {  	[sflag:s13] =	ssyncset.done $0x0  }
0x119: {  	[sflag:s13] =	ssyncadd.s32 $0xFFFFC000  }
0x11a: {  	[tilespmem:s12], [sflag:$0x1] =	stream.indirect.gather [hbm4b:s1+s15], $0x80, s19, s15, $0xb8;
	[tilespmem:$0x1D000] =	vst v63  }
0x11b: {  	_ =	swait.ge [sflag:s18], $0x4000  }
0x11c: {  	[sflag:s18] =	ssyncset.done $0x0  }
0x11d: {  	[sflag:s18] =	ssyncadd.s32 $0xFFFFC000  }
0x11e: {  	[spmem:s2] =	stream.indirect.scatter.add.f32 [tilespmem:s16], [sflag:$0x3], $0x80, s20, s15, $0xb8;
	[tilespmem:$0x1D000] =	vst v63  }
0x11f: {  	_ =	swait.ge [sflag:s13], $0x4000  }
0x120: {  	[sflag:s13] =	ssyncset.done $0x0  }
0x121: {  	[sflag:s13] =	ssyncadd.s32 $0xFFFFC000  }
0x122: {  	[tilespmem:s16], [sflag:$0x2] =	stream.indirect.gather [hbm4b:s1+s15], $0x80, s21, s15, $0xb8;
	[tilespmem:$0x1D000] =	vst v63  }
0x123: {  	_ =	swait.ge [sflag:s17], $0x4000  }
0x124: {  	[sflag:s17] =	ssyncset.done $0x0  }
0x125: {  	[sflag:s17] =	ssyncadd.s32 $0xFFFFC000  }
0x126: {  	[spmem:s2] =	stream.indirect.scatter.add.f32 [tilespmem:s12], [sflag:$0x3], $0x80, s22, s15, $0xb8;
	[tilespmem:$0x1D000] =	vst v63  }
0x127: {  	_ =	swait.ge [sflag:s13], $0x4000  }
0x128: {  	[sflag:s13] =	ssyncset.done $0x0  }
0x129: {  	[sflag:s13] =	ssyncadd.s32 $0xFFFFC000  }
0x12a: {  	[tilespmem:s12], [sflag:$0x1] =	stream.indirect.gather [hbm4b:s1+s15], $0x80, s23, s15, $0xb8;
	[tilespmem:$0x1D000] =	vst v63  }
0x12b: {  	_ =	swait.ge [sflag:s18], $0x4000  }
0x12c: {  	[sflag:s18] =	ssyncset.done $0x0  }
0x12d: {  	[sflag:s18] =	ssyncadd.s32 $0xFFFFC000  }
0x12e: {  	[spmem:s2] =	stream.indirect.scatter.add.f32 [tilespmem:s16], [sflag:$0x3], $0x80, s24, s15, $0xb8;
	[tilespmem:$0x1D000] =	vst v63  }
0x12f: {  	_ =	swait.ge [sflag:s13], $0x4000  }
0x130: {  	[sflag:s13] =	ssyncset.done $0x0  }
0x131: {  	[sflag:s13] =	ssyncadd.s32 $0xFFFFC000  }
0x132: {  	[tilespmem:s16], [sflag:$0x2] =	stream.indirect.gather [hbm4b:s1+s15], $0x80, s25, s15, $0xb8;
	[tilespmem:$0x1D000] =	vst v63  }
0x133: {  	_ =	swait.ge [sflag:s17], $0x4000  }
0x134: {  	[sflag:s17] =	ssyncset.done $0x0  }
0x135: {  	[sflag:s17] =	ssyncadd.s32 $0xFFFFC000  }
0x136: {  	[spmem:s2] =	stream.indirect.scatter.add.f32 [tilespmem:s12], [sflag:$0x3], $0x80, s26, s15, $0xb8;
	[tilespmem:$0x1D000] =	vst v63  }
0x137: {  	_ =	swait.ge [sflag:s13], $0x4000  }
0x138: {  	[sflag:s13] =	ssyncset.done $0x0  }
0x139: {  	[sflag:s13] =	ssyncadd.s32 $0xFFFFC000  }
0x13a: {  	[tilespmem:s12], [sflag:$0x1] =	stream.indirect.gather [hbm4b:s1+s15], $0x80, s28, s15, $0xb8;
	[tilespmem:$0x1D000] =	vst v63  }
0x13b: {  	_ =	swait.ge [sflag:s18], $0x4000  }
0x13c: {  	[sflag:s18] =	ssyncset.done $0x0  }
0x13d: {  	[sflag:s18] =	ssyncadd.s32 $0xFFFFC000  }
0x13e: {  	[spmem:s2] =	stream.indirect.scatter.add.f32 [tilespmem:s16], [sflag:$0x3], $0x80, s29, s15, $0xb8;
	[tilespmem:$0x1D000] =	vst v63  }
0x13f: {  	_ =	swait.ge [sflag:s13], $0x4000  }
0x140: {  	[sflag:s13] =	ssyncset.done $0x0  }
0x141: {  	[sflag:s13] =	ssyncadd.s32 $0xFFFFC000  }
0x142: {  	[tilespmem:s16], [sflag:$0x2] =	stream.indirect.gather [hbm4b:s1+s15], $0x80, s30, s15, $0xb8;
	[tilespmem:$0x1D000] =	vst v63  }
0x143: {  	_ =	swait.ge [sflag:s17], $0x4000  }
0x144: {  	[sflag:s17] =	ssyncset.done $0x0  }
0x145: {  	[sflag:s17] =	ssyncadd.s32 $0xFFFFC000  }
0x146: {  	[spmem:s2] =	stream.indirect.scatter.add.f32 [tilespmem:s12], [sflag:$0x3], $0x80, s31, s15, $0xb8;
	[tilespmem:$0x1D000] =	vst v63  }
0x147: {  	_ =	swait.ge [sflag:s13], $0x4000  }
0x148: {  	[sflag:s13] =	ssyncset.done $0x0  }
0x149: {  	[sflag:s13] =	ssyncadd.s32 $0xFFFFC000  }
0x14a: {  	[tilespmem:s12], [sflag:$0x1] =	stream.indirect.gather [hbm4b:s1+s15], $0x80, s0, s15, $0xb8;
	[tilespmem:$0x1D000] =	vst v63  }
0x14b: {  	_ =	swait.ge [sflag:s18], $0x4000  }
0x14c: {  	[sflag:s18] =	ssyncset.done $0x0  }
0x14d: {  	[sflag:s18] =	ssyncadd.s32 $0xFFFFC000  }
0x14e: {  	[spmem:s2] =	stream.indirect.scatter.add.f32 [tilespmem:s16], [sflag:$0x3], $0x80, s3, s15, $0xb8;
	[tilespmem:$0x1D000] =	vst v63  }
0x14f: {  	_ =	swait.ge [sflag:s13], $0x4000  }
0x150: {  	[sflag:s13] =	ssyncset.done $0x0  }
0x151: {  	[sflag:s13] =	ssyncadd.s32 $0xFFFFC000  }
0x152: {  	[tilespmem:s16], [sflag:$0x2] =	stream.indirect.gather [hbm4b:s1+s15], $0x80, s6, s15, $0xb8;
	[tilespmem:$0x1D000] =	vst v63  }
0x153: {  	_ =	swait.ge [sflag:s17], $0x4000  }
0x154: {  	[sflag:s17] =	ssyncset.done $0x0  }
0x155: {  	[sflag:s17] =	ssyncadd.s32 $0xFFFFC000  }
0x156: {  	[spmem:s2] =	stream.indirect.scatter.add.f32 [tilespmem:s12], [sflag:$0x3], $0x80, s7, s15, $0xb8;
	[tilespmem:$0x1D000] =	vst v63  }
0x157: {  	_ =	swait.ge [sflag:s13], $0x4000  }
0x158: {  	[sflag:s13] =	ssyncset.done $0x0  }
0x159: {  	[sflag:s13] =	ssyncadd.s32 $0xFFFFC000  }
0x15a: {  	[tilespmem:s12], [sflag:$0x1] =	stream.indirect.gather [hbm4b:s1+s15], $0x80, s6, s15, $0xb8;
	[tilespmem:$0x1D000] =	vst v63  }
0x15b: {  	_ =	swait.ge [sflag:s18], $0x4000  }
0x15c: {  	[sflag:s18] =	ssyncset.done $0x0  }
0x15d: {  	p0 =	sne.s32 s11, $0x400;
	[sflag:s18] =	ssyncadd.s32 $0xFFFFC000  }
0x15e: {  	[spmem:s2] =	stream.indirect.scatter.add.f32 [tilespmem:s16], [sflag:$0x3], $0x80, s8, s15, $0xb8;
	[tilespmem:$0x1D000] =	vst v63  }
.Ltmp1:
0x15f: {  	_ =	swait.ge [sflag:s13], $0x4000;
	(pc) =	sbr.rel @p0 .LBB2_4-.Ltmp1, $4  }
0x160: {  	[sflag:s13] =	ssyncset.done $0x0  }
0x161: {  	[sflag:s13] =	ssyncadd.s32 $0xFFFFC000  }
0x162: {  	_ =	swait.ge [sflag:s17], $0x4000  }
0x163: {  	s11 =	sadd.s32 $0x100, s11;
	s5 =	rddreg [dreg:$0x6];
	[sflag:s17] =	ssyncset.done $0x0  }
0x164: {  	[sflag:s17] =	ssyncadd.s32 $0xFFFFC000;
	s5 =	sadd.s32 s10, s5  }
0x165: {  	[tilespmem:s4], [sflag:$0x3] =	stream.linear.gather [hbm4b:s5+s4], $0x800, $0x38;
	[tilespmem:$0x1D000] =	vst v63  }
0x166: {  	_ =	swait.ge [sflag:s13], $0x800  }
0x167: {  	s9 =	rddreg [dreg:$0x7];
	[sflag:s13] =	ssyncset.done $0x0  }
0x168: {  	[sflag:s13] =	ssyncadd.s32 $0xFFFFF800;
	s5 =	sadd.s32 s10, s9  }
0x169: {  	[tilespmem:s14], [sflag:$0x3] =	stream.linear.gather [hbm4b:s5+s4], $0x800, $0x38;
	[tilespmem:$0x1D000] =	vst v63  }
0x16a: {  	_ =	swait.ge [sflag:s13], $0x800  }
0x16b: {  	[sflag:s13] =	ssyncset.done $0x0  }
0x16c: {  	[sflag:s13] =	ssyncadd.s32 $0xFFFFF800  }
0x16d: {  	[tilespmem:s12], [sflag:$0x1] =	stream.indirect.gather [hbm4b:s1+s15], $0x80, s4, s15, $0xb8;
	[tilespmem:$0x1D000] =	vst v63  }
0x16e: {  	_ = 	snop  }
0x16f: {  	[tilespmem:s16], [sflag:$0x2] =	stream.indirect.gather [hbm4b:s1+s15], $0x80, s15, s15, $0xb8;
	[tilespmem:$0x1D000] =	vst v63  }
0x170: {  	_ =	swait.ge [sflag:s17], $0x4000  }
0x171: {  	[sflag:s17] =	ssyncset.done $0x0  }
0x172: {  	[sflag:s17] =	ssyncadd.s32 $0xFFFFC000  }
0x173: {  	[spmem:s2] =	stream.indirect.scatter.add.f32 [tilespmem:s12], [sflag:$0x3], $0x80, s14, s15, $0xb8;
	[tilespmem:$0x1D000] =	vst v63  }
0x174: {  	_ =	swait.ge [sflag:s13], $0x4000  }
0x175: {  	[sflag:s13] =	ssyncset.done $0x0  }
0x176: {  	s10 =	rddreg [dreg:$0x8];
	[sflag:s13] =	ssyncadd.s32 $0xFFFFC000  }
0x177: {  	[tilespmem:s12], [sflag:$0x1] =	stream.indirect.gather [hbm4b:s1+s15], $0x80, s10, s15, $0xb8;
	[tilespmem:$0x1D000] =	vst v63  }
0x178: {  	_ =	swait.ge [sflag:s18], $0x4000  }
0x179: {  	[sflag:s18] =	ssyncset.done $0x0  }
0x17a: {  	s11 =	rddreg [dreg:$0x9];
	[sflag:s18] =	ssyncadd.s32 $0xFFFFC000  }
0x17b: {  	[spmem:s2] =	stream.indirect.scatter.add.f32 [tilespmem:s16], [sflag:$0x3], $0x80, s11, s15, $0xb8;
	[tilespmem:$0x1D000] =	vst v63  }
0x17c: {  	_ =	swait.ge [sflag:s13], $0x4000  }
0x17d: {  	[sflag:s13] =	ssyncset.done $0x0  }
0x17e: {  	s9 =	rddreg [dreg:$0xa];
	[sflag:s13] =	ssyncadd.s32 $0xFFFFC000  }
0x17f: {  	[tilespmem:s16], [sflag:$0x2] =	stream.indirect.gather [hbm4b:s1+s15], $0x80, s9, s15, $0xb8;
	[tilespmem:$0x1D000] =	vst v63  }
0x180: {  	_ =	swait.ge [sflag:s17], $0x4000  }
0x181: {  	[sflag:s17] =	ssyncset.done $0x0  }
0x182: {  	s10 =	rddreg [dreg:$0xb];
	[sflag:s17] =	ssyncadd.s32 $0xFFFFC000  }
0x183: {  	[spmem:s2] =	stream.indirect.scatter.add.f32 [tilespmem:s12], [sflag:$0x3], $0x80, s10, s15, $0xb8;
	[tilespmem:$0x1D000] =	vst v63  }
0x184: {  	_ =	swait.ge [sflag:s13], $0x4000  }
0x185: {  	[sflag:s13] =	ssyncset.done $0x0  }
0x186: {  	s11 =	rddreg [dreg:$0xc];
	[sflag:s13] =	ssyncadd.s32 $0xFFFFC000  }
0x187: {  	[tilespmem:s12], [sflag:$0x1] =	stream.indirect.gather [hbm4b:s1+s15], $0x80, s11, s15, $0xb8;
	[tilespmem:$0x1D000] =	vst v63  }
0x188: {  	_ =	swait.ge [sflag:s18], $0x4000  }
0x189: {  	[sflag:s18] =	ssyncset.done $0x0  }
0x18a: {  	s9 =	rddreg [dreg:$0xd];
	[sflag:s18] =	ssyncadd.s32 $0xFFFFC000  }
0x18b: {  	[spmem:s2] =	stream.indirect.scatter.add.f32 [tilespmem:s16], [sflag:$0x3], $0x80, s9, s15, $0xb8;
	[tilespmem:$0x1D000] =	vst v63  }
0x18c: {  	_ =	swait.ge [sflag:s13], $0x4000  }
0x18d: {  	[sflag:s13] =	ssyncset.done $0x0  }
0x18e: {  	s10 =	rddreg [dreg:$0xe];
	[sflag:s13] =	ssyncadd.s32 $0xFFFFC000  }
0x18f: {  	[tilespmem:s16], [sflag:$0x2] =	stream.indirect.gather [hbm4b:s1+s15], $0x80, s10, s15, $0xb8;
	[tilespmem:$0x1D000] =	vst v63  }
0x190: {  	_ =	swait.ge [sflag:s17], $0x4000  }
0x191: {  	[sflag:s17] =	ssyncset.done $0x0  }
0x192: {  	s11 =	rddreg [dreg:$0xf];
	[sflag:s17] =	ssyncadd.s32 $0xFFFFC000  }
0x193: {  	[spmem:s2] =	stream.indirect.scatter.add.f32 [tilespmem:s12], [sflag:$0x3], $0x80, s11, s15, $0xb8;
	[tilespmem:$0x1D000] =	vst v63  }
0x194: {  	_ =	swait.ge [sflag:s13], $0x4000  }
0x195: {  	[sflag:s13] =	ssyncset.done $0x0  }
0x196: {  	s9 =	rddreg [dreg:$0x10];
	[sflag:s13] =	ssyncadd.s32 $0xFFFFC000  }
0x197: {  	[tilespmem:s12], [sflag:$0x1] =	stream.indirect.gather [hbm4b:s1+s15], $0x80, s9, s15, $0xb8;
	[tilespmem:$0x1D000] =	vst v63  }
0x198: {  	_ =	swait.ge [sflag:s18], $0x4000  }
0x199: {  	[sflag:s18] =	ssyncset.done $0x0  }
0x19a: {  	s10 =	rddreg [dreg:$0x11];
	[sflag:s18] =	ssyncadd.s32 $0xFFFFC000  }
0x19b: {  	[spmem:s2] =	stream.indirect.scatter.add.f32 [tilespmem:s16], [sflag:$0x3], $0x80, s10, s15, $0xb8;
	[tilespmem:$0x1D000] =	vst v63  }
0x19c: {  	_ =	swait.ge [sflag:s13], $0x4000  }
0x19d: {  	[sflag:s13] =	ssyncset.done $0x0  }
0x19e: {  	s11 =	rddreg [dreg:$0x12];
	[sflag:s13] =	ssyncadd.s32 $0xFFFFC000  }
0x19f: {  	[tilespmem:s16], [sflag:$0x2] =	stream.indirect.gather [hbm4b:s1+s15], $0x80, s11, s15, $0xb8;
	[tilespmem:$0x1D000] =	vst v63  }
0x1a0: {  	_ =	swait.ge [sflag:s17], $0x4000  }
0x1a1: {  	[sflag:s17] =	ssyncset.done $0x0  }
0x1a2: {  	s9 =	rddreg [dreg:$0x13];
	[sflag:s17] =	ssyncadd.s32 $0xFFFFC000  }
0x1a3: {  	[spmem:s2] =	stream.indirect.scatter.add.f32 [tilespmem:s12], [sflag:$0x3], $0x80, s9, s15, $0xb8;
	[tilespmem:$0x1D000] =	vst v63  }
0x1a4: {  	_ =	swait.ge [sflag:s13], $0x4000  }
0x1a5: {  	[sflag:s13] =	ssyncset.done $0x0  }
0x1a6: {  	[sflag:s13] =	ssyncadd.s32 $0xFFFFC000  }
0x1a7: {  	[tilespmem:s12], [sflag:$0x1] =	stream.indirect.gather [hbm4b:s1+s15], $0x80, s19, s15, $0xb8;
	[tilespmem:$0x1D000] =	vst v63  }
0x1a8: {  	_ =	swait.ge [sflag:s18], $0x4000  }
0x1a9: {  	[sflag:s18] =	ssyncset.done $0x0  }
0x1aa: {  	[sflag:s18] =	ssyncadd.s32 $0xFFFFC000  }
0x1ab: {  	[spmem:s2] =	stream.indirect.scatter.add.f32 [tilespmem:s16], [sflag:$0x3], $0x80, s20, s15, $0xb8;
	[tilespmem:$0x1D000] =	vst v63  }
0x1ac: {  	_ =	swait.ge [sflag:s13], $0x4000  }
0x1ad: {  	[sflag:s13] =	ssyncset.done $0x0  }
0x1ae: {  	[sflag:s13] =	ssyncadd.s32 $0xFFFFC000  }
0x1af: {  	[tilespmem:s16], [sflag:$0x2] =	stream.indirect.gather [hbm4b:s1+s15], $0x80, s21, s15, $0xb8;
	[tilespmem:$0x1D000] =	vst v63  }
0x1b0: {  	_ =	swait.ge [sflag:s17], $0x4000  }
0x1b1: {  	[sflag:s17] =	ssyncset.done $0x0  }
0x1b2: {  	[sflag:s17] =	ssyncadd.s32 $0xFFFFC000  }
0x1b3: {  	[spmem:s2] =	stream.indirect.scatter.add.f32 [tilespmem:s12], [sflag:$0x3], $0x80, s22, s15, $0xb8;
	[tilespmem:$0x1D000] =	vst v63  }
0x1b4: {  	_ =	swait.ge [sflag:s13], $0x4000  }
0x1b5: {  	[sflag:s13] =	ssyncset.done $0x0  }
0x1b6: {  	[sflag:s13] =	ssyncadd.s32 $0xFFFFC000  }
0x1b7: {  	[tilespmem:s12], [sflag:$0x1] =	stream.indirect.gather [hbm4b:s1+s15], $0x80, s23, s15, $0xb8;
	[tilespmem:$0x1D000] =	vst v63  }
0x1b8: {  	_ =	swait.ge [sflag:s18], $0x4000  }
0x1b9: {  	[sflag:s18] =	ssyncset.done $0x0  }
0x1ba: {  	[sflag:s18] =	ssyncadd.s32 $0xFFFFC000  }
0x1bb: {  	[spmem:s2] =	stream.indirect.scatter.add.f32 [tilespmem:s16], [sflag:$0x3], $0x80, s24, s15, $0xb8;
	[tilespmem:$0x1D000] =	vst v63  }
0x1bc: {  	_ =	swait.ge [sflag:s13], $0x4000  }
0x1bd: {  	[sflag:s13] =	ssyncset.done $0x0  }
0x1be: {  	[sflag:s13] =	ssyncadd.s32 $0xFFFFC000  }
0x1bf: {  	[tilespmem:s16], [sflag:$0x2] =	stream.indirect.gather [hbm4b:s1+s15], $0x80, s25, s15, $0xb8;
	[tilespmem:$0x1D000] =	vst v63  }
0x1c0: {  	_ =	swait.ge [sflag:s17], $0x4000  }
0x1c1: {  	[sflag:s17] =	ssyncset.done $0x0  }
0x1c2: {  	[sflag:s17] =	ssyncadd.s32 $0xFFFFC000  }
0x1c3: {  	[spmem:s2] =	stream.indirect.scatter.add.f32 [tilespmem:s12], [sflag:$0x3], $0x80, s26, s15, $0xb8;
	[tilespmem:$0x1D000] =	vst v63  }
0x1c4: {  	_ =	swait.ge [sflag:s13], $0x4000  }
0x1c5: {  	[sflag:s13] =	ssyncset.done $0x0  }
0x1c6: {  	[sflag:s13] =	ssyncadd.s32 $0xFFFFC000  }
0x1c7: {  	[tilespmem:s12], [sflag:$0x1] =	stream.indirect.gather [hbm4b:s1+s15], $0x80, s28, s15, $0xb8;
	[tilespmem:$0x1D000] =	vst v63  }
0x1c8: {  	_ =	swait.ge [sflag:s18], $0x4000  }
0x1c9: {  	[sflag:s18] =	ssyncset.done $0x0  }
0x1ca: {  	[sflag:s18] =	ssyncadd.s32 $0xFFFFC000  }
0x1cb: {  	[spmem:s2] =	stream.indirect.scatter.add.f32 [tilespmem:s16], [sflag:$0x3], $0x80, s29, s15, $0xb8;
	[tilespmem:$0x1D000] =	vst v63  }
0x1cc: {  	_ =	swait.ge [sflag:s13], $0x4000  }
0x1cd: {  	[sflag:s13] =	ssyncset.done $0x0  }
0x1ce: {  	[sflag:s13] =	ssyncadd.s32 $0xFFFFC000  }
0x1cf: {  	[tilespmem:s16], [sflag:$0x2] =	stream.indirect.gather [hbm4b:s1+s15], $0x80, s30, s15, $0xb8;
	[tilespmem:$0x1D000] =	vst v63  }
0x1d0: {  	_ =	swait.ge [sflag:s17], $0x4000  }
0x1d1: {  	[sflag:s17] =	ssyncset.done $0x0  }
0x1d2: {  	[sflag:s17] =	ssyncadd.s32 $0xFFFFC000  }
0x1d3: {  	[spmem:s2] =	stream.indirect.scatter.add.f32 [tilespmem:s12], [sflag:$0x3], $0x80, s31, s15, $0xb8;
	[tilespmem:$0x1D000] =	vst v63  }
0x1d4: {  	_ =	swait.ge [sflag:s13], $0x4000  }
0x1d5: {  	[sflag:s13] =	ssyncset.done $0x0  }
0x1d6: {  	[sflag:s13] =	ssyncadd.s32 $0xFFFFC000  }
0x1d7: {  	[tilespmem:s12], [sflag:$0x1] =	stream.indirect.gather [hbm4b:s1+s15], $0x80, s0, s15, $0xb8;
	[tilespmem:$0x1D000] =	vst v63  }
0x1d8: {  	_ =	swait.ge [sflag:s18], $0x4000  }
0x1d9: {  	[sflag:s18] =	ssyncset.done $0x0  }
0x1da: {  	[sflag:s18] =	ssyncadd.s32 $0xFFFFC000  }
0x1db: {  	[spmem:s2] =	stream.indirect.scatter.add.f32 [tilespmem:s16], [sflag:$0x3], $0x80, s3, s15, $0xb8;
	[tilespmem:$0x1D000] =	vst v63  }
0x1dc: {  	_ =	swait.ge [sflag:s13], $0x4000  }
0x1dd: {  	[sflag:s13] =	ssyncset.done $0x0  }
0x1de: {  	[sflag:s13] =	ssyncadd.s32 $0xFFFFC000  }
0x1df: {  	[tilespmem:s16], [sflag:$0x2] =	stream.indirect.gather [hbm4b:s1+s15], $0x80, s6, s15, $0xb8;
	[tilespmem:$0x1D000] =	vst v63  }
0x1e0: {  	_ =	swait.ge [sflag:s17], $0x4000  }
0x1e1: {  	[sflag:s17] =	ssyncset.done $0x0  }
0x1e2: {  	[sflag:s17] =	ssyncadd.s32 $0xFFFFC000  }
0x1e3: {  	[spmem:s2] =	stream.indirect.scatter.add.f32 [tilespmem:s12], [sflag:$0x3], $0x80, s7, s15, $0xb8;
	[tilespmem:$0x1D000] =	vst v63  }
0x1e4: {  	_ =	swait.ge [sflag:s13], $0x4000  }
0x1e5: {  	[sflag:s13] =	ssyncset.done $0x0  }
0x1e6: {  	[sflag:s13] =	ssyncadd.s32 $0xFFFFC000  }
0x1e7: {  	[tilespmem:s12], [sflag:$0x1] =	stream.indirect.gather [hbm4b:s1+s15], $0x80, s6, s15, $0xb8;
	[tilespmem:$0x1D000] =	vst v63  }
0x1e8: {  	_ =	swait.ge [sflag:s18], $0x4000  }
0x1e9: {  	[sflag:s18] =	ssyncset.done $0x0  }
0x1ea: {  	[sflag:s18] =	ssyncadd.s32 $0xFFFFC000  }
0x1eb: {  	[spmem:s2] =	stream.indirect.scatter.add.f32 [tilespmem:s16], [sflag:$0x3], $0x80, s8, s15, $0xb8;
	[tilespmem:$0x1D000] =	vst v63  }
0x1ec: {  	_ =	swait.ge [sflag:s13], $0x4000  }
0x1ed: {  	[sflag:s13] =	ssyncset.done $0x0  }
0x1ee: {  	[sflag:s13] =	ssyncadd.s32 $0xFFFFC000  }
0x1ef: {  	_ =	swait.ge [sflag:s17], $0x4000  }
0x1f0: {  	[sflag:s17] =	ssyncset.done $0x0  }
0x1f1: {  	[sflag:s17] =	ssyncadd.s32 $0xFFFFC000  }
0x1f2: {  	s10 =	stileid.u32;
	[bflag:$0x0] =	sbarrier.arrive $0xFFFF  }
0x1f3: {  	s5 =	sshll.u32 s10, $0x6;
	s9 =	rddreg [dreg:$0x14]  }
0x1f4: {  	s5 =	sor.u32 $0x1C03, s5;
	s11 =	rddreg [dreg:$0x19];
	s9 =	sshrl.u32 s9, $0x3  }
0x1f5: {  	[hbm:s11], [sflag:s5] =	dma.local [spmem:s9], $0x2800  }
0x1f6: {  	_ =	swait.ge [sflag:s13], $0x2800  }
0x1f7: {  	s10 =	rddreg [dreg:$0x1b]  }
0x1f8: {  	s11 =	rddreg [dreg:$0x1a];
	s9 =	sadd.s32 $0x1, s10  }
0x1f9: {  	p0 =	sne.s32 s9, s11  }
.Ltmp2:
0x1fa: {  	_ = 	snop;
	(pc) =	sbr.rel @p0 .LBB2_1-.Ltmp2, $3  }
0x1fb: {  	_ =	sdelay $0x1  }
0x1fc: {  	[sflag:s13] =	ssyncset.done $0x0  }
0x1fd: {  	[sflag:s13] =	ssyncadd.s32 $0xFFFFD800  }
0x1fe: {  	_ =	sfence.sel $0x180000  }
0x1ff: {  	[bflag:$0x0] =	sbarrier.arrive $0xFFFF  }
0x200: {  	_ =	strace $0x9000004A  }
0x201: {  	s0 =	stileid.u32;
	[bflag:$0x2] =	sbarrier.arrive $0xFFFF  }
0x202: {  	p0 =	sne.s32 s0, $0x0;
	s0 =	rddreg [dreg:$0x5]  }
0x203: {  	s0 =	sadd.s32 @!p0 $0x100000, s0  }
0x204: {  	[sflag:s0] =	ssyncadd.tile.s32 @!p0 $0x1;
	_ =	shalt  }
.Lfunc_end2:
_tile_overlayer_lowered:
.L_overlay_start_2:
0x205: {  	(tag) =	ssettag $0x2  }
0x206: {  	s0 =	rddreg [dreg:$0x0];
	s2 =	stileid.u32  }
0x207: {  	s1 =	rddreg [dreg:$0x1];
	p0 =	sne.s32 s2, $0x0  }
0x208: {  	s3 =	rddreg [dreg:$0x2];
	[bflag:$0x3] =	sbarrier.arrive $0xFFFF;
	s2 =	simm.s32 @!p0 $0x1C03  }
0x209: {  	[timem:s3], [sflag:s2] =	dma.local @!p0 [hbm:s0], s1  }
0x20a: {  	s0 =	simm.s32 @!p0 $0x3  }
0x20b: {  	_ =	swait.ge @!p0 [sflag:s0], s1  }
0x20c: {  	s1 =	ssub.s32 @!p0 $0x0, s1;
	[sflag:s0] =	ssyncset.done @!p0 $0x0  }
0x20d: {  	[sflag:s0] =	ssyncadd.s32 @!p0 s1  }
0x20e: {  	[bflag:$0x3] =	sbarrier.arrive $0xFFFF  }
0x20f: {  	_ =	shalt  }

</sc_bundles>
